<compile_context>
chip_gen: v7x
topology: tpu7x:2x2x1
jax: 0.10.2.dev20260603
libtpu: 0.0.44.dev20260713+nightly
codegen_flags: <defaults>
</compile_context>

<pallas_src>
import functools

import jax
import jax.numpy as jnp
from jax import lax
from jax.experimental import pallas as pl
from jax.experimental.pallas import tpu as pltpu
from jax.experimental.pallas import tpu_sc as plsc

B, N, F_IN, K_NBR, HID = 8, 2048, 64, 64, 128
S = 512
R2 = 0.2 * 0.2
TBL_W = 80
INF = float("inf")


def _pre_body(t_ref, w_ref, b_ref, u_ref):
    u_ref[...] = (
        jnp.dot(t_ref[...], w_ref[...], preferred_element_type=jnp.float32)
        + b_ref[...]
    )


def _run_pre(table, w1pad, b1):
    return pl.pallas_call(
        _pre_body,
        grid=(B,),
        in_specs=[
            pl.BlockSpec((N, TBL_W), lambda i: (i, 0)),
            pl.BlockSpec((TBL_W, HID), lambda i: (0, 0)),
            pl.BlockSpec((1, HID), lambda i: (0, 0)),
        ],
        out_specs=pl.BlockSpec((N, HID), lambda i: (i, 0)),
        out_shape=jax.ShapeDtypeStruct((B * N, HID), jnp.float32),
    )(table, w1pad, b1)


def _fps_body(posT_ref, centers_ref):
    px = posT_ref[0]
    py = posT_ref[1]
    pz = posT_ref[2]
    c0x = px[:, 0]
    c0y = py[:, 0]
    c0z = pz[:, 0]
    centers_ref[0:1] = jnp.stack([c0x, c0y, c0z], axis=0)[None]
    mind0 = (
        (px - c0x[:, None]) ** 2
        + (py - c0y[:, None]) ** 2
        + (pz - c0z[:, None]) ** 2
    )

    lane = lax.broadcasted_iota(jnp.int32, (B, N), 1)

    def body(i, mind):
        nxt = jnp.argmax(mind, axis=1).astype(jnp.int32)
        oh = lane == nxt[:, None]
        cx = jnp.sum(jnp.where(oh, px, 0.0), axis=1)
        cy = jnp.sum(jnp.where(oh, py, 0.0), axis=1)
        cz = jnp.sum(jnp.where(oh, pz, 0.0), axis=1)
        centers_ref[pl.ds(i, 1)] = jnp.stack([cx, cy, cz], axis=0)[None]
        d = (px - cx[:, None]) ** 2 + (py - cy[:, None]) ** 2 + (pz - cz[:, None]) ** 2
        return jnp.minimum(mind, d)

    lax.fori_loop(1, S, body, mind0)


def _run_fps(posT):
    return pl.pallas_call(
        _fps_body,
        out_shape=jax.ShapeDtypeStruct((S, 3, B), jnp.float32),
    )(posT)


BS2 = 128
R2BITS = 1025758986
CH = 128
NCH = N // CH


def _cumsum_lanes(v):
    r = lax.broadcasted_iota(jnp.int32, (CH, CH), 0)
    c = lax.broadcasted_iota(jnp.int32, (CH, CH), 1)
    tri = (r <= c).astype(jnp.float32)
    cs = jnp.dot(
        v.reshape(BS2 * NCH, CH), tri, preferred_element_type=jnp.float32
    ).reshape(BS2, NCH, CH)
    tot = cs[:, :, CH - 1]
    r16 = lax.broadcasted_iota(jnp.int32, (NCH, NCH), 0)
    c16 = lax.broadcasted_iota(jnp.int32, (NCH, NCH), 1)
    tri16 = (r16 < c16).astype(jnp.float32)
    off = jnp.dot(tot, tri16, preferred_element_type=jnp.float32)
    return (cs + off[:, :, None]).reshape(BS2, N)


def _ballq_body(boff, posT_ref, centers_ref, nbr_ref):
    b = pl.program_id(0) + boff
    pb = posT_ref[0]
    cb = centers_ref[0]
    d2 = (
        (cb[0][:, None] - pb[0][None, :]) ** 2
        + (cb[1][:, None] - pb[1][None, :]) ** 2
        + (cb[2][:, None] - pb[2][None, :]) ** 2
    )
    dd = jnp.where(d2 <= R2, d2, INF)
    ibits = lax.bitcast_convert_type(dd, jnp.int32)
    base = b * N
    lane = lax.broadcasted_iota(jnp.int32, (BS2, N), 1)
    lanef = lane.astype(jnp.float32)

    def sbody(i, carry):
        lo, hi = carry
        mid = (lo + hi) // 2
        cnt = jnp.sum((ibits <= mid[:, None]).astype(jnp.float32), axis=1)
        ge = cnt >= K_NBR
        return jnp.where(ge, lo, mid + 1), jnp.where(ge, mid, hi)

    _, tbits = lax.fori_loop(
        0,
        31,
        sbody,
        (jnp.zeros((BS2,), jnp.int32), jnp.full((BS2,), R2BITS, jnp.int32)),
    )

    lt = ibits < tbits[:, None]
    ties = ibits == tbits[:, None]
    c_lt = jnp.sum(lt.astype(jnp.float32), axis=1)
    tie_rank = _cumsum_lanes(ties.astype(jnp.float32))
    sel = lt | (ties & (tie_rank <= (K_NBR - c_lt)[:, None]))
    self_f = sel.astype(jnp.float32)
    p = _cumsum_lanes(self_f)
    pp = jnp.where(sel, p, 0.0)
    cnt_sel = jnp.sum(self_f, axis=1)

    val0 = jnp.sum(jnp.where(pp == 1.0, lanef, 0.0), axis=1)
    nbr_ref[:, 0:1] = (val0.astype(jnp.int32) + base)[None, None, None, :]

    def body(k, v0):
        kf = k.astype(jnp.float32) * 2.0
        w = jnp.where(pp == kf + 1.0, lanef, 0.0) + jnp.where(
            pp == kf + 2.0, lanef * 4096.0, 0.0
        )
        v = jnp.sum(w, axis=1)
        hivals = jnp.floor(v * (1.0 / 4096.0))
        lovals = v - hivals * 4096.0
        col0 = jnp.where(kf < cnt_sel, lovals, v0)
        col1 = jnp.where(kf + 1.0 < cnt_sel, hivals, v0)
        nbr_ref[:, pl.ds(2 * k, 1)] = (col0.astype(jnp.int32) + base)[
            None, None, None, :
        ]
        nbr_ref[:, pl.ds(2 * k + 1, 1)] = (col1.astype(jnp.int32) + base)[
            None, None, None, :
        ]
        return v0

    lax.fori_loop(0, K_NBR // 2, body, val0)


def _run_ballq(posT3, centers3, boff):
    nblk = S // BS2
    bh = posT3.shape[0]
    return pl.pallas_call(
        functools.partial(_ballq_body, boff),
        grid=(bh, nblk),
        in_specs=[
            pl.BlockSpec((1, 3, N), lambda b, s: (b, 0, 0)),
            pl.BlockSpec((1, 3, BS2), lambda b, s: (b, 0, s)),
        ],
        out_specs=pl.BlockSpec(
            (1, K_NBR, 1, BS2), lambda b, s: (b * nblk + s, 0, 0, 0)
        ),
        out_shape=jax.ShapeDtypeStruct((bh * nblk, K_NBR, 1, BS2), jnp.int32),
    )(posT3, centers3)


_NC, _NS = 2, 16
NW = _NC * _NS
CHUNK = 256


def _sc_gather_body(
    rows_per_w, table_hbm, idx_hbm, out_hbm, idx_v, rows_a, rows_b, sem_g, wb_a, wb_b
):
    wid = lax.axis_index("s") * _NC + lax.axis_index("c")
    base = wid * rows_per_w
    pltpu.sync_copy(idx_hbm.at[pl.ds(base, rows_per_w)], idx_v)

    def pair(i, _):
        c0 = 2 * i * CHUNK
        c1 = c0 + CHUNK

        @pl.when(i > 0)
        def _():
            pltpu.make_async_copy(rows_a, out_hbm.at[pl.ds(base, CHUNK)], wb_a).wait()

        pltpu.async_copy(
            table_hbm.at[idx_v.at[pl.ds(c0, CHUNK)]], rows_a, sem_g
        ).wait()
        pltpu.async_copy(rows_a, out_hbm.at[pl.ds(base + c0, CHUNK)], wb_a)

        @pl.when(i > 0)
        def _():
            pltpu.make_async_copy(rows_b, out_hbm.at[pl.ds(base, CHUNK)], wb_b).wait()

        pltpu.async_copy(
            table_hbm.at[idx_v.at[pl.ds(c1, CHUNK)]], rows_b, sem_g
        ).wait()
        pltpu.async_copy(rows_b, out_hbm.at[pl.ds(base + c1, CHUNK)], wb_b)
        return 0

    lax.fori_loop(0, rows_per_w // (2 * CHUNK), pair, 0)
    pltpu.make_async_copy(rows_a, out_hbm.at[pl.ds(base, CHUNK)], wb_a).wait()
    pltpu.make_async_copy(rows_b, out_hbm.at[pl.ds(base, CHUNK)], wb_b).wait()


def _run_sc_gather(table, idx_flat):
    rows_per_w = idx_flat.shape[0] // NW
    mesh = plsc.VectorSubcoreMesh(core_axis_name="c", subcore_axis_name="s")
    f = functools.partial(
        pl.kernel,
        mesh=mesh,
        out_type=jax.ShapeDtypeStruct((idx_flat.shape[0], HID), jnp.float32),
        scratch_types=[
            pltpu.VMEM((rows_per_w,), jnp.int32),
            pltpu.VMEM((CHUNK, HID), jnp.float32),
            pltpu.VMEM((CHUNK, HID), jnp.float32),
            pltpu.SemaphoreType.DMA,
            pltpu.SemaphoreType.DMA,
            pltpu.SemaphoreType.DMA,
        ],
    )(functools.partial(_sc_gather_body, rows_per_w))
    return f(table, idx_flat)


BSC = 128
ROWS4 = BSC * K_NBR


def _mlp_body(g_ref, wp_ref, w2_ref, b2_ref, cT_ref, out_ref):
    cb = cT_ref[...]
    v = lax.dot_general(
        cb, wp_ref[...], (((0,), (0,)), ((), ())),
        preferred_element_type=jnp.float32,
    )
    h1 = g_ref[...].reshape(BSC, K_NBR, HID) - v[:, None, :]
    h1 = jnp.maximum(h1, 0.0).reshape(ROWS4, HID)
    h2 = jnp.dot(h1, w2_ref[...], preferred_element_type=jnp.float32)
    h2 = jnp.maximum(h2 + b2_ref[...], 0.0)
    out_ref[...] = jnp.max(h2.reshape(BSC, K_NBR, HID), axis=1)


def _run_mlp(g, wpos, w2, b2, centersT):
    nprog = centersT.shape[1] // BSC
    return pl.pallas_call(
        _mlp_body,
        grid=(nprog,),
        in_specs=[
            pl.BlockSpec((ROWS4, HID), lambda i: (i, 0)),
            pl.BlockSpec((3, HID), lambda i: (0, 0)),
            pl.BlockSpec((HID, HID), lambda i: (0, 0)),
            pl.BlockSpec((1, HID), lambda i: (0, 0)),
            pl.BlockSpec((3, BSC), lambda i: (0, i)),
        ],
        out_specs=pl.BlockSpec((BSC, HID), lambda i: (i, 0)),
        out_shape=jax.ShapeDtypeStruct((centersT.shape[1], HID), jnp.float32),
    )(g, wpos, w2, b2, centersT)


NHALF = 4
BH = B // NHALF


def kernel(x, pos, batch, W1, b1, W2, b2):
    pb = pos.reshape(B, N, 3)
    posT = pb.transpose(2, 0, 1)

    centers_sb = _run_fps(posT)

    table = jnp.concatenate(
        [x, pos, jnp.zeros((B * N, TBL_W - F_IN - 3), jnp.float32)], axis=1
    )
    w1pad = jnp.concatenate([W1, jnp.zeros((TBL_W - F_IN - 3, HID), W1.dtype)], 0)
    u = _run_pre(table, w1pad, b1.reshape(1, HID))

    wpos = W1[F_IN : F_IN + 3]
    posTb = posT.transpose(1, 0, 2)
    centersT_b = centers_sb.transpose(2, 1, 0)
    xs = []
    for h in range(NHALF):
        lo = h * BH
        nbr = _run_ballq(
            posTb[lo : lo + BH], centersT_b[lo : lo + BH], lo
        )
        idx_flat = (
            nbr.reshape(BH * (S // BS2), K_NBR, BS2).transpose(0, 2, 1).reshape(-1)
        )
        g = _run_sc_gather(u, idx_flat)
        centersT = centers_sb[:, :, lo : lo + BH].transpose(1, 2, 0).reshape(3, BH * S)
        xs.append(_run_mlp(g, wpos, W2, b2.reshape(1, HID), centersT))

    x_new = jnp.concatenate(xs, axis=0)
    pos_new = centers_sb.transpose(2, 0, 1).reshape(B * S, 3)
    batch_new = jnp.repeat(jnp.arange(B, dtype=batch.dtype), S)
    return x_new, pos_new, batch_new

# --- scband reference (transcript-rebuilt; emitter-appended) ---
"""Pipeline reference for scband-samodule-32169305047370 (READ-ONLY COPY).

The authoritative reference and input builder live on the scoring server;
editing this copy changes nothing except your own understanding.
"""

import jax, jax.numpy as jnp
import numpy as np

B, N_PER, F_IN, K_NBR, HID = 8, 2048, 64, 64, 128
RATIO, R = 0.25, 0.2
S_PER = int(N_PER * RATIO)


def fps_single(pts, s):
    # iterative farthest point sampling on one cloud [n,3] -> [s] indices
    sel0 = jnp.zeros((s,), dtype=jnp.int32)
    mind0 = jnp.sum((pts - pts[0]) ** 2, axis=-1)
    def body(i, carry):
        sel, mind = carry
        nxt = jnp.argmax(mind).astype(jnp.int32)
        sel = sel.at[i].set(nxt)
        d = jnp.sum((pts - pts[nxt]) ** 2, axis=-1)
        return sel, jnp.minimum(mind, d)
    sel, _ = jax.lax.fori_loop(1, s, body, (sel0, mind0))
    return sel


def setup_inputs(seed: int = 0):
    key = jax.random.key(seed)
    k1, k2, k3, k4 = jax.random.split(key, 4)
    x = jax.random.normal(k1, (B * N_PER, F_IN), dtype=jnp.float32)
    pos = jax.random.uniform(k2, (B * N_PER, 3), dtype=jnp.float32)
    batch = jnp.repeat(jnp.arange(B, dtype=jnp.int32), N_PER)
    W1 = jax.random.normal(k3, (F_IN + 3, HID), dtype=jnp.float32) * 0.05
    b1 = jnp.zeros((HID,), dtype=jnp.float32)
    W2 = jax.random.normal(k4, (HID, HID), dtype=jnp.float32) * 0.05
    b2 = jnp.zeros((HID,), dtype=jnp.float32)
    return {"x": x, "pos": pos, "batch": batch, "W1": W1, "b1": b1, "W2": W2, "b2": b2}


def reference(x, pos, batch, W1, b1, W2, b2):
    xb = x.reshape(B, N_PER, F_IN)
    pb = pos.reshape(B, N_PER, 3)
    # fps(pos, batch, ratio) -- sampling indices are non-differentiable
    pstop = jax.lax.stop_gradient(pb)
    sel = jax.vmap(lambda p: fps_single(p, S_PER))(pstop)  # [B,S]
    centers = jnp.take_along_axis(pb, sel[..., None], axis=1)  # [B,S,3]
    # radius(pos, pos[idx], r, batch, batch[idx], max_num_neighbors=64)
    d2 = jnp.sum((centers[:, :, None, :] - pb[:, None, :, :]) ** 2, axis=-1)  # [B,S,n]
    valid = d2 <= R * R
    score = jnp.where(valid, -jax.lax.stop_gradient(d2), -jnp.inf)
    _, nbr = jax.lax.top_k(score, K_NBR)  # [B,S,K]
    mask = jnp.take_along_axis(valid, nbr, axis=2)  # [B,S,K]
    # PointNetConv message: local_nn(concat[x_j, pos_j - pos_i]), max aggregation
    x_nbr = jax.vmap(lambda xf, nb: xf[nb])(xb, nbr)  # [B,S,K,F]
    p_nbr = jax.vmap(lambda pf, nb: pf[nb])(pb, nbr)  # [B,S,K,3]
    rel = p_nbr - centers[:, :, None, :]
    h = jnp.concatenate([x_nbr, rel], axis=-1)  # [B,S,K,F+3]
    h = jax.nn.relu(h @ W1 + b1)
    h = jax.nn.relu(h @ W2 + b2)
    h = jnp.where(mask[..., None], h, -jnp.inf)
    out = jnp.max(h, axis=2)  # [B,S,HID] (self is always within radius)
    x_new = out.reshape(B * S_PER, HID)
    pos_new = centers.reshape(B * S_PER, 3)
    batch_new = jnp.repeat(jnp.arange(B, dtype=batch.dtype), S_PER)
    return x_new, pos_new, batch_new

if __name__ == "__main__":
    import jax
    _d = setup_inputs()
    print(jax.jit(kernel)(*tuple(_d.values())))

</pallas_src>

<mosaic_0001>
#map = affine_map<(d0, d1) -> (0, 0)>
#map1 = affine_map<(d0, d1) -> (0)>
module attributes {stable_mosaic.version = 14 : i64} {
  func.func @_sc_gather_body(%arg0: i32, %arg1: i32, %arg2: memref<16384x128xf32, #tpu.memory_space<hbm>>, %arg3: memref<65536xi32, #tpu.memory_space<hbm>>, %arg4: memref<65536x128xf32, #tpu.memory_space<hbm>>, %arg5: memref<2048xi32, #tpu.memory_space<vmem>>, %arg6: memref<256x128xf32, #tpu.memory_space<vmem>>, %arg7: memref<256x128xf32, #tpu.memory_space<vmem>>, %arg8: memref<!tpu.dma_semaphore, #tpu.memory_space<semaphore_mem>>, %arg9: memref<!tpu.dma_semaphore, #tpu.memory_space<semaphore_mem>>, %arg10: memref<!tpu.dma_semaphore, #tpu.memory_space<semaphore_mem>>) attributes {dimension_semantics = [#tpu.dimension_semantics<core_parallel>, #tpu.dimension_semantics<subcore_parallel>], iteration_bounds = array<i64: 2, 16>, scalar_prefetch = 0 : i64, scratch_operands = 6 : i64, tpu.core_type = #tpu.core_type<sc_vector_subcore>, window_params = [{transform_indices = #map}, {transform_indices = #map1}, {transform_indices = #map}]} {
    %mul3A = arith.constant 2 : i32
    %mul3A_0 = arith.muli %arg1, %mul3A : i32
    %add3A = arith.addi %mul3A_0, %arg0 : i32
    %mul3A_1 = arith.constant 2048 : i32
    %mul3A_2 = arith.muli %add3A, %mul3A_1 : i32
    "tpu.region"() ({
      %run_scoped3A = tpu.sem_alloc : memref<!tpu.dma_semaphore, #tpu.memory_space<semaphore_mem>>
      %dma_start3A = tpu.memref_slice %arg3[%mul3A_2] : memref<65536xi32, #tpu.memory_space<hbm>> -> memref<2048xi32, #tpu.memory_space<hbm>>
      %dma_start3A_16 = tpu.memref_slice %arg3[%mul3A_2] : memref<65536xi32, #tpu.memory_space<hbm>> -> memref<2048xi32, #tpu.memory_space<hbm>>
      tpu.enqueue_dma source(%dma_start3A_16 : memref<2048xi32, #tpu.memory_space<hbm>>) target(%arg5 : memref<2048xi32, #tpu.memory_space<vmem>>) target_semaphore(%run_scoped3A : memref<!tpu.dma_semaphore, #tpu.memory_space<semaphore_mem>>)
      %dma_wait3A_17 = tpu.memref_slice %arg3[%mul3A_2] : memref<65536xi32, #tpu.memory_space<hbm>> -> memref<2048xi32, #tpu.memory_space<hbm>>
      %dma_wait3A_18 = tpu.memref_slice %arg3[%mul3A_2] : memref<65536xi32, #tpu.memory_space<hbm>> -> memref<2048xi32, #tpu.memory_space<hbm>>
      tpu.wait_dma2 semaphore(%run_scoped3A : memref<!tpu.dma_semaphore, #tpu.memory_space<semaphore_mem>>) src(%dma_wait3A_18 : memref<2048xi32, #tpu.memory_space<hbm>>) dst(%arg5 : memref<2048xi32, #tpu.memory_space<vmem>>)
      tpu.yield
    }) : () -> ()
    %scan3A = arith.constant 0 : i32
    %scan3A_3 = arith.constant 0 : i32
    %scan3A_4 = arith.constant 4 : i32
    %scan3A_5 = arith.addi %scan3A_3, %scan3A_4 : i32
    %scan3A_6 = arith.constant 1 : i32
    %scan3A_7 = scf.for %scan3A_16 = %scan3A_3 to %scan3A_5 step %scan3A_6 iter_args(%scan3A_17 = %scan3A) -> (i32)  : i32 {
      %mul3A_18 = arith.constant 2 : i32
      %mul3A_19 = arith.muli %mul3A_18, %scan3A_16 : i32
      %mul3A_20 = arith.constant 256 : i32
      %mul3A_21 = arith.muli %mul3A_19, %mul3A_20 : i32
      %add3A_22 = arith.constant 256 : i32
      %add3A_23 = arith.addi %mul3A_21, %add3A_22 : i32
      %gt3A = arith.constant 0 : i32
      %gt3A_24 = arith.cmpi sgt, %scan3A_16, %gt3A : i32
      %convert_element_type3A = arith.extui %gt3A_24 : i1 to i32
      %cond3A = arith.constant 0 : i32
      %cond3A_25 = arith.cmpi ne, %convert_element_type3A, %cond3A : i32
      scf.if %cond3A_25 {
        %dma_wait3A_57 = arith.constant 0 : i32
        %dma_wait3A_58 = tpu.memref_slice %arg4[%mul3A_2, %dma_wait3A_57] : memref<65536x128xf32, #tpu.memory_space<hbm>> -> memref<256x128xf32, #tpu.memory_space<hbm>>
        %dma_wait3A_59 = arith.constant 0 : i32
        %dma_wait3A_60 = tpu.memref_slice %arg4[%mul3A_2, %dma_wait3A_59] : memref<65536x128xf32, #tpu.memory_space<hbm>> -> memref<256x128xf32, #tpu.memory_space<hbm>>
        tpu.wait_dma2 semaphore(%arg9 : memref<!tpu.dma_semaphore, #tpu.memory_space<semaphore_mem>>) src(%arg6 : memref<256x128xf32, #tpu.memory_space<vmem>>) dst(%dma_wait3A_60 : memref<256x128xf32, #tpu.memory_space<hbm>>)
      } else {
      }
      %dma_start3A = tpu.memref_slice %arg5[%mul3A_21] : memref<2048xi32, #tpu.memory_space<vmem>> -> memref<256xi32, #tpu.memory_space<vmem>>
      %dma_start3A_26 = arith.constant 0 : i32
      %dma_start3A_27 = arith.constant 0 : i32
      %dma_start3A_28 = tpu.memref_slice %arg2[%dma_start3A_26, %dma_start3A_27] : memref<16384x128xf32, #tpu.memory_space<hbm>> -> memref<16384x128xf32, #tpu.memory_space<hbm>>
      tpu.enqueue_indirect_dma source(%dma_start3A_28 : memref<16384x128xf32, #tpu.memory_space<hbm>>) target(%arg6 : memref<256x128xf32, #tpu.memory_space<vmem>>) offsets(%dma_start3A : memref<256xi32, #tpu.memory_space<vmem>>) semaphore(%arg8 : memref<!tpu.dma_semaphore, #tpu.memory_space<semaphore_mem>>)
      %dma_wait3A_29 = tpu.memref_slice %arg5[%mul3A_21] : memref<2048xi32, #tpu.memory_space<vmem>> -> memref<256xi32, #tpu.memory_space<vmem>>
      %dma_wait3A_30 = arith.constant 0 : i32
      %dma_wait3A_31 = arith.constant 0 : i32
      %dma_wait3A_32 = tpu.memref_slice %arg2[%dma_wait3A_30, %dma_wait3A_31] : memref<16384x128xf32, #tpu.memory_space<hbm>> -> memref<16384x128xf32, #tpu.memory_space<hbm>>
      tpu.wait_indirect_dma semaphore(%arg8 : memref<!tpu.dma_semaphore, #tpu.memory_space<semaphore_mem>>) src(%dma_wait3A_32 : memref<16384x128xf32, #tpu.memory_space<hbm>>) dst(%arg6 : memref<256x128xf32, #tpu.memory_space<vmem>>)
      %add3A_33 = arith.addi %mul3A_2, %mul3A_21 : i32
      %dma_start3A_34 = arith.constant 0 : i32
      %dma_start3A_35 = tpu.memref_slice %arg4[%add3A_33, %dma_start3A_34] : memref<65536x128xf32, #tpu.memory_space<hbm>> -> memref<256x128xf32, #tpu.memory_space<hbm>>
      %dma_start3A_36 = arith.constant 0 : i32
      %dma_start3A_37 = tpu.memref_slice %arg4[%add3A_33, %dma_start3A_36] : memref<65536x128xf32, #tpu.memory_space<hbm>> -> memref<256x128xf32, #tpu.memory_space<hbm>>
      tpu.enqueue_dma source(%arg6 : memref<256x128xf32, #tpu.memory_space<vmem>>) target(%dma_start3A_37 : memref<256x128xf32, #tpu.memory_space<hbm>>) target_semaphore(%arg9 : memref<!tpu.dma_semaphore, #tpu.memory_space<semaphore_mem>>)
      %gt3A_38 = arith.constant 0 : i32
      %gt3A_39 = arith.cmpi sgt, %scan3A_16, %gt3A_38 : i32
      %convert_element_type3A_40 = arith.extui %gt3A_39 : i1 to i32
      %cond3A_41 = arith.constant 0 : i32
      %cond3A_42 = arith.cmpi ne, %convert_element_type3A_40, %cond3A_41 : i32
      scf.if %cond3A_42 {
        %dma_wait3A_57 = arith.constant 0 : i32
        %dma_wait3A_58 = tpu.memref_slice %arg4[%mul3A_2, %dma_wait3A_57] : memref<65536x128xf32, #tpu.memory_space<hbm>> -> memref<256x128xf32, #tpu.memory_space<hbm>>
        %dma_wait3A_59 = arith.constant 0 : i32
        %dma_wait3A_60 = tpu.memref_slice %arg4[%mul3A_2, %dma_wait3A_59] : memref<65536x128xf32, #tpu.memory_space<hbm>> -> memref<256x128xf32, #tpu.memory_space<hbm>>
        tpu.wait_dma2 semaphore(%arg10 : memref<!tpu.dma_semaphore, #tpu.memory_space<semaphore_mem>>) src(%arg7 : memref<256x128xf32, #tpu.memory_space<vmem>>) dst(%dma_wait3A_60 : memref<256x128xf32, #tpu.memory_space<hbm>>)
      } else {
      }
      %dma_start3A_43 = tpu.memref_slice %arg5[%add3A_23] : memref<2048xi32, #tpu.memory_space<vmem>> -> memref<256xi32, #tpu.memory_space<vmem>>
      %dma_start3A_44 = arith.constant 0 : i32
      %dma_start3A_45 = arith.constant 0 : i32
      %dma_start3A_46 = tpu.memref_slice %arg2[%dma_start3A_44, %dma_start3A_45] : memref<16384x128xf32, #tpu.memory_space<hbm>> -> memref<16384x128xf32, #tpu.memory_space<hbm>>
      tpu.enqueue_indirect_dma source(%dma_start3A_46 : memref<16384x128xf32, #tpu.memory_space<hbm>>) target(%arg7 : memref<256x128xf32, #tpu.memory_space<vmem>>) offsets(%dma_start3A_43 : memref<256xi32, #tpu.memory_space<vmem>>) semaphore(%arg8 : memref<!tpu.dma_semaphore, #tpu.memory_space<semaphore_mem>>)
      %dma_wait3A_47 = tpu.memref_slice %arg5[%add3A_23] : memref<2048xi32, #tpu.memory_space<vmem>> -> memref<256xi32, #tpu.memory_space<vmem>>
      %dma_wait3A_48 = arith.constant 0 : i32
      %dma_wait3A_49 = arith.constant 0 : i32
      %dma_wait3A_50 = tpu.memref_slice %arg2[%dma_wait3A_48, %dma_wait3A_49] : memref<16384x128xf32, #tpu.memory_space<hbm>> -> memref<16384x128xf32, #tpu.memory_space<hbm>>
      tpu.wait_indirect_dma semaphore(%arg8 : memref<!tpu.dma_semaphore, #tpu.memory_space<semaphore_mem>>) src(%dma_wait3A_50 : memref<16384x128xf32, #tpu.memory_space<hbm>>) dst(%arg7 : memref<256x128xf32, #tpu.memory_space<vmem>>)
      %add3A_51 = arith.addi %mul3A_2, %add3A_23 : i32
      %dma_start3A_52 = arith.constant 0 : i32
      %dma_start3A_53 = tpu.memref_slice %arg4[%add3A_51, %dma_start3A_52] : memref<65536x128xf32, #tpu.memory_space<hbm>> -> memref<256x128xf32, #tpu.memory_space<hbm>>
      %dma_start3A_54 = arith.constant 0 : i32
      %dma_start3A_55 = tpu.memref_slice %arg4[%add3A_51, %dma_start3A_54] : memref<65536x128xf32, #tpu.memory_space<hbm>> -> memref<256x128xf32, #tpu.memory_space<hbm>>
      tpu.enqueue_dma source(%arg7 : memref<256x128xf32, #tpu.memory_space<vmem>>) target(%dma_start3A_55 : memref<256x128xf32, #tpu.memory_space<hbm>>) target_semaphore(%arg10 : memref<!tpu.dma_semaphore, #tpu.memory_space<semaphore_mem>>)
      %scan3A_56 = arith.constant 0 : i32
      scf.yield %scan3A_56 : i32
    }
    %scan3A_8 = arith.constant 4 : i32
    %dma_wait3A = arith.constant 0 : i32
    %dma_wait3A_9 = tpu.memref_slice %arg4[%mul3A_2, %dma_wait3A] : memref<65536x128xf32, #tpu.memory_space<hbm>> -> memref<256x128xf32, #tpu.memory_space<hbm>>
    %dma_wait3A_10 = arith.constant 0 : i32
    %dma_wait3A_11 = tpu.memref_slice %arg4[%mul3A_2, %dma_wait3A_10] : memref<65536x128xf32, #tpu.memory_space<hbm>> -> memref<256x128xf32, #tpu.memory_space<hbm>>
    tpu.wait_dma2 semaphore(%arg9 : memref<!tpu.dma_semaphore, #tpu.memory_space<semaphore_mem>>) src(%arg6 : memref<256x128xf32, #tpu.memory_space<vmem>>) dst(%dma_wait3A_11 : memref<256x128xf32, #tpu.memory_space<hbm>>)
    %dma_wait3A_12 = arith.constant 0 : i32
    %dma_wait3A_13 = tpu.memref_slice %arg4[%mul3A_2, %dma_wait3A_12] : memref<65536x128xf32, #tpu.memory_space<hbm>> -> memref<256x128xf32, #tpu.memory_space<hbm>>
    %dma_wait3A_14 = arith.constant 0 : i32
    %dma_wait3A_15 = tpu.memref_slice %arg4[%mul3A_2, %dma_wait3A_14] : memref<65536x128xf32, #tpu.memory_space<hbm>> -> memref<256x128xf32, #tpu.memory_space<hbm>>
    tpu.wait_dma2 semaphore(%arg10 : memref<!tpu.dma_semaphore, #tpu.memory_space<semaphore_mem>>) src(%arg7 : memref<256x128xf32, #tpu.memory_space<vmem>>) dst(%dma_wait3A_15 : memref<256x128xf32, #tpu.memory_space<hbm>>)
    return
  }
}

#map = affine_map<(d0, d1) -> (0, 0)>
#map1 = affine_map<(d0, d1) -> (0)>
module attributes {stable_mosaic.version = 14 : i64} {
  func.func @_sc_gather_body(%arg0: i32, %arg1: i32, %arg2: memref<16384x128xf32, #tpu.memory_space<hbm>>, %arg3: memref<65536xi32, #tpu.memory_space<hbm>>, %arg4: memref<65536x128xf32, #tpu.memory_space<hbm>>, %arg5: memref<2048xi32, #tpu.memory_space<vmem>>, %arg6: memref<256x128xf32, #tpu.memory_space<vmem>>, %arg7: memref<256x128xf32, #tpu.memory_space<vmem>>, %arg8: memref<!tpu.dma_semaphore, #tpu.memory_space<semaphore_mem>>, %arg9: memref<!tpu.dma_semaphore, #tpu.memory_space<semaphore_mem>>, %arg10: memref<!tpu.dma_semaphore, #tpu.memory_space<semaphore_mem>>) attributes {dimension_semantics = [#tpu.dimension_semantics<core_parallel>, #tpu.dimension_semantics<subcore_parallel>], iteration_bounds = array<i64: 2, 16>, scalar_prefetch = 0 : i64, scratch_operands = 6 : i64, tpu.core_type = #tpu.core_type<sc_vector_subcore>, window_params = [{transform_indices = #map}, {transform_indices = #map1}, {transform_indices = #map}]} {
    %mul3A = arith.constant 2 : i32
    %mul3A_0 = arith.muli %arg1, %mul3A : i32
    %add3A = arith.addi %mul3A_0, %arg0 : i32
    %mul3A_1 = arith.constant 2048 : i32
    %mul3A_2 = arith.muli %add3A, %mul3A_1 : i32
    "tpu.region"() ({
      %run_scoped3A = tpu.sem_alloc : memref<!tpu.dma_semaphore, #tpu.memory_space<semaphore_mem>>
      %dma_start3A = tpu.memref_slice %arg3[%mul3A_2] : memref<65536xi32, #tpu.memory_space<hbm>> -> memref<2048xi32, #tpu.memory_space<hbm>>
      %dma_start3A_16 = tpu.memref_slice %arg3[%mul3A_2] : memref<65536xi32, #tpu.memory_space<hbm>> -> memref<2048xi32, #tpu.memory_space<hbm>>
      tpu.enqueue_dma source(%dma_start3A_16 : memref<2048xi32, #tpu.memory_space<hbm>>) target(%arg5 : memref<2048xi32, #tpu.memory_space<vmem>>) target_semaphore(%run_scoped3A : memref<!tpu.dma_semaphore, #tpu.memory_space<semaphore_mem>>)
      %dma_wait3A_17 = tpu.memref_slice %arg3[%mul3A_2] : memref<65536xi32, #tpu.memory_space<hbm>> -> memref<2048xi32, #tpu.memory_space<hbm>>
      %dma_wait3A_18 = tpu.memref_slice %arg3[%mul3A_2] : memref<65536xi32, #tpu.memory_space<hbm>> -> memref<2048xi32, #tpu.memory_space<hbm>>
      tpu.wait_dma2 semaphore(%run_scoped3A : memref<!tpu.dma_semaphore, #tpu.memory_space<semaphore_mem>>) src(%dma_wait3A_18 : memref<2048xi32, #tpu.memory_space<hbm>>) dst(%arg5 : memref<2048xi32, #tpu.memory_space<vmem>>)
      tpu.yield
    }) : () -> ()
    %scan3A = arith.constant 0 : i32
    %scan3A_3 = arith.constant 0 : i32
    %scan3A_4 = arith.constant 4 : i32
    %scan3A_5 = arith.addi %scan3A_3, %scan3A_4 : i32
    %scan3A_6 = arith.constant 1 : i32
    %scan3A_7 = scf.for %scan3A_16 = %scan3A_3 to %scan3A_5 step %scan3A_6 iter_args(%scan3A_17 = %scan3A) -> (i32)  : i32 {
      %mul3A_18 = arith.constant 2 : i32
      %mul3A_19 = arith.muli %mul3A_18, %scan3A_16 : i32
      %mul3A_20 = arith.constant 256 : i32
      %mul3A_21 = arith.muli %mul3A_19, %mul3A_20 : i32
      %add3A_22 = arith.constant 256 : i32
      %add3A_23 = arith.addi %mul3A_21, %add3A_22 : i32
      %gt3A = arith.constant 0 : i32
      %gt3A_24 = arith.cmpi sgt, %scan3A_16, %gt3A : i32
      %convert_element_type3A = arith.extui %gt3A_24 : i1 to i32
      %cond3A = arith.constant 0 : i32
      %cond3A_25 = arith.cmpi ne, %convert_element_type3A, %cond3A : i32
      scf.if %cond3A_25 {
        %dma_wait3A_57 = arith.constant 0 : i32
        %dma_wait3A_58 = tpu.memref_slice %arg4[%mul3A_2, %dma_wait3A_57] : memref<65536x128xf32, #tpu.memory_space<hbm>> -> memref<256x128xf32, #tpu.memory_space<hbm>>
        %dma_wait3A_59 = arith.constant 0 : i32
        %dma_wait3A_60 = tpu.memref_slice %arg4[%mul3A_2, %dma_wait3A_59] : memref<65536x128xf32, #tpu.memory_space<hbm>> -> memref<256x128xf32, #tpu.memory_space<hbm>>
        tpu.wait_dma2 semaphore(%arg9 : memref<!tpu.dma_semaphore, #tpu.memory_space<semaphore_mem>>) src(%arg6 : memref<256x128xf32, #tpu.memory_space<vmem>>) dst(%dma_wait3A_60 : memref<256x128xf32, #tpu.memory_space<hbm>>)
      } else {
      }
      %dma_start3A = tpu.memref_slice %arg5[%mul3A_21] : memref<2048xi32, #tpu.memory_space<vmem>> -> memref<256xi32, #tpu.memory_space<vmem>>
      %dma_start3A_26 = arith.constant 0 : i32
      %dma_start3A_27 = arith.constant 0 : i32
      %dma_start3A_28 = tpu.memref_slice %arg2[%dma_start3A_26, %dma_start3A_27] : memref<16384x128xf32, #tpu.memory_space<hbm>> -> memref<16384x128xf32, #tpu.memory_space<hbm>>
      tpu.enqueue_indirect_dma source(%dma_start3A_28 : memref<16384x128xf32, #tpu.memory_space<hbm>>) target(%arg6 : memref<256x128xf32, #tpu.memory_space<vmem>>) offsets(%dma_start3A : memref<256xi32, #tpu.memory_space<vmem>>) semaphore(%arg8 : memref<!tpu.dma_semaphore, #tpu.memory_space<semaphore_mem>>)
      %dma_wait3A_29 = tpu.memref_slice %arg5[%mul3A_21] : memref<2048xi32, #tpu.memory_space<vmem>> -> memref<256xi32, #tpu.memory_space<vmem>>
      %dma_wait3A_30 = arith.constant 0 : i32
      %dma_wait3A_31 = arith.constant 0 : i32
      %dma_wait3A_32 = tpu.memref_slice %arg2[%dma_wait3A_30, %dma_wait3A_31] : memref<16384x128xf32, #tpu.memory_space<hbm>> -> memref<16384x128xf32, #tpu.memory_space<hbm>>
      tpu.wait_indirect_dma semaphore(%arg8 : memref<!tpu.dma_semaphore, #tpu.memory_space<semaphore_mem>>) src(%dma_wait3A_32 : memref<16384x128xf32, #tpu.memory_space<hbm>>) dst(%arg6 : memref<256x128xf32, #tpu.memory_space<vmem>>)
      %add3A_33 = arith.addi %mul3A_2, %mul3A_21 : i32
      %dma_start3A_34 = arith.constant 0 : i32
      %dma_start3A_35 = tpu.memref_slice %arg4[%add3A_33, %dma_start3A_34] : memref<65536x128xf32, #tpu.memory_space<hbm>> -> memref<256x128xf32, #tpu.memory_space<hbm>>
      %dma_start3A_36 = arith.constant 0 : i32
      %dma_start3A_37 = tpu.memref_slice %arg4[%add3A_33, %dma_start3A_36] : memref<65536x128xf32, #tpu.memory_space<hbm>> -> memref<256x128xf32, #tpu.memory_space<hbm>>
      tpu.enqueue_dma source(%arg6 : memref<256x128xf32, #tpu.memory_space<vmem>>) target(%dma_start3A_37 : memref<256x128xf32, #tpu.memory_space<hbm>>) target_semaphore(%arg9 : memref<!tpu.dma_semaphore, #tpu.memory_space<semaphore_mem>>)
      %gt3A_38 = arith.constant 0 : i32
      %gt3A_39 = arith.cmpi sgt, %scan3A_16, %gt3A_38 : i32
      %convert_element_type3A_40 = arith.extui %gt3A_39 : i1 to i32
      %cond3A_41 = arith.constant 0 : i32
      %cond3A_42 = arith.cmpi ne, %convert_element_type3A_40, %cond3A_41 : i32
      scf.if %cond3A_42 {
        %dma_wait3A_57 = arith.constant 0 : i32
        %dma_wait3A_58 = tpu.memref_slice %arg4[%mul3A_2, %dma_wait3A_57] : memref<65536x128xf32, #tpu.memory_space<hbm>> -> memref<256x128xf32, #tpu.memory_space<hbm>>
        %dma_wait3A_59 = arith.constant 0 : i32
        %dma_wait3A_60 = tpu.memref_slice %arg4[%mul3A_2, %dma_wait3A_59] : memref<65536x128xf32, #tpu.memory_space<hbm>> -> memref<256x128xf32, #tpu.memory_space<hbm>>
        tpu.wait_dma2 semaphore(%arg10 : memref<!tpu.dma_semaphore, #tpu.memory_space<semaphore_mem>>) src(%arg7 : memref<256x128xf32, #tpu.memory_space<vmem>>) dst(%dma_wait3A_60 : memref<256x128xf32, #tpu.memory_space<hbm>>)
      } else {
      }
      %dma_start3A_43 = tpu.memref_slice %arg5[%add3A_23] : memref<2048xi32, #tpu.memory_space<vmem>> -> memref<256xi32, #tpu.memory_space<vmem>>
      %dma_start3A_44 = arith.constant 0 : i32
      %dma_start3A_45 = arith.constant 0 : i32
      %dma_start3A_46 = tpu.memref_slice %arg2[%dma_start3A_44, %dma_start3A_45] : memref<16384x128xf32, #tpu.memory_space<hbm>> -> memref<16384x128xf32, #tpu.memory_space<hbm>>
      tpu.enqueue_indirect_dma source(%dma_start3A_46 : memref<16384x128xf32, #tpu.memory_space<hbm>>) target(%arg7 : memref<256x128xf32, #tpu.memory_space<vmem>>) offsets(%dma_start3A_43 : memref<256xi32, #tpu.memory_space<vmem>>) semaphore(%arg8 : memref<!tpu.dma_semaphore, #tpu.memory_space<semaphore_mem>>)
      %dma_wait3A_47 = tpu.memref_slice %arg5[%add3A_23] : memref<2048xi32, #tpu.memory_space<vmem>> -> memref<256xi32, #tpu.memory_space<vmem>>
      %dma_wait3A_48 = arith.constant 0 : i32
      %dma_wait3A_49 = arith.constant 0 : i32
      %dma_wait3A_50 = tpu.memref_slice %arg2[%dma_wait3A_48, %dma_wait3A_49] : memref<16384x128xf32, #tpu.memory_space<hbm>> -> memref<16384x128xf32, #tpu.memory_space<hbm>>
      tpu.wait_indirect_dma semaphore(%arg8 : memref<!tpu.dma_semaphore, #tpu.memory_space<semaphore_mem>>) src(%dma_wait3A_50 : memref<16384x128xf32, #tpu.memory_space<hbm>>) dst(%arg7 : memref<256x128xf32, #tpu.memory_space<vmem>>)
      %add3A_51 = arith.addi %mul3A_2, %add3A_23 : i32
      %dma_start3A_52 = arith.constant 0 : i32
      %dma_start3A_53 = tpu.memref_slice %arg4[%add3A_51, %dma_start3A_52] : memref<65536x128xf32, #tpu.memory_space<hbm>> -> memref<256x128xf32, #tpu.memory_space<hbm>>
      %dma_start3A_54 = arith.constant 0 : i32
      %dma_start3A_55 = tpu.memref_slice %arg4[%add3A_51, %dma_start3A_54] : memref<65536x128xf32, #tpu.memory_space<hbm>> -> memref<256x128xf32, #tpu.memory_space<hbm>>
      tpu.enqueue_dma source(%arg7 : memref<256x128xf32, #tpu.memory_space<vmem>>) target(%dma_start3A_55 : memref<256x128xf32, #tpu.memory_space<hbm>>) target_semaphore(%arg10 : memref<!tpu.dma_semaphore, #tpu.memory_space<semaphore_mem>>)
      %scan3A_56 = arith.constant 0 : i32
      scf.yield %scan3A_56 : i32
    }
    %scan3A_8 = arith.constant 4 : i32
    %dma_wait3A = arith.constant 0 : i32
    %dma_wait3A_9 = tpu.memref_slice %arg4[%mul3A_2, %dma_wait3A] : memref<65536x128xf32, #tpu.memory_space<hbm>> -> memref<256x128xf32, #tpu.memory_space<hbm>>
    %dma_wait3A_10 = arith.constant 0 : i32
    %dma_wait3A_11 = tpu.memref_slice %arg4[%mul3A_2, %dma_wait3A_10] : memref<65536x128xf32, #tpu.memory_space<hbm>> -> memref<256x128xf32, #tpu.memory_space<hbm>>
    tpu.wait_dma2 semaphore(%arg9 : memref<!tpu.dma_semaphore, #tpu.memory_space<semaphore_mem>>) src(%arg6 : memref<256x128xf32, #tpu.memory_space<vmem>>) dst(%dma_wait3A_11 : memref<256x128xf32, #tpu.memory_space<hbm>>)
    %dma_wait3A_12 = arith.constant 0 : i32
    %dma_wait3A_13 = tpu.memref_slice %arg4[%mul3A_2, %dma_wait3A_12] : memref<65536x128xf32, #tpu.memory_space<hbm>> -> memref<256x128xf32, #tpu.memory_space<hbm>>
    %dma_wait3A_14 = arith.constant 0 : i32
    %dma_wait3A_15 = tpu.memref_slice %arg4[%mul3A_2, %dma_wait3A_14] : memref<65536x128xf32, #tpu.memory_space<hbm>> -> memref<256x128xf32, #tpu.memory_space<hbm>>
    tpu.wait_dma2 semaphore(%arg10 : memref<!tpu.dma_semaphore, #tpu.memory_space<semaphore_mem>>) src(%arg7 : memref<256x128xf32, #tpu.memory_space<vmem>>) dst(%dma_wait3A_15 : memref<256x128xf32, #tpu.memory_space<hbm>>)
    return
  }
}

#map = affine_map<(d0, d1) -> (0, 0)>
#map1 = affine_map<(d0, d1) -> (0)>
module attributes {stable_mosaic.version = 14 : i64} {
  func.func @_sc_gather_body(%arg0: i32, %arg1: i32, %arg2: memref<16384x128xf32, #tpu.memory_space<hbm>>, %arg3: memref<65536xi32, #tpu.memory_space<hbm>>, %arg4: memref<65536x128xf32, #tpu.memory_space<hbm>>, %arg5: memref<2048xi32, #tpu.memory_space<vmem>>, %arg6: memref<256x128xf32, #tpu.memory_space<vmem>>, %arg7: memref<256x128xf32, #tpu.memory_space<vmem>>, %arg8: memref<!tpu.dma_semaphore, #tpu.memory_space<semaphore_mem>>, %arg9: memref<!tpu.dma_semaphore, #tpu.memory_space<semaphore_mem>>, %arg10: memref<!tpu.dma_semaphore, #tpu.memory_space<semaphore_mem>>) attributes {dimension_semantics = [#tpu.dimension_semantics<core_parallel>, #tpu.dimension_semantics<subcore_parallel>], iteration_bounds = array<i64: 2, 16>, scalar_prefetch = 0 : i64, scratch_operands = 6 : i64, tpu.core_type = #tpu.core_type<sc_vector_subcore>, window_params = [{transform_indices = #map}, {transform_indices = #map1}, {transform_indices = #map}]} {
    %mul3A = arith.constant 2 : i32
    %mul3A_0 = arith.muli %arg1, %mul3A : i32
    %add3A = arith.addi %mul3A_0, %arg0 : i32
    %mul3A_1 = arith.constant 2048 : i32
    %mul3A_2 = arith.muli %add3A, %mul3A_1 : i32
    "tpu.region"() ({
      %run_scoped3A = tpu.sem_alloc : memref<!tpu.dma_semaphore, #tpu.memory_space<semaphore_mem>>
      %dma_start3A = tpu.memref_slice %arg3[%mul3A_2] : memref<65536xi32, #tpu.memory_space<hbm>> -> memref<2048xi32, #tpu.memory_space<hbm>>
      %dma_start3A_16 = tpu.memref_slice %arg3[%mul3A_2] : memref<65536xi32, #tpu.memory_space<hbm>> -> memref<2048xi32, #tpu.memory_space<hbm>>
      tpu.enqueue_dma source(%dma_start3A_16 : memref<2048xi32, #tpu.memory_space<hbm>>) target(%arg5 : memref<2048xi32, #tpu.memory_space<vmem>>) target_semaphore(%run_scoped3A : memref<!tpu.dma_semaphore, #tpu.memory_space<semaphore_mem>>)
      %dma_wait3A_17 = tpu.memref_slice %arg3[%mul3A_2] : memref<65536xi32, #tpu.memory_space<hbm>> -> memref<2048xi32, #tpu.memory_space<hbm>>
      %dma_wait3A_18 = tpu.memref_slice %arg3[%mul3A_2] : memref<65536xi32, #tpu.memory_space<hbm>> -> memref<2048xi32, #tpu.memory_space<hbm>>
      tpu.wait_dma2 semaphore(%run_scoped3A : memref<!tpu.dma_semaphore, #tpu.memory_space<semaphore_mem>>) src(%dma_wait3A_18 : memref<2048xi32, #tpu.memory_space<hbm>>) dst(%arg5 : memref<2048xi32, #tpu.memory_space<vmem>>)
      tpu.yield
    }) : () -> ()
    %scan3A = arith.constant 0 : i32
    %scan3A_3 = arith.constant 0 : i32
    %scan3A_4 = arith.constant 4 : i32
    %scan3A_5 = arith.addi %scan3A_3, %scan3A_4 : i32
    %scan3A_6 = arith.constant 1 : i32
    %scan3A_7 = scf.for %scan3A_16 = %scan3A_3 to %scan3A_5 step %scan3A_6 iter_args(%scan3A_17 = %scan3A) -> (i32)  : i32 {
      %mul3A_18 = arith.constant 2 : i32
      %mul3A_19 = arith.muli %mul3A_18, %scan3A_16 : i32
      %mul3A_20 = arith.constant 256 : i32
      %mul3A_21 = arith.muli %mul3A_19, %mul3A_20 : i32
      %add3A_22 = arith.constant 256 : i32
      %add3A_23 = arith.addi %mul3A_21, %add3A_22 : i32
      %gt3A = arith.constant 0 : i32
      %gt3A_24 = arith.cmpi sgt, %scan3A_16, %gt3A : i32
      %convert_element_type3A = arith.extui %gt3A_24 : i1 to i32
      %cond3A = arith.constant 0 : i32
      %cond3A_25 = arith.cmpi ne, %convert_element_type3A, %cond3A : i32
      scf.if %cond3A_25 {
        %dma_wait3A_57 = arith.constant 0 : i32
        %dma_wait3A_58 = tpu.memref_slice %arg4[%mul3A_2, %dma_wait3A_57] : memref<65536x128xf32, #tpu.memory_space<hbm>> -> memref<256x128xf32, #tpu.memory_space<hbm>>
        %dma_wait3A_59 = arith.constant 0 : i32
        %dma_wait3A_60 = tpu.memref_slice %arg4[%mul3A_2, %dma_wait3A_59] : memref<65536x128xf32, #tpu.memory_space<hbm>> -> memref<256x128xf32, #tpu.memory_space<hbm>>
        tpu.wait_dma2 semaphore(%arg9 : memref<!tpu.dma_semaphore, #tpu.memory_space<semaphore_mem>>) src(%arg6 : memref<256x128xf32, #tpu.memory_space<vmem>>) dst(%dma_wait3A_60 : memref<256x128xf32, #tpu.memory_space<hbm>>)
      } else {
      }
      %dma_start3A = tpu.memref_slice %arg5[%mul3A_21] : memref<2048xi32, #tpu.memory_space<vmem>> -> memref<256xi32, #tpu.memory_space<vmem>>
      %dma_start3A_26 = arith.constant 0 : i32
      %dma_start3A_27 = arith.constant 0 : i32
      %dma_start3A_28 = tpu.memref_slice %arg2[%dma_start3A_26, %dma_start3A_27] : memref<16384x128xf32, #tpu.memory_space<hbm>> -> memref<16384x128xf32, #tpu.memory_space<hbm>>
      tpu.enqueue_indirect_dma source(%dma_start3A_28 : memref<16384x128xf32, #tpu.memory_space<hbm>>) target(%arg6 : memref<256x128xf32, #tpu.memory_space<vmem>>) offsets(%dma_start3A : memref<256xi32, #tpu.memory_space<vmem>>) semaphore(%arg8 : memref<!tpu.dma_semaphore, #tpu.memory_space<semaphore_mem>>)
      %dma_wait3A_29 = tpu.memref_slice %arg5[%mul3A_21] : memref<2048xi32, #tpu.memory_space<vmem>> -> memref<256xi32, #tpu.memory_space<vmem>>
      %dma_wait3A_30 = arith.constant 0 : i32
      %dma_wait3A_31 = arith.constant 0 : i32
      %dma_wait3A_32 = tpu.memref_slice %arg2[%dma_wait3A_30, %dma_wait3A_31] : memref<16384x128xf32, #tpu.memory_space<hbm>> -> memref<16384x128xf32, #tpu.memory_space<hbm>>
      tpu.wait_indirect_dma semaphore(%arg8 : memref<!tpu.dma_semaphore, #tpu.memory_space<semaphore_mem>>) src(%dma_wait3A_32 : memref<16384x128xf32, #tpu.memory_space<hbm>>) dst(%arg6 : memref<256x128xf32, #tpu.memory_space<vmem>>)
      %add3A_33 = arith.addi %mul3A_2, %mul3A_21 : i32
      %dma_start3A_34 = arith.constant 0 : i32
      %dma_start3A_35 = tpu.memref_slice %arg4[%add3A_33, %dma_start3A_34] : memref<65536x128xf32, #tpu.memory_space<hbm>> -> memref<256x128xf32, #tpu.memory_space<hbm>>
      %dma_start3A_36 = arith.constant 0 : i32
      %dma_start3A_37 = tpu.memref_slice %arg4[%add3A_33, %dma_start3A_36] : memref<65536x128xf32, #tpu.memory_space<hbm>> -> memref<256x128xf32, #tpu.memory_space<hbm>>
      tpu.enqueue_dma source(%arg6 : memref<256x128xf32, #tpu.memory_space<vmem>>) target(%dma_start3A_37 : memref<256x128xf32, #tpu.memory_space<hbm>>) target_semaphore(%arg9 : memref<!tpu.dma_semaphore, #tpu.memory_space<semaphore_mem>>)
      %gt3A_38 = arith.constant 0 : i32
      %gt3A_39 = arith.cmpi sgt, %scan3A_16, %gt3A_38 : i32
      %convert_element_type3A_40 = arith.extui %gt3A_39 : i1 to i32
      %cond3A_41 = arith.constant 0 : i32
      %cond3A_42 = arith.cmpi ne, %convert_element_type3A_40, %cond3A_41 : i32
      scf.if %cond3A_42 {
        %dma_wait3A_57 = arith.constant 0 : i32
        %dma_wait3A_58 = tpu.memref_slice %arg4[%mul3A_2, %dma_wait3A_57] : memref<65536x128xf32, #tpu.memory_space<hbm>> -> memref<256x128xf32, #tpu.memory_space<hbm>>
        %dma_wait3A_59 = arith.constant 0 : i32
        %dma_wait3A_60 = tpu.memref_slice %arg4[%mul3A_2, %dma_wait3A_59] : memref<65536x128xf32, #tpu.memory_space<hbm>> -> memref<256x128xf32, #tpu.memory_space<hbm>>
        tpu.wait_dma2 semaphore(%arg10 : memref<!tpu.dma_semaphore, #tpu.memory_space<semaphore_mem>>) src(%arg7 : memref<256x128xf32, #tpu.memory_space<vmem>>) dst(%dma_wait3A_60 : memref<256x128xf32, #tpu.memory_space<hbm>>)
      } else {
      }
      %dma_start3A_43 = tpu.memref_slice %arg5[%add3A_23] : memref<2048xi32, #tpu.memory_space<vmem>> -> memref<256xi32, #tpu.memory_space<vmem>>
      %dma_start3A_44 = arith.constant 0 : i32
      %dma_start3A_45 = arith.constant 0 : i32
      %dma_start3A_46 = tpu.memref_slice %arg2[%dma_start3A_44, %dma_start3A_45] : memref<16384x128xf32, #tpu.memory_space<hbm>> -> memref<16384x128xf32, #tpu.memory_space<hbm>>
      tpu.enqueue_indirect_dma source(%dma_start3A_46 : memref<16384x128xf32, #tpu.memory_space<hbm>>) target(%arg7 : memref<256x128xf32, #tpu.memory_space<vmem>>) offsets(%dma_start3A_43 : memref<256xi32, #tpu.memory_space<vmem>>) semaphore(%arg8 : memref<!tpu.dma_semaphore, #tpu.memory_space<semaphore_mem>>)
      %dma_wait3A_47 = tpu.memref_slice %arg5[%add3A_23] : memref<2048xi32, #tpu.memory_space<vmem>> -> memref<256xi32, #tpu.memory_space<vmem>>
      %dma_wait3A_48 = arith.constant 0 : i32
      %dma_wait3A_49 = arith.constant 0 : i32
      %dma_wait3A_50 = tpu.memref_slice %arg2[%dma_wait3A_48, %dma_wait3A_49] : memref<16384x128xf32, #tpu.memory_space<hbm>> -> memref<16384x128xf32, #tpu.memory_space<hbm>>
      tpu.wait_indirect_dma semaphore(%arg8 : memref<!tpu.dma_semaphore, #tpu.memory_space<semaphore_mem>>) src(%dma_wait3A_50 : memref<16384x128xf32, #tpu.memory_space<hbm>>) dst(%arg7 : memref<256x128xf32, #tpu.memory_space<vmem>>)
      %add3A_51 = arith.addi %mul3A_2, %add3A_23 : i32
      %dma_start3A_52 = arith.constant 0 : i32
      %dma_start3A_53 = tpu.memref_slice %arg4[%add3A_51, %dma_start3A_52] : memref<65536x128xf32, #tpu.memory_space<hbm>> -> memref<256x128xf32, #tpu.memory_space<hbm>>
      %dma_start3A_54 = arith.constant 0 : i32
      %dma_start3A_55 = tpu.memref_slice %arg4[%add3A_51, %dma_start3A_54] : memref<65536x128xf32, #tpu.memory_space<hbm>> -> memref<256x128xf32, #tpu.memory_space<hbm>>
      tpu.enqueue_dma source(%arg7 : memref<256x128xf32, #tpu.memory_space<vmem>>) target(%dma_start3A_55 : memref<256x128xf32, #tpu.memory_space<hbm>>) target_semaphore(%arg10 : memref<!tpu.dma_semaphore, #tpu.memory_space<semaphore_mem>>)
      %scan3A_56 = arith.constant 0 : i32
      scf.yield %scan3A_56 : i32
    }
    %scan3A_8 = arith.constant 4 : i32
    %dma_wait3A = arith.constant 0 : i32
    %dma_wait3A_9 = tpu.memref_slice %arg4[%mul3A_2, %dma_wait3A] : memref<65536x128xf32, #tpu.memory_space<hbm>> -> memref<256x128xf32, #tpu.memory_space<hbm>>
    %dma_wait3A_10 = arith.constant 0 : i32
    %dma_wait3A_11 = tpu.memref_slice %arg4[%mul3A_2, %dma_wait3A_10] : memref<65536x128xf32, #tpu.memory_space<hbm>> -> memref<256x128xf32, #tpu.memory_space<hbm>>
    tpu.wait_dma2 semaphore(%arg9 : memref<!tpu.dma_semaphore, #tpu.memory_space<semaphore_mem>>) src(%arg6 : memref<256x128xf32, #tpu.memory_space<vmem>>) dst(%dma_wait3A_11 : memref<256x128xf32, #tpu.memory_space<hbm>>)
    %dma_wait3A_12 = arith.constant 0 : i32
    %dma_wait3A_13 = tpu.memref_slice %arg4[%mul3A_2, %dma_wait3A_12] : memref<65536x128xf32, #tpu.memory_space<hbm>> -> memref<256x128xf32, #tpu.memory_space<hbm>>
    %dma_wait3A_14 = arith.constant 0 : i32
    %dma_wait3A_15 = tpu.memref_slice %arg4[%mul3A_2, %dma_wait3A_14] : memref<65536x128xf32, #tpu.memory_space<hbm>> -> memref<256x128xf32, #tpu.memory_space<hbm>>
    tpu.wait_dma2 semaphore(%arg10 : memref<!tpu.dma_semaphore, #tpu.memory_space<semaphore_mem>>) src(%arg7 : memref<256x128xf32, #tpu.memory_space<vmem>>) dst(%dma_wait3A_15 : memref<256x128xf32, #tpu.memory_space<hbm>>)
    return
  }
}

#map = affine_map<(d0, d1) -> (0, 0)>
#map1 = affine_map<(d0, d1) -> (0)>
module attributes {stable_mosaic.version = 14 : i64} {
  func.func @_sc_gather_body(%arg0: i32, %arg1: i32, %arg2: memref<16384x128xf32, #tpu.memory_space<hbm>>, %arg3: memref<65536xi32, #tpu.memory_space<hbm>>, %arg4: memref<65536x128xf32, #tpu.memory_space<hbm>>, %arg5: memref<2048xi32, #tpu.memory_space<vmem>>, %arg6: memref<256x128xf32, #tpu.memory_space<vmem>>, %arg7: memref<256x128xf32, #tpu.memory_space<vmem>>, %arg8: memref<!tpu.dma_semaphore, #tpu.memory_space<semaphore_mem>>, %arg9: memref<!tpu.dma_semaphore, #tpu.memory_space<semaphore_mem>>, %arg10: memref<!tpu.dma_semaphore, #tpu.memory_space<semaphore_mem>>) attributes {dimension_semantics = [#tpu.dimension_semantics<core_parallel>, #tpu.dimension_semantics<subcore_parallel>], iteration_bounds = array<i64: 2, 16>, scalar_prefetch = 0 : i64, scratch_operands = 6 : i64, tpu.core_type = #tpu.core_type<sc_vector_subcore>, window_params = [{transform_indices = #map}, {transform_indices = #map1}, {transform_indices = #map}]} {
    %mul3A = arith.constant 2 : i32
    %mul3A_0 = arith.muli %arg1, %mul3A : i32
    %add3A = arith.addi %mul3A_0, %arg0 : i32
    %mul3A_1 = arith.constant 2048 : i32
    %mul3A_2 = arith.muli %add3A, %mul3A_1 : i32
    "tpu.region"() ({
      %run_scoped3A = tpu.sem_alloc : memref<!tpu.dma_semaphore, #tpu.memory_space<semaphore_mem>>
      %dma_start3A = tpu.memref_slice %arg3[%mul3A_2] : memref<65536xi32, #tpu.memory_space<hbm>> -> memref<2048xi32, #tpu.memory_space<hbm>>
      %dma_start3A_16 = tpu.memref_slice %arg3[%mul3A_2] : memref<65536xi32, #tpu.memory_space<hbm>> -> memref<2048xi32, #tpu.memory_space<hbm>>
      tpu.enqueue_dma source(%dma_start3A_16 : memref<2048xi32, #tpu.memory_space<hbm>>) target(%arg5 : memref<2048xi32, #tpu.memory_space<vmem>>) target_semaphore(%run_scoped3A : memref<!tpu.dma_semaphore, #tpu.memory_space<semaphore_mem>>)
      %dma_wait3A_17 = tpu.memref_slice %arg3[%mul3A_2] : memref<65536xi32, #tpu.memory_space<hbm>> -> memref<2048xi32, #tpu.memory_space<hbm>>
      %dma_wait3A_18 = tpu.memref_slice %arg3[%mul3A_2] : memref<65536xi32, #tpu.memory_space<hbm>> -> memref<2048xi32, #tpu.memory_space<hbm>>
      tpu.wait_dma2 semaphore(%run_scoped3A : memref<!tpu.dma_semaphore, #tpu.memory_space<semaphore_mem>>) src(%dma_wait3A_18 : memref<2048xi32, #tpu.memory_space<hbm>>) dst(%arg5 : memref<2048xi32, #tpu.memory_space<vmem>>)
      tpu.yield
    }) : () -> ()
    %scan3A = arith.constant 0 : i32
    %scan3A_3 = arith.constant 0 : i32
    %scan3A_4 = arith.constant 4 : i32
    %scan3A_5 = arith.addi %scan3A_3, %scan3A_4 : i32
    %scan3A_6 = arith.constant 1 : i32
    %scan3A_7 = scf.for %scan3A_16 = %scan3A_3 to %scan3A_5 step %scan3A_6 iter_args(%scan3A_17 = %scan3A) -> (i32)  : i32 {
      %mul3A_18 = arith.constant 2 : i32
      %mul3A_19 = arith.muli %mul3A_18, %scan3A_16 : i32
      %mul3A_20 = arith.constant 256 : i32
      %mul3A_21 = arith.muli %mul3A_19, %mul3A_20 : i32
      %add3A_22 = arith.constant 256 : i32
      %add3A_23 = arith.addi %mul3A_21, %add3A_22 : i32
      %gt3A = arith.constant 0 : i32
      %gt3A_24 = arith.cmpi sgt, %scan3A_16, %gt3A : i32
      %convert_element_type3A = arith.extui %gt3A_24 : i1 to i32
      %cond3A = arith.constant 0 : i32
      %cond3A_25 = arith.cmpi ne, %convert_element_type3A, %cond3A : i32
      scf.if %cond3A_25 {
        %dma_wait3A_57 = arith.constant 0 : i32
        %dma_wait3A_58 = tpu.memref_slice %arg4[%mul3A_2, %dma_wait3A_57] : memref<65536x128xf32, #tpu.memory_space<hbm>> -> memref<256x128xf32, #tpu.memory_space<hbm>>
        %dma_wait3A_59 = arith.constant 0 : i32
        %dma_wait3A_60 = tpu.memref_slice %arg4[%mul3A_2, %dma_wait3A_59] : memref<65536x128xf32, #tpu.memory_space<hbm>> -> memref<256x128xf32, #tpu.memory_space<hbm>>
        tpu.wait_dma2 semaphore(%arg9 : memref<!tpu.dma_semaphore, #tpu.memory_space<semaphore_mem>>) src(%arg6 : memref<256x128xf32, #tpu.memory_space<vmem>>) dst(%dma_wait3A_60 : memref<256x128xf32, #tpu.memory_space<hbm>>)
      } else {
      }
      %dma_start3A = tpu.memref_slice %arg5[%mul3A_21] : memref<2048xi32, #tpu.memory_space<vmem>> -> memref<256xi32, #tpu.memory_space<vmem>>
      %dma_start3A_26 = arith.constant 0 : i32
      %dma_start3A_27 = arith.constant 0 : i32
      %dma_start3A_28 = tpu.memref_slice %arg2[%dma_start3A_26, %dma_start3A_27] : memref<16384x128xf32, #tpu.memory_space<hbm>> -> memref<16384x128xf32, #tpu.memory_space<hbm>>
      tpu.enqueue_indirect_dma source(%dma_start3A_28 : memref<16384x128xf32, #tpu.memory_space<hbm>>) target(%arg6 : memref<256x128xf32, #tpu.memory_space<vmem>>) offsets(%dma_start3A : memref<256xi32, #tpu.memory_space<vmem>>) semaphore(%arg8 : memref<!tpu.dma_semaphore, #tpu.memory_space<semaphore_mem>>)
      %dma_wait3A_29 = tpu.memref_slice %arg5[%mul3A_21] : memref<2048xi32, #tpu.memory_space<vmem>> -> memref<256xi32, #tpu.memory_space<vmem>>
      %dma_wait3A_30 = arith.constant 0 : i32
      %dma_wait3A_31 = arith.constant 0 : i32
      %dma_wait3A_32 = tpu.memref_slice %arg2[%dma_wait3A_30, %dma_wait3A_31] : memref<16384x128xf32, #tpu.memory_space<hbm>> -> memref<16384x128xf32, #tpu.memory_space<hbm>>
      tpu.wait_indirect_dma semaphore(%arg8 : memref<!tpu.dma_semaphore, #tpu.memory_space<semaphore_mem>>) src(%dma_wait3A_32 : memref<16384x128xf32, #tpu.memory_space<hbm>>) dst(%arg6 : memref<256x128xf32, #tpu.memory_space<vmem>>)
      %add3A_33 = arith.addi %mul3A_2, %mul3A_21 : i32
      %dma_start3A_34 = arith.constant 0 : i32
      %dma_start3A_35 = tpu.memref_slice %arg4[%add3A_33, %dma_start3A_34] : memref<65536x128xf32, #tpu.memory_space<hbm>> -> memref<256x128xf32, #tpu.memory_space<hbm>>
      %dma_start3A_36 = arith.constant 0 : i32
      %dma_start3A_37 = tpu.memref_slice %arg4[%add3A_33, %dma_start3A_36] : memref<65536x128xf32, #tpu.memory_space<hbm>> -> memref<256x128xf32, #tpu.memory_space<hbm>>
      tpu.enqueue_dma source(%arg6 : memref<256x128xf32, #tpu.memory_space<vmem>>) target(%dma_start3A_37 : memref<256x128xf32, #tpu.memory_space<hbm>>) target_semaphore(%arg9 : memref<!tpu.dma_semaphore, #tpu.memory_space<semaphore_mem>>)
      %gt3A_38 = arith.constant 0 : i32
      %gt3A_39 = arith.cmpi sgt, %scan3A_16, %gt3A_38 : i32
      %convert_element_type3A_40 = arith.extui %gt3A_39 : i1 to i32
      %cond3A_41 = arith.constant 0 : i32
      %cond3A_42 = arith.cmpi ne, %convert_element_type3A_40, %cond3A_41 : i32
      scf.if %cond3A_42 {
        %dma_wait3A_57 = arith.constant 0 : i32
        %dma_wait3A_58 = tpu.memref_slice %arg4[%mul3A_2, %dma_wait3A_57] : memref<65536x128xf32, #tpu.memory_space<hbm>> -> memref<256x128xf32, #tpu.memory_space<hbm>>
        %dma_wait3A_59 = arith.constant 0 : i32
        %dma_wait3A_60 = tpu.memref_slice %arg4[%mul3A_2, %dma_wait3A_59] : memref<65536x128xf32, #tpu.memory_space<hbm>> -> memref<256x128xf32, #tpu.memory_space<hbm>>
        tpu.wait_dma2 semaphore(%arg10 : memref<!tpu.dma_semaphore, #tpu.memory_space<semaphore_mem>>) src(%arg7 : memref<256x128xf32, #tpu.memory_space<vmem>>) dst(%dma_wait3A_60 : memref<256x128xf32, #tpu.memory_space<hbm>>)
      } else {
      }
      %dma_start3A_43 = tpu.memref_slice %arg5[%add3A_23] : memref<2048xi32, #tpu.memory_space<vmem>> -> memref<256xi32, #tpu.memory_space<vmem>>
      %dma_start3A_44 = arith.constant 0 : i32
      %dma_start3A_45 = arith.constant 0 : i32
      %dma_start3A_46 = tpu.memref_slice %arg2[%dma_start3A_44, %dma_start3A_45] : memref<16384x128xf32, #tpu.memory_space<hbm>> -> memref<16384x128xf32, #tpu.memory_space<hbm>>
      tpu.enqueue_indirect_dma source(%dma_start3A_46 : memref<16384x128xf32, #tpu.memory_space<hbm>>) target(%arg7 : memref<256x128xf32, #tpu.memory_space<vmem>>) offsets(%dma_start3A_43 : memref<256xi32, #tpu.memory_space<vmem>>) semaphore(%arg8 : memref<!tpu.dma_semaphore, #tpu.memory_space<semaphore_mem>>)
      %dma_wait3A_47 = tpu.memref_slice %arg5[%add3A_23] : memref<2048xi32, #tpu.memory_space<vmem>> -> memref<256xi32, #tpu.memory_space<vmem>>
      %dma_wait3A_48 = arith.constant 0 : i32
      %dma_wait3A_49 = arith.constant 0 : i32
      %dma_wait3A_50 = tpu.memref_slice %arg2[%dma_wait3A_48, %dma_wait3A_49] : memref<16384x128xf32, #tpu.memory_space<hbm>> -> memref<16384x128xf32, #tpu.memory_space<hbm>>
      tpu.wait_indirect_dma semaphore(%arg8 : memref<!tpu.dma_semaphore, #tpu.memory_space<semaphore_mem>>) src(%dma_wait3A_50 : memref<16384x128xf32, #tpu.memory_space<hbm>>) dst(%arg7 : memref<256x128xf32, #tpu.memory_space<vmem>>)
      %add3A_51 = arith.addi %mul3A_2, %add3A_23 : i32
      %dma_start3A_52 = arith.constant 0 : i32
      %dma_start3A_53 = tpu.memref_slice %arg4[%add3A_51, %dma_start3A_52] : memref<65536x128xf32, #tpu.memory_space<hbm>> -> memref<256x128xf32, #tpu.memory_space<hbm>>
      %dma_start3A_54 = arith.constant 0 : i32
      %dma_start3A_55 = tpu.memref_slice %arg4[%add3A_51, %dma_start3A_54] : memref<65536x128xf32, #tpu.memory_space<hbm>> -> memref<256x128xf32, #tpu.memory_space<hbm>>
      tpu.enqueue_dma source(%arg7 : memref<256x128xf32, #tpu.memory_space<vmem>>) target(%dma_start3A_55 : memref<256x128xf32, #tpu.memory_space<hbm>>) target_semaphore(%arg10 : memref<!tpu.dma_semaphore, #tpu.memory_space<semaphore_mem>>)
      %scan3A_56 = arith.constant 0 : i32
      scf.yield %scan3A_56 : i32
    }
    %scan3A_8 = arith.constant 4 : i32
    %dma_wait3A = arith.constant 0 : i32
    %dma_wait3A_9 = tpu.memref_slice %arg4[%mul3A_2, %dma_wait3A] : memref<65536x128xf32, #tpu.memory_space<hbm>> -> memref<256x128xf32, #tpu.memory_space<hbm>>
    %dma_wait3A_10 = arith.constant 0 : i32
    %dma_wait3A_11 = tpu.memref_slice %arg4[%mul3A_2, %dma_wait3A_10] : memref<65536x128xf32, #tpu.memory_space<hbm>> -> memref<256x128xf32, #tpu.memory_space<hbm>>
    tpu.wait_dma2 semaphore(%arg9 : memref<!tpu.dma_semaphore, #tpu.memory_space<semaphore_mem>>) src(%arg6 : memref<256x128xf32, #tpu.memory_space<vmem>>) dst(%dma_wait3A_11 : memref<256x128xf32, #tpu.memory_space<hbm>>)
    %dma_wait3A_12 = arith.constant 0 : i32
    %dma_wait3A_13 = tpu.memref_slice %arg4[%mul3A_2, %dma_wait3A_12] : memref<65536x128xf32, #tpu.memory_space<hbm>> -> memref<256x128xf32, #tpu.memory_space<hbm>>
    %dma_wait3A_14 = arith.constant 0 : i32
    %dma_wait3A_15 = tpu.memref_slice %arg4[%mul3A_2, %dma_wait3A_14] : memref<65536x128xf32, #tpu.memory_space<hbm>> -> memref<256x128xf32, #tpu.memory_space<hbm>>
    tpu.wait_dma2 semaphore(%arg10 : memref<!tpu.dma_semaphore, #tpu.memory_space<semaphore_mem>>) src(%arg7 : memref<256x128xf32, #tpu.memory_space<vmem>>) dst(%dma_wait3A_15 : memref<256x128xf32, #tpu.memory_space<hbm>>)
    return
  }
}

module attributes {stable_mosaic.version = 14 : i64} {
  func.func @_fps_body(%arg0: memref<3x8x2048xf32, #tpu.memory_space<vmem>>, %arg1: memref<512x3x8xf32, #tpu.memory_space<vmem>>) attributes {dimension_semantics = [], scalar_prefetch = 0 : i64, scratch_operands = 0 : i64, tpu.core_type = #tpu.core_type<tc>} {
    %get3A = arith.constant 0 : index
    %get3A_0 = arith.constant 0 : index
    %get3A_1 = arith.constant 0 : index
    %get3A_2 = vector.load %arg0[%get3A, %get3A_0, %get3A_1] : memref<3x8x2048xf32, #tpu.memory_space<vmem>>, vector<1x8x2048xf32>
    %get3A_3 = vector.shape_cast %get3A_2 : vector<1x8x2048xf32> to vector<8x2048xf32>
    %get3A_4 = arith.constant 1 : index
    %get3A_5 = arith.constant 0 : index
    %get3A_6 = arith.constant 0 : index
    %get3A_7 = vector.load %arg0[%get3A_4, %get3A_5, %get3A_6] : memref<3x8x2048xf32, #tpu.memory_space<vmem>>, vector<1x8x2048xf32>
    %get3A_8 = vector.shape_cast %get3A_7 : vector<1x8x2048xf32> to vector<8x2048xf32>
    %get3A_9 = arith.constant 2 : index
    %get3A_10 = arith.constant 0 : index
    %get3A_11 = arith.constant 0 : index
    %get3A_12 = vector.load %arg0[%get3A_9, %get3A_10, %get3A_11] : memref<3x8x2048xf32, #tpu.memory_space<vmem>>, vector<1x8x2048xf32>
    %get3A_13 = vector.shape_cast %get3A_12 : vector<1x8x2048xf32> to vector<8x2048xf32>
    %slice3A = vector.extract_strided_slice %get3A_3 {offsets = [0, 0], sizes = [8, 1], strides = [1, 1]} : vector<8x2048xf32> to vector<8x1xf32>
    %squeeze3A = vector.shape_cast %slice3A : vector<8x1xf32> to vector<8xf32>
    %slice3A_14 = vector.extract_strided_slice %get3A_8 {offsets = [0, 0], sizes = [8, 1], strides = [1, 1]} : vector<8x2048xf32> to vector<8x1xf32>
    %squeeze3A_15 = vector.shape_cast %slice3A_14 : vector<8x1xf32> to vector<8xf32>
    %slice3A_16 = vector.extract_strided_slice %get3A_13 {offsets = [0, 0], sizes = [8, 1], strides = [1, 1]} : vector<8x2048xf32> to vector<8x1xf32>
    %squeeze3A_17 = vector.shape_cast %slice3A_16 : vector<8x1xf32> to vector<8xf32>
    %stack3A = vector.shape_cast %squeeze3A : vector<8xf32> to vector<1x8xf32>
    %stack3A_18 = vector.shape_cast %squeeze3A_15 : vector<8xf32> to vector<1x8xf32>
    %stack3A_19 = vector.shape_cast %squeeze3A_17 : vector<8xf32> to vector<1x8xf32>
    %stack3A_20 = tpu.concatenate %stack3A, %stack3A_18, %stack3A_19 in 0 : vector<1x8xf32>, vector<1x8xf32>, vector<1x8xf32> -> vector<3x8xf32>
    %broadcast_in_dim3A = vector.shape_cast %stack3A_20 : vector<3x8xf32> to vector<1x3x8xf32>
    %swap3A = arith.constant 0 : index
    %swap3A_21 = arith.constant 0 : index
    %swap3A_22 = arith.constant 0 : index
    %swap3A_23 = vector.load %arg1[%swap3A, %swap3A_21, %swap3A_22] : memref<512x3x8xf32, #tpu.memory_space<vmem>>, vector<1x3x8xf32>
    tpu.vector_store %arg1[%swap3A, %swap3A_21, %swap3A_22], %broadcast_in_dim3A {strides = array<i32>} : memref<512x3x8xf32, #tpu.memory_space<vmem>>, vector<1x3x8xf32>,
    %broadcast_in_dim3A_24 = vector.shape_cast %squeeze3A : vector<8xf32> to vector<8x1xf32>
    %sub3A = vector.broadcast %broadcast_in_dim3A_24 : vector<8x1xf32> to vector<8x2048xf32>
    %sub3A_25 = arith.subf %get3A_3, %sub3A : vector<8x2048xf32>
    %integer_pow3A = arith.mulf %sub3A_25, %sub3A_25 : vector<8x2048xf32>
    %broadcast_in_dim3A_26 = vector.shape_cast %squeeze3A_15 : vector<8xf32> to vector<8x1xf32>
    %sub3A_27 = vector.broadcast %broadcast_in_dim3A_26 : vector<8x1xf32> to vector<8x2048xf32>
    %sub3A_28 = arith.subf %get3A_8, %sub3A_27 : vector<8x2048xf32>
    %integer_pow3A_29 = arith.mulf %sub3A_28, %sub3A_28 : vector<8x2048xf32>
    %add3A = arith.addf %integer_pow3A, %integer_pow3A_29 : vector<8x2048xf32>
    %broadcast_in_dim3A_30 = vector.shape_cast %squeeze3A_17 : vector<8xf32> to vector<8x1xf32>
    %sub3A_31 = vector.broadcast %broadcast_in_dim3A_30 : vector<8x1xf32> to vector<8x2048xf32>
    %sub3A_32 = arith.subf %get3A_13, %sub3A_31 : vector<8x2048xf32>
    %integer_pow3A_33 = arith.mulf %sub3A_32, %sub3A_32 : vector<8x2048xf32>
    %add3A_34 = arith.addf %add3A, %integer_pow3A_33 : vector<8x2048xf32>
    %iota3A = tpu.iota {dimensions = array<i32: 1>} : vector<8x2048xi32>
    %scan3A = arith.constant 1 : i32
    %scan3A_35 = arith.constant 511 : i32
    %scan3A_36 = arith.addi %scan3A, %scan3A_35 : i32
    %scan3A_37 = arith.constant 1 : i32
    %scan3A_38 = scf.for %scan3A_40 = %scan3A to %scan3A_36 step %scan3A_37 iter_args(%scan3A_41 = %add3A_34) -> (vector<8x2048xf32>)  : i32 {
      %argmax3A = tpu.reduce_index %scan3A_41 {axis = 1 : i32, kind = #tpu.reduction_kind<arg_max>} : vector<8x2048xf32> -> vector<8xi32>
      %broadcast_in_dim3A_42 = vector.shape_cast %argmax3A : vector<8xi32> to vector<8x1xi32>
      %eq3A = vector.broadcast %broadcast_in_dim3A_42 : vector<8x1xi32> to vector<8x2048xi32>
      %eq3A_43 = arith.cmpi eq, %iota3A, %eq3A : vector<8x2048xi32>
      %jit3A = arith.constant 0.000000e+00 : f32
      %broadcast_in_dim3A_44 = vector.broadcast %jit3A : f32 to vector<8x2048xf32>
      %select_n3A = arith.select %eq3A_43, %get3A_3, %broadcast_in_dim3A_44 : vector<8x2048xi1>, vector<8x2048xf32>
      %reduce_sum3A = arith.constant dense<0.000000e+00> : vector<8xf32>
      %reduce_sum3A_45 = vector.multi_reduction <add>, %select_n3A, %reduce_sum3A [1] : vector<8x2048xf32> to vector<8xf32>
      %jit3A_46 = arith.constant 0.000000e+00 : f32
      %broadcast_in_dim3A_47 = vector.broadcast %jit3A_46 : f32 to vector<8x2048xf32>
      %select_n3A_48 = arith.select %eq3A_43, %get3A_8, %broadcast_in_dim3A_47 : vector<8x2048xi1>, vector<8x2048xf32>
      %reduce_sum3A_49 = arith.constant dense<0.000000e+00> : vector<8xf32>
      %reduce_sum3A_50 = vector.multi_reduction <add>, %select_n3A_48, %reduce_sum3A_49 [1] : vector<8x2048xf32> to vector<8xf32>
      %jit3A_51 = arith.constant 0.000000e+00 : f32
      %broadcast_in_dim3A_52 = vector.broadcast %jit3A_51 : f32 to vector<8x2048xf32>
      %select_n3A_53 = arith.select %eq3A_43, %get3A_13, %broadcast_in_dim3A_52 : vector<8x2048xi1>, vector<8x2048xf32>
      %reduce_sum3A_54 = arith.constant dense<0.000000e+00> : vector<8xf32>
      %reduce_sum3A_55 = vector.multi_reduction <add>, %select_n3A_53, %reduce_sum3A_54 [1] : vector<8x2048xf32> to vector<8xf32>
      %stack3A_56 = vector.shape_cast %reduce_sum3A_45 : vector<8xf32> to vector<1x8xf32>
      %stack3A_57 = vector.shape_cast %reduce_sum3A_50 : vector<8xf32> to vector<1x8xf32>
      %stack3A_58 = vector.shape_cast %reduce_sum3A_55 : vector<8xf32> to vector<1x8xf32>
      %stack3A_59 = tpu.concatenate %stack3A_56, %stack3A_57, %stack3A_58 in 0 : vector<1x8xf32>, vector<1x8xf32>, vector<1x8xf32> -> vector<3x8xf32>
      %broadcast_in_dim3A_60 = vector.shape_cast %stack3A_59 : vector<3x8xf32> to vector<1x3x8xf32>
      %swap3A_61 = arith.index_cast %scan3A_40 : i32 to index
      %swap3A_62 = arith.constant 0 : index
      %swap3A_63 = arith.constant 0 : index
      %swap3A_64 = vector.load %arg1[%swap3A_61, %swap3A_62, %swap3A_63] : memref<512x3x8xf32, #tpu.memory_space<vmem>>, vector<1x3x8xf32>
      tpu.vector_store %arg1[%swap3A_61, %swap3A_62, %swap3A_63], %broadcast_in_dim3A_60 {strides = array<i32>} : memref<512x3x8xf32, #tpu.memory_space<vmem>>, vector<1x3x8xf32>,
      %broadcast_in_dim3A_65 = vector.shape_cast %reduce_sum3A_45 : vector<8xf32> to vector<8x1xf32>
      %sub3A_66 = vector.broadcast %broadcast_in_dim3A_65 : vector<8x1xf32> to vector<8x2048xf32>
      %sub3A_67 = arith.subf %get3A_3, %sub3A_66 : vector<8x2048xf32>
      %integer_pow3A_68 = arith.mulf %sub3A_67, %sub3A_67 : vector<8x2048xf32>
      %broadcast_in_dim3A_69 = vector.shape_cast %reduce_sum3A_50 : vector<8xf32> to vector<8x1xf32>
      %sub3A_70 = vector.broadcast %broadcast_in_dim3A_69 : vector<8x1xf32> to vector<8x2048xf32>
      %sub3A_71 = arith.subf %get3A_8, %sub3A_70 : vector<8x2048xf32>
      %integer_pow3A_72 = arith.mulf %sub3A_71, %sub3A_71 : vector<8x2048xf32>
      %add3A_73 = arith.addf %integer_pow3A_68, %integer_pow3A_72 : vector<8x2048xf32>
      %broadcast_in_dim3A_74 = vector.shape_cast %reduce_sum3A_55 : vector<8xf32> to vector<8x1xf32>
      %sub3A_75 = vector.broadcast %broadcast_in_dim3A_74 : vector<8x1xf32> to vector<8x2048xf32>
      %sub3A_76 = arith.subf %get3A_13, %sub3A_75 : vector<8x2048xf32>
      %integer_pow3A_77 = arith.mulf %sub3A_76, %sub3A_76 : vector<8x2048xf32>
      %add3A_78 = arith.addf %add3A_73, %integer_pow3A_77 : vector<8x2048xf32>
      %min3A = arith.minimumf %scan3A_41, %add3A_78 : vector<8x2048xf32>
      scf.yield %min3A : vector<8x2048xf32>
    }
    %scan3A_39 = arith.constant 511 : i32
    return
  }
}

module attributes {stable_mosaic.version = 14 : i64} {
  func.func @_ballq_body(%arg0: i32, %arg1: i32, %arg2: memref<1x3x2048xf32, #tpu.memory_space<vmem>>, %arg3: memref<1x3x128xf32, #tpu.memory_space<vmem>>, %arg4: memref<1x64x1x128xi32, #tpu.memory_space<vmem>>) attributes {dimension_semantics = [#tpu.dimension_semantics<arbitrary>, #tpu.dimension_semantics<arbitrary>], iteration_bounds = array<i64: 2, 4>, scalar_prefetch = 0 : i64, scratch_operands = 0 : i64, tpu.core_type = #tpu.core_type<tc>, window_params = [{transform_indices = @transform_0, window_bounds = array<i64: 1, 3, 2048>}, {transform_indices = @transform_1, window_bounds = array<i64: 1, 3, 128>}, {transform_indices = @transform_2, window_bounds = array<i64: 1, 64, 1, 128>}]} {
    %add3A = arith.constant 6 : i32
    %add3A_0 = arith.addi %arg0, %add3A : i32
    %get3A = arith.constant 0 : index
    %get3A_1 = arith.constant 0 : index
    %get3A_2 = arith.constant 0 : index
    %get3A_3 = vector.load %arg2[%get3A, %get3A_1, %get3A_2] : memref<1x3x2048xf32, #tpu.memory_space<vmem>>, vector<1x3x2048xf32>
    %get3A_4 = vector.shape_cast %get3A_3 : vector<1x3x2048xf32> to vector<3x2048xf32>
    %get3A_5 = arith.constant 0 : index
    %get3A_6 = arith.constant 0 : index
    %get3A_7 = arith.constant 0 : index
    %get3A_8 = vector.load %arg3[%get3A_5, %get3A_6, %get3A_7] : memref<1x3x128xf32, #tpu.memory_space<vmem>>, vector<1x3x128xf32>
    %get3A_9 = vector.shape_cast %get3A_8 : vector<1x3x128xf32> to vector<3x128xf32>
    %slice3A = vector.extract_strided_slice %get3A_9 {offsets = [0, 0], sizes = [1, 128], strides = [1, 1]} : vector<3x128xf32> to vector<1x128xf32>
    %squeeze3A = vector.shape_cast %slice3A : vector<1x128xf32> to vector<128xf32>
    %broadcast_in_dim3A = vector.shape_cast %squeeze3A : vector<128xf32> to vector<128x1xf32>
    %slice3A_10 = vector.extract_strided_slice %get3A_4 {offsets = [0, 0], sizes = [1, 2048], strides = [1, 1]} : vector<3x2048xf32> to vector<1x2048xf32>
    %squeeze3A_11 = vector.shape_cast %slice3A_10 : vector<1x2048xf32> to vector<2048xf32>
    %broadcast_in_dim3A_12 = vector.shape_cast %squeeze3A_11 : vector<2048xf32> to vector<1x2048xf32>
    %sub3A = vector.broadcast %broadcast_in_dim3A : vector<128x1xf32> to vector<128x2048xf32>
    %sub3A_13 = vector.broadcast %broadcast_in_dim3A_12 : vector<1x2048xf32> to vector<128x2048xf32>
    %sub3A_14 = arith.subf %sub3A, %sub3A_13 : vector<128x2048xf32>
    %integer_pow3A = arith.mulf %sub3A_14, %sub3A_14 : vector<128x2048xf32>
    %slice3A_15 = vector.extract_strided_slice %get3A_9 {offsets = [1, 0], sizes = [1, 128], strides = [1, 1]} : vector<3x128xf32> to vector<1x128xf32>
    %squeeze3A_16 = vector.shape_cast %slice3A_15 : vector<1x128xf32> to vector<128xf32>
    %broadcast_in_dim3A_17 = vector.shape_cast %squeeze3A_16 : vector<128xf32> to vector<128x1xf32>
    %slice3A_18 = vector.extract_strided_slice %get3A_4 {offsets = [1, 0], sizes = [1, 2048], strides = [1, 1]} : vector<3x2048xf32> to vector<1x2048xf32>
    %squeeze3A_19 = vector.shape_cast %slice3A_18 : vector<1x2048xf32> to vector<2048xf32>
    %broadcast_in_dim3A_20 = vector.shape_cast %squeeze3A_19 : vector<2048xf32> to vector<1x2048xf32>
    %sub3A_21 = vector.broadcast %broadcast_in_dim3A_17 : vector<128x1xf32> to vector<128x2048xf32>
    %sub3A_22 = vector.broadcast %broadcast_in_dim3A_20 : vector<1x2048xf32> to vector<128x2048xf32>
    %sub3A_23 = arith.subf %sub3A_21, %sub3A_22 : vector<128x2048xf32>
    %integer_pow3A_24 = arith.mulf %sub3A_23, %sub3A_23 : vector<128x2048xf32>
    %add3A_25 = arith.addf %integer_pow3A, %integer_pow3A_24 : vector<128x2048xf32>
    %slice3A_26 = vector.extract_strided_slice %get3A_9 {offsets = [2, 0], sizes = [1, 128], strides = [1, 1]} : vector<3x128xf32> to vector<1x128xf32>
    %squeeze3A_27 = vector.shape_cast %slice3A_26 : vector<1x128xf32> to vector<128xf32>
    %broadcast_in_dim3A_28 = vector.shape_cast %squeeze3A_27 : vector<128xf32> to vector<128x1xf32>
    %slice3A_29 = vector.extract_strided_slice %get3A_4 {offsets = [2, 0], sizes = [1, 2048], strides = [1, 1]} : vector<3x2048xf32> to vector<1x2048xf32>
    %squeeze3A_30 = vector.shape_cast %slice3A_29 : vector<1x2048xf32> to vector<2048xf32>
    %broadcast_in_dim3A_31 = vector.shape_cast %squeeze3A_30 : vector<2048xf32> to vector<1x2048xf32>
    %sub3A_32 = vector.broadcast %broadcast_in_dim3A_28 : vector<128x1xf32> to vector<128x2048xf32>
    %sub3A_33 = vector.broadcast %broadcast_in_dim3A_31 : vector<1x2048xf32> to vector<128x2048xf32>
    %sub3A_34 = arith.subf %sub3A_32, %sub3A_33 : vector<128x2048xf32>
    %integer_pow3A_35 = arith.mulf %sub3A_34, %sub3A_34 : vector<128x2048xf32>
    %add3A_36 = arith.addf %add3A_25, %integer_pow3A_35 : vector<128x2048xf32>
    %le3A = arith.constant 4.000000e-02 : f32
    %le3A_37 = vector.broadcast %le3A : f32 to vector<128x2048xf32>
    %le3A_38 = arith.cmpf ole, %add3A_36, %le3A_37 : vector<128x2048xf32>
    %jit3A = arith.constant 0x7F800000 : f32
    %broadcast_in_dim3A_39 = vector.broadcast %jit3A : f32 to vector<128x2048xf32>
    %select_n3A = arith.select %le3A_38, %add3A_36, %broadcast_in_dim3A_39 : vector<128x2048xi1>, vector<128x2048xf32>
    %bitcast_convert_type3A = tpu.bitcast %select_n3A : vector<128x2048xf32> -> vector<128x2048xi32>
    %mul3A = arith.constant 2048 : i32
    %mul3A_40 = arith.muli %add3A_0, %mul3A : i32
    %iota3A = tpu.iota {dimensions = array<i32: 1>} : vector<128x2048xi32>
    %convert_element_type3A = arith.sitofp %iota3A : vector<128x2048xi32> to vector<128x2048xf32>
    %broadcast_in_dim3A_41 = arith.constant 0 : i32
    %broadcast_in_dim3A_42 = vector.broadcast %broadcast_in_dim3A_41 : i32 to vector<128xi32>
    %broadcast_in_dim3A_43 = arith.constant 1025758986 : i32
    %broadcast_in_dim3A_44 = vector.broadcast %broadcast_in_dim3A_43 : i32 to vector<128xi32>
    %scan3A = arith.constant 0 : i32
    %scan3A_45 = arith.constant 31 : i32
    %scan3A_46 = arith.addi %scan3A, %scan3A_45 : i32
    %scan3A_47 = arith.constant 1 : i32
    %scan3A_48:2 = scf.for %scan3A_134 = %scan3A to %scan3A_46 step %scan3A_47 iter_args(%scan3A_135 = %broadcast_in_dim3A_42, %scan3A_136 = %broadcast_in_dim3A_44) -> (vector<128xi32>, vector<128xi32>)  : i32 {
      %add3A_137 = arith.addi %scan3A_135, %scan3A_136 : vector<128xi32>
      %jit3A_138 = arith.constant 2 : i32
      %div3A = vector.broadcast %jit3A_138 : i32 to vector<128xi32>
      %div3A_139 = arith.divsi %add3A_137, %div3A : vector<128xi32>
      %sign3A = arith.constant 0 : i32
      %sign3A_140 = vector.broadcast %sign3A : i32 to vector<128xi32>
      %sign3A_141 = arith.cmpi sgt, %add3A_137, %sign3A_140 : vector<128xi32>
      %sign3A_142 = arith.extui %sign3A_141 : vector<128xi1> to vector<128xi32>
      %sign3A_143 = arith.constant 0 : i32
      %sign3A_144 = vector.broadcast %sign3A_143 : i32 to vector<128xi32>
      %sign3A_145 = arith.cmpi slt, %add3A_137, %sign3A_144 : vector<128xi32>
      %sign3A_146 = arith.extui %sign3A_145 : vector<128xi1> to vector<128xi32>
      %sign3A_147 = arith.subi %sign3A_142, %sign3A_146 : vector<128xi32>
      %sign3A_148 = arith.constant 0 : i32
      %sign3A_149 = arith.cmpi sgt, %jit3A_138, %sign3A_148 : i32
      %sign3A_150 = arith.extui %sign3A_149 : i1 to i32
      %sign3A_151 = arith.constant 0 : i32
      %sign3A_152 = arith.cmpi slt, %jit3A_138, %sign3A_151 : i32
      %sign3A_153 = arith.extui %sign3A_152 : i1 to i32
      %sign3A_154 = arith.subi %sign3A_150, %sign3A_153 : i32
      %ne3A = vector.broadcast %sign3A_154 : i32 to vector<128xi32>
      %ne3A_155 = arith.cmpi ne, %sign3A_147, %ne3A : vector<128xi32>
      %rem3A = vector.broadcast %jit3A_138 : i32 to vector<128xi32>
      %rem3A_156 = arith.remsi %add3A_137, %rem3A : vector<128xi32>
      %ne3A_157 = arith.constant 0 : i32
      %ne3A_158 = vector.broadcast %ne3A_157 : i32 to vector<128xi32>
      %ne3A_159 = arith.cmpi ne, %rem3A_156, %ne3A_158 : vector<128xi32>
      %and3A_160 = arith.andi %ne3A_155, %ne3A_159 : vector<128xi1>
      %sub3A_161 = arith.constant 1 : i32
      %sub3A_162 = vector.broadcast %sub3A_161 : i32 to vector<128xi32>
      %sub3A_163 = arith.subi %div3A_139, %sub3A_162 : vector<128xi32>
      %select_n3A_164 = arith.select %and3A_160, %sub3A_163, %div3A_139 : vector<128xi1>, vector<128xi32>
      %broadcast_in_dim3A_165 = vector.shape_cast %select_n3A_164 : vector<128xi32> to vector<128x1xi32>
      %le3A_166 = vector.broadcast %broadcast_in_dim3A_165 : vector<128x1xi32> to vector<128x2048xi32>
      %le3A_167 = arith.cmpi sle, %bitcast_convert_type3A, %le3A_166 : vector<128x2048xi32>
      %convert_element_type3A_168 = arith.extui %le3A_167 : vector<128x2048xi1> to vector<128x2048xi32>
      %convert_element_type3A_169 = arith.sitofp %convert_element_type3A_168 : vector<128x2048xi32> to vector<128x2048xf32>
      %reduce_sum3A_170 = arith.constant dense<0.000000e+00> : vector<128xf32>
      %reduce_sum3A_171 = vector.multi_reduction <add>, %convert_element_type3A_169, %reduce_sum3A_170 [1] : vector<128x2048xf32> to vector<128xf32>
      %ge3A = arith.constant 6.400000e+01 : f32
      %ge3A_172 = vector.broadcast %ge3A : f32 to vector<128xf32>
      %ge3A_173 = arith.cmpf oge, %reduce_sum3A_171, %ge3A_172 : vector<128xf32>
      %add3A_174 = arith.constant 1 : i32
      %add3A_175 = vector.broadcast %add3A_174 : i32 to vector<128xi32>
      %add3A_176 = arith.addi %select_n3A_164, %add3A_175 : vector<128xi32>
      %select_n3A_177 = arith.select %ge3A_173, %scan3A_135, %add3A_176 : vector<128xi1>, vector<128xi32>
      %select_n3A_178 = arith.select %ge3A_173, %select_n3A_164, %scan3A_136 : vector<128xi1>, vector<128xi32>
      scf.yield %select_n3A_177, %select_n3A_178 : vector<128xi32>, vector<128xi32>
    }
    %broadcast_in_dim3A_49 = vector.shape_cast %scan3A_48#1 : vector<128xi32> to vector<128x1xi32>
    %lt3A = vector.broadcast %broadcast_in_dim3A_49 : vector<128x1xi32> to vector<128x2048xi32>
    %lt3A_50 = arith.cmpi slt, %bitcast_convert_type3A, %lt3A : vector<128x2048xi32>
    %broadcast_in_dim3A_51 = vector.shape_cast %scan3A_48#1 : vector<128xi32> to vector<128x1xi32>
    %eq3A = vector.broadcast %broadcast_in_dim3A_51 : vector<128x1xi32> to vector<128x2048xi32>
    %eq3A_52 = arith.cmpi eq, %bitcast_convert_type3A, %eq3A : vector<128x2048xi32>
    %convert_element_type3A_53 = arith.extui %lt3A_50 : vector<128x2048xi1> to vector<128x2048xi32>
    %convert_element_type3A_54 = arith.sitofp %convert_element_type3A_53 : vector<128x2048xi32> to vector<128x2048xf32>
    %reduce_sum3A = arith.constant dense<0.000000e+00> : vector<128xf32>
    %reduce_sum3A_55 = vector.multi_reduction <add>, %convert_element_type3A_54, %reduce_sum3A [1] : vector<128x2048xf32> to vector<128xf32>
    %convert_element_type3A_56 = arith.extui %eq3A_52 : vector<128x2048xi1> to vector<128x2048xi32>
    %convert_element_type3A_57 = arith.sitofp %convert_element_type3A_56 : vector<128x2048xi32> to vector<128x2048xf32>
    %iota3A_58 = tpu.iota {dimensions = array<i32: 0>} : vector<128x128xi32>
    %iota3A_59 = tpu.iota {dimensions = array<i32: 1>} : vector<128x128xi32>
    %le3A_60 = arith.cmpi sle, %iota3A_58, %iota3A_59 : vector<128x128xi32>
    %convert_element_type3A_61 = arith.extui %le3A_60 : vector<128x128xi1> to vector<128x128xi32>
    %convert_element_type3A_62 = arith.sitofp %convert_element_type3A_61 : vector<128x128xi32> to vector<128x128xf32>
    %reshape3A = vector.shape_cast %convert_element_type3A_57 : vector<128x2048xf32> to vector<2048x128xf32>
    %dot_general3A = arith.constant dense<0.000000e+00> : vector<2048x128xf32>
    %dot_general3A_63 = tpu.matmul %reshape3A, %convert_element_type3A_62, %dot_general3A {dimension_numbers = #tpu.dot_dimension_numbers<[1], [0], [0], [1], [0, 0, 1, 1], [], []>, transpose_lhs_hint = false} : vector<2048x128xf32>, vector<128x128xf32>, vector<2048x128xf32> -> vector<2048x128xf32>
    %reshape3A_64 = vector.shape_cast %dot_general3A_63 : vector<2048x128xf32> to vector<128x16x128xf32>
    %slice3A_65 = vector.extract_strided_slice %reshape3A_64 {offsets = [0, 0, 127], sizes = [128, 16, 1], strides = [1, 1, 1]} : vector<128x16x128xf32> to vector<128x16x1xf32>
    %squeeze3A_66 = vector.shape_cast %slice3A_65 : vector<128x16x1xf32> to vector<128x16xf32>
    %iota3A_67 = tpu.iota {dimensions = array<i32: 0>} : vector<16x16xi32>
    %iota3A_68 = tpu.iota {dimensions = array<i32: 1>} : vector<16x16xi32>
    %lt3A_69 = arith.cmpi slt, %iota3A_67, %iota3A_68 : vector<16x16xi32>
    %convert_element_type3A_70 = arith.extui %lt3A_69 : vector<16x16xi1> to vector<16x16xi32>
    %convert_element_type3A_71 = arith.sitofp %convert_element_type3A_70 : vector<16x16xi32> to vector<16x16xf32>
    %dot_general3A_72 = arith.constant dense<0.000000e+00> : vector<128x16xf32>
    %dot_general3A_73 = tpu.matmul %squeeze3A_66, %convert_element_type3A_71, %dot_general3A_72 {dimension_numbers = #tpu.dot_dimension_numbers<[1], [0], [0], [1], [0, 0, 1, 1], [], []>, transpose_lhs_hint = false} : vector<128x16xf32>, vector<16x16xf32>, vector<128x16xf32> -> vector<128x16xf32>
    %broadcast_in_dim3A_74 = vector.shape_cast %dot_general3A_73 : vector<128x16xf32> to vector<128x16x1xf32>
    %add3A_75 = vector.broadcast %broadcast_in_dim3A_74 : vector<128x16x1xf32> to vector<128x16x128xf32>
    %add3A_76 = arith.addf %reshape3A_64, %add3A_75 : vector<128x16x128xf32>
    %reshape3A_77 = vector.shape_cast %add3A_76 : vector<128x16x128xf32> to vector<128x2048xf32>
    %sub3A_78 = arith.constant 6.400000e+01 : f32
    %sub3A_79 = vector.broadcast %sub3A_78 : f32 to vector<128xf32>
    %sub3A_80 = arith.subf %sub3A_79, %reduce_sum3A_55 : vector<128xf32>
    %broadcast_in_dim3A_81 = vector.shape_cast %sub3A_80 : vector<128xf32> to vector<128x1xf32>
    %le3A_82 = vector.broadcast %broadcast_in_dim3A_81 : vector<128x1xf32> to vector<128x2048xf32>
    %le3A_83 = arith.cmpf ole, %reshape3A_77, %le3A_82 : vector<128x2048xf32>
    %and3A = arith.andi %eq3A_52, %le3A_83 : vector<128x2048xi1>
    %or3A = arith.ori %lt3A_50, %and3A : vector<128x2048xi1>
    %convert_element_type3A_84 = arith.extui %or3A : vector<128x2048xi1> to vector<128x2048xi32>
    %convert_element_type3A_85 = arith.sitofp %convert_element_type3A_84 : vector<128x2048xi32> to vector<128x2048xf32>
    %iota3A_86 = tpu.iota {dimensions = array<i32: 0>} : vector<128x128xi32>
    %iota3A_87 = tpu.iota {dimensions = array<i32: 1>} : vector<128x128xi32>
    %le3A_88 = arith.cmpi sle, %iota3A_86, %iota3A_87 : vector<128x128xi32>
    %convert_element_type3A_89 = arith.extui %le3A_88 : vector<128x128xi1> to vector<128x128xi32>
    %convert_element_type3A_90 = arith.sitofp %convert_element_type3A_89 : vector<128x128xi32> to vector<128x128xf32>
    %reshape3A_91 = vector.shape_cast %convert_element_type3A_85 : vector<128x2048xf32> to vector<2048x128xf32>
    %dot_general3A_92 = arith.constant dense<0.000000e+00> : vector<2048x128xf32>
    %dot_general3A_93 = tpu.matmul %reshape3A_91, %convert_element_type3A_90, %dot_general3A_92 {dimension_numbers = #tpu.dot_dimension_numbers<[1], [0], [0], [1], [0, 0, 1, 1], [], []>, transpose_lhs_hint = false} : vector<2048x128xf32>, vector<128x128xf32>, vector<2048x128xf32> -> vector<2048x128xf32>
    %reshape3A_94 = vector.shape_cast %dot_general3A_93 : vector<2048x128xf32> to vector<128x16x128xf32>
    %slice3A_95 = vector.extract_strided_slice %reshape3A_94 {offsets = [0, 0, 127], sizes = [128, 16, 1], strides = [1, 1, 1]} : vector<128x16x128xf32> to vector<128x16x1xf32>
    %squeeze3A_96 = vector.shape_cast %slice3A_95 : vector<128x16x1xf32> to vector<128x16xf32>
    %iota3A_97 = tpu.iota {dimensions = array<i32: 0>} : vector<16x16xi32>
    %iota3A_98 = tpu.iota {dimensions = array<i32: 1>} : vector<16x16xi32>
    %lt3A_99 = arith.cmpi slt, %iota3A_97, %iota3A_98 : vector<16x16xi32>
    %convert_element_type3A_100 = arith.extui %lt3A_99 : vector<16x16xi1> to vector<16x16xi32>
    %convert_element_type3A_101 = arith.sitofp %convert_element_type3A_100 : vector<16x16xi32> to vector<16x16xf32>
    %dot_general3A_102 = arith.constant dense<0.000000e+00> : vector<128x16xf32>
    %dot_general3A_103 = tpu.matmul %squeeze3A_96, %convert_element_type3A_101, %dot_general3A_102 {dimension_numbers = #tpu.dot_dimension_numbers<[1], [0], [0], [1], [0, 0, 1, 1], [], []>, transpose_lhs_hint = false} : vector<128x16xf32>, vector<16x16xf32>, vector<128x16xf32> -> vector<128x16xf32>
    %broadcast_in_dim3A_104 = vector.shape_cast %dot_general3A_103 : vector<128x16xf32> to vector<128x16x1xf32>
    %add3A_105 = vector.broadcast %broadcast_in_dim3A_104 : vector<128x16x1xf32> to vector<128x16x128xf32>
    %add3A_106 = arith.addf %reshape3A_94, %add3A_105 : vector<128x16x128xf32>
    %reshape3A_107 = vector.shape_cast %add3A_106 : vector<128x16x128xf32> to vector<128x2048xf32>
    %jit3A_108 = arith.constant 0.000000e+00 : f32
    %broadcast_in_dim3A_109 = vector.broadcast %jit3A_108 : f32 to vector<128x2048xf32>
    %select_n3A_110 = arith.select %or3A, %reshape3A_107, %broadcast_in_dim3A_109 : vector<128x2048xi1>, vector<128x2048xf32>
    %reduce_sum3A_111 = arith.constant dense<0.000000e+00> : vector<128xf32>
    %reduce_sum3A_112 = vector.multi_reduction <add>, %convert_element_type3A_85, %reduce_sum3A_111 [1] : vector<128x2048xf32> to vector<128xf32>
    %eq3A_113 = arith.constant 1.000000e+00 : f32
    %eq3A_114 = vector.broadcast %eq3A_113 : f32 to vector<128x2048xf32>
    %eq3A_115 = arith.cmpf oeq, %select_n3A_110, %eq3A_114 : vector<128x2048xf32>
    %jit3A_116 = arith.constant 0.000000e+00 : f32
    %broadcast_in_dim3A_117 = vector.broadcast %jit3A_116 : f32 to vector<128x2048xf32>
    %select_n3A_118 = arith.select %eq3A_115, %convert_element_type3A, %broadcast_in_dim3A_117 : vector<128x2048xi1>, vector<128x2048xf32>
    %reduce_sum3A_119 = arith.constant dense<0.000000e+00> : vector<128xf32>
    %reduce_sum3A_120 = vector.multi_reduction <add>, %select_n3A_118, %reduce_sum3A_119 [1] : vector<128x2048xf32> to vector<128xf32>
    %convert_element_type3A_121 = arith.fptosi %reduce_sum3A_120 : vector<128xf32> to vector<128xi32>
    %add3A_122 = vector.broadcast %mul3A_40 : i32 to vector<128xi32>
    %add3A_123 = arith.addi %convert_element_type3A_121, %add3A_122 : vector<128xi32>
    %broadcast_in_dim3A_124 = vector.shape_cast %add3A_123 : vector<128xi32> to vector<1x1x1x128xi32>
    %swap3A = arith.constant 0 : index
    %swap3A_125 = arith.constant 0 : index
    %swap3A_126 = arith.constant 0 : index
    %swap3A_127 = arith.constant 0 : index
    %swap3A_128 = vector.load %arg4[%swap3A, %swap3A_125, %swap3A_126, %swap3A_127] : memref<1x64x1x128xi32, #tpu.memory_space<vmem>>, vector<1x1x1x128xi32>
    tpu.vector_store %arg4[%swap3A, %swap3A_125, %swap3A_126, %swap3A_127], %broadcast_in_dim3A_124 {strides = array<i32>} : memref<1x64x1x128xi32, #tpu.memory_space<vmem>>, vector<1x1x1x128xi32>,
    %scan3A_129 = arith.constant 0 : i32
    %scan3A_130 = arith.constant 32 : i32
    %scan3A_131 = arith.addi %scan3A_129, %scan3A_130 : i32
    %scan3A_132 = arith.constant 1 : i32
    scf.for %scan3A_134 = %scan3A_129 to %scan3A_131 step %scan3A_132  : i32 {
      %convert_element_type3A_135 = arith.sitofp %scan3A_134 : i32 to f32
      %mul3A_136 = arith.constant 2.000000e+00 : f32
      %mul3A_137 = arith.mulf %convert_element_type3A_135, %mul3A_136 : f32
      %add3A_138 = arith.constant 1.000000e+00 : f32
      %add3A_139 = arith.addf %mul3A_137, %add3A_138 : f32
      %eq3A_140 = vector.broadcast %add3A_139 : f32 to vector<128x2048xf32>
      %eq3A_141 = arith.cmpf oeq, %select_n3A_110, %eq3A_140 : vector<128x2048xf32>
      %jit3A_142 = arith.constant 0.000000e+00 : f32
      %broadcast_in_dim3A_143 = vector.broadcast %jit3A_142 : f32 to vector<128x2048xf32>
      %select_n3A_144 = arith.select %eq3A_141, %convert_element_type3A, %broadcast_in_dim3A_143 : vector<128x2048xi1>, vector<128x2048xf32>
      %add3A_145 = arith.constant 2.000000e+00 : f32
      %add3A_146 = arith.addf %mul3A_137, %add3A_145 : f32
      %eq3A_147 = vector.broadcast %add3A_146 : f32 to vector<128x2048xf32>
      %eq3A_148 = arith.cmpf oeq, %select_n3A_110, %eq3A_147 : vector<128x2048xf32>
      %mul3A_149 = arith.constant 4.096000e+03 : f32
      %mul3A_150 = vector.broadcast %mul3A_149 : f32 to vector<128x2048xf32>
      %mul3A_151 = arith.mulf %convert_element_type3A, %mul3A_150 : vector<128x2048xf32>
      %jit3A_152 = arith.constant 0.000000e+00 : f32
      %broadcast_in_dim3A_153 = vector.broadcast %jit3A_152 : f32 to vector<128x2048xf32>
      %select_n3A_154 = arith.select %eq3A_148, %mul3A_151, %broadcast_in_dim3A_153 : vector<128x2048xi1>, vector<128x2048xf32>
      %add3A_155 = arith.addf %select_n3A_144, %select_n3A_154 : vector<128x2048xf32>
      %reduce_sum3A_156 = arith.constant dense<0.000000e+00> : vector<128xf32>
      %reduce_sum3A_157 = vector.multi_reduction <add>, %add3A_155, %reduce_sum3A_156 [1] : vector<128x2048xf32> to vector<128xf32>
      %mul3A_158 = arith.constant 2.44140625E-4 : f32
      %mul3A_159 = vector.broadcast %mul3A_158 : f32 to vector<128xf32>
      %mul3A_160 = arith.mulf %reduce_sum3A_157, %mul3A_159 : vector<128xf32>
      %floor3A = math.floor %mul3A_160 : vector<128xf32>
      %mul3A_161 = arith.constant 4.096000e+03 : f32
      %mul3A_162 = vector.broadcast %mul3A_161 : f32 to vector<128xf32>
      %mul3A_163 = arith.mulf %floor3A, %mul3A_162 : vector<128xf32>
      %sub3A_164 = arith.subf %reduce_sum3A_157, %mul3A_163 : vector<128xf32>
      %lt3A_165 = vector.broadcast %mul3A_137 : f32 to vector<128xf32>
      %lt3A_166 = arith.cmpf olt, %lt3A_165, %reduce_sum3A_112 : vector<128xf32>
      %select_n3A_167 = arith.select %lt3A_166, %sub3A_164, %reduce_sum3A_120 : vector<128xi1>, vector<128xf32>
      %add3A_168 = arith.constant 1.000000e+00 : f32
      %add3A_169 = arith.addf %mul3A_137, %add3A_168 : f32
      %lt3A_170 = vector.broadcast %add3A_169 : f32 to vector<128xf32>
      %lt3A_171 = arith.cmpf olt, %lt3A_170, %reduce_sum3A_112 : vector<128xf32>
      %select_n3A_172 = arith.select %lt3A_171, %floor3A, %reduce_sum3A_120 : vector<128xi1>, vector<128xf32>
      %convert_element_type3A_173 = arith.fptosi %select_n3A_167 : vector<128xf32> to vector<128xi32>
      %add3A_174 = vector.broadcast %mul3A_40 : i32 to vector<128xi32>
      %add3A_175 = arith.addi %convert_element_type3A_173, %add3A_174 : vector<128xi32>
      %broadcast_in_dim3A_176 = vector.shape_cast %add3A_175 : vector<128xi32> to vector<1x1x1x128xi32>
      %mul3A_177 = arith.constant 2 : i32
      %mul3A_178 = arith.muli %mul3A_177, %scan3A_134 : i32
      %swap3A_179 = arith.constant 0 : index
      %swap3A_180 = arith.index_cast %mul3A_178 : i32 to index
      %swap3A_181 = arith.constant 0 : index
      %swap3A_182 = arith.constant 0 : index
      %swap3A_183 = vector.load %arg4[%swap3A_179, %swap3A_180, %swap3A_181, %swap3A_182] : memref<1x64x1x128xi32, #tpu.memory_space<vmem>>, vector<1x1x1x128xi32>
      tpu.vector_store %arg4[%swap3A_179, %swap3A_180, %swap3A_181, %swap3A_182], %broadcast_in_dim3A_176 {strides = array<i32>} : memref<1x64x1x128xi32, #tpu.memory_space<vmem>>, vector<1x1x1x128xi32>,
      %convert_element_type3A_184 = arith.fptosi %select_n3A_172 : vector<128xf32> to vector<128xi32>
      %add3A_185 = vector.broadcast %mul3A_40 : i32 to vector<128xi32>
      %add3A_186 = arith.addi %convert_element_type3A_184, %add3A_185 : vector<128xi32>
      %broadcast_in_dim3A_187 = vector.shape_cast %add3A_186 : vector<128xi32> to vector<1x1x1x128xi32>
      %mul3A_188 = arith.constant 2 : i32
      %mul3A_189 = arith.muli %mul3A_188, %scan3A_134 : i32
      %add3A_190 = arith.constant 1 : i32
      %add3A_191 = arith.addi %mul3A_189, %add3A_190 : i32
      %swap3A_192 = arith.constant 0 : index
      %swap3A_193 = arith.index_cast %add3A_191 : i32 to index
      %swap3A_194 = arith.constant 0 : index
      %swap3A_195 = arith.constant 0 : index
      %swap3A_196 = vector.load %arg4[%swap3A_192, %swap3A_193, %swap3A_194, %swap3A_195] : memref<1x64x1x128xi32, #tpu.memory_space<vmem>>, vector<1x1x1x128xi32>
      tpu.vector_store %arg4[%swap3A_192, %swap3A_193, %swap3A_194, %swap3A_195], %broadcast_in_dim3A_187 {strides = array<i32>} : memref<1x64x1x128xi32, #tpu.memory_space<vmem>>, vector<1x1x1x128xi32>,
    }
    %scan3A_133 = arith.constant 32 : i32
    return
  }
  func.func @transform_0(%arg0: i32, %arg1: i32) -> (i32, i32, i32) {
    %c0_i32 = arith.constant 0 : i32
    %c0_i32_0 = arith.constant 0 : i32
    %c0_i32_1 = arith.constant 0 : i32
    return %arg0, %c0_i32, %c0_i32_0 : i32, i32, i32
  }
  func.func @transform_1(%arg0: i32, %arg1: i32) -> (i32, i32, i32) {
    %c0_i32 = arith.constant 0 : i32
    %c0_i32_0 = arith.constant 0 : i32
    return %arg0, %c0_i32, %arg1 : i32, i32, i32
  }
  func.func @transform_2(%arg0: i32, %arg1: i32) -> (i32, i32, i32, i32) {
    %mul3A = arith.constant 4 : i32
    %mul3A_0 = arith.muli %arg0, %mul3A : i32
    %add3A = arith.addi %mul3A_0, %arg1 : i32
    %c0_i32 = arith.constant 0 : i32
    %c0_i32_1 = arith.constant 0 : i32
    %c0_i32_2 = arith.constant 0 : i32
    %c0_i32_3 = arith.constant 0 : i32
    return %add3A, %c0_i32, %c0_i32_1, %c0_i32_2 : i32, i32, i32, i32
  }
}

module attributes {stable_mosaic.version = 14 : i64} {
  func.func @_pre_body(%arg0: i32, %arg1: memref<2048x80xf32, #tpu.memory_space<vmem>>, %arg2: memref<80x128xf32, #tpu.memory_space<vmem>>, %arg3: memref<1x128xf32, #tpu.memory_space<vmem>>, %arg4: memref<2048x128xf32, #tpu.memory_space<vmem>>) attributes {dimension_semantics = [#tpu.dimension_semantics<arbitrary>], iteration_bounds = array<i64: 8>, scalar_prefetch = 0 : i64, scratch_operands = 0 : i64, tpu.core_type = #tpu.core_type<tc>, window_params = [{transform_indices = @transform_0, window_bounds = array<i64: 2048, 80>}, {pipeline_mode = #tpu.pipeline_mode<synchronous>, transform_indices = @transform_1, window_bounds = array<i64: 80, 128>}, {pipeline_mode = #tpu.pipeline_mode<synchronous>, transform_indices = @transform_2, window_bounds = array<i64: 1, 128>}, {transform_indices = @transform_3, window_bounds = array<i64: 2048, 128>}]} {
    %get3A = arith.constant 0 : index
    %get3A_0 = arith.constant 0 : index
    %get3A_1 = vector.load %arg1[%get3A, %get3A_0] : memref<2048x80xf32, #tpu.memory_space<vmem>>, vector<2048x80xf32>
    %get3A_2 = arith.constant 0 : index
    %get3A_3 = arith.constant 0 : index
    %get3A_4 = vector.load %arg2[%get3A_2, %get3A_3] : memref<80x128xf32, #tpu.memory_space<vmem>>, vector<80x128xf32>
    %dot_general3A = arith.constant dense<0.000000e+00> : vector<2048x128xf32>
    %dot_general3A_5 = tpu.matmul %get3A_1, %get3A_4, %dot_general3A {dimension_numbers = #tpu.dot_dimension_numbers<[1], [0], [0], [1], [0, 0, 1, 1], [], []>, transpose_lhs_hint = false} : vector<2048x80xf32>, vector<80x128xf32>, vector<2048x128xf32> -> vector<2048x128xf32>
    %get3A_6 = arith.constant 0 : index
    %get3A_7 = arith.constant 0 : index
    %get3A_8 = vector.load %arg3[%get3A_6, %get3A_7] : memref<1x128xf32, #tpu.memory_space<vmem>>, vector<1x128xf32>
    %add3A = vector.broadcast %get3A_8 : vector<1x128xf32> to vector<2048x128xf32>
    %add3A_9 = arith.addf %dot_general3A_5, %add3A : vector<2048x128xf32>
    %swap3A = arith.constant 0 : index
    %swap3A_10 = arith.constant 0 : index
    %swap3A_11 = vector.load %arg4[%swap3A, %swap3A_10] : memref<2048x128xf32, #tpu.memory_space<vmem>>, vector<2048x128xf32>
    tpu.vector_store %arg4[%swap3A, %swap3A_10], %add3A_9 {strides = array<i32>} : memref<2048x128xf32, #tpu.memory_space<vmem>>, vector<2048x128xf32>,
    return
  }
  func.func @transform_0(%arg0: i32) -> (i32, i32) {
    %c0_i32 = arith.constant 0 : i32
    %c0_i32_0 = arith.constant 0 : i32
    return %arg0, %c0_i32 : i32, i32
  }
  func.func @transform_1(%arg0: i32) -> (i32, i32) {
    %c0_i32 = arith.constant 0 : i32
    %c0_i32_0 = arith.constant 0 : i32
    %c0_i32_1 = arith.constant 0 : i32
    return %c0_i32, %c0_i32_0 : i32, i32
  }
  func.func @transform_2(%arg0: i32) -> (i32, i32) {
    %c0_i32 = arith.constant 0 : i32
    %c0_i32_0 = arith.constant 0 : i32
    %c0_i32_1 = arith.constant 0 : i32
    return %c0_i32, %c0_i32_0 : i32, i32
  }
  func.func @transform_3(%arg0: i32) -> (i32, i32) {
    %c0_i32 = arith.constant 0 : i32
    %c0_i32_0 = arith.constant 0 : i32
    return %arg0, %c0_i32 : i32, i32
  }
}

module attributes {stable_mosaic.version = 14 : i64} {
  func.func @_ballq_body(%arg0: i32, %arg1: i32, %arg2: memref<1x3x2048xf32, #tpu.memory_space<vmem>>, %arg3: memref<1x3x128xf32, #tpu.memory_space<vmem>>, %arg4: memref<1x64x1x128xi32, #tpu.memory_space<vmem>>) attributes {dimension_semantics = [#tpu.dimension_semantics<arbitrary>, #tpu.dimension_semantics<arbitrary>], iteration_bounds = array<i64: 2, 4>, scalar_prefetch = 0 : i64, scratch_operands = 0 : i64, tpu.core_type = #tpu.core_type<tc>, window_params = [{transform_indices = @transform_0, window_bounds = array<i64: 1, 3, 2048>}, {transform_indices = @transform_1, window_bounds = array<i64: 1, 3, 128>}, {transform_indices = @transform_2, window_bounds = array<i64: 1, 64, 1, 128>}]} {
    %add3A = arith.constant 4 : i32
    %add3A_0 = arith.addi %arg0, %add3A : i32
    %get3A = arith.constant 0 : index
    %get3A_1 = arith.constant 0 : index
    %get3A_2 = arith.constant 0 : index
    %get3A_3 = vector.load %arg2[%get3A, %get3A_1, %get3A_2] : memref<1x3x2048xf32, #tpu.memory_space<vmem>>, vector<1x3x2048xf32>
    %get3A_4 = vector.shape_cast %get3A_3 : vector<1x3x2048xf32> to vector<3x2048xf32>
    %get3A_5 = arith.constant 0 : index
    %get3A_6 = arith.constant 0 : index
    %get3A_7 = arith.constant 0 : index
    %get3A_8 = vector.load %arg3[%get3A_5, %get3A_6, %get3A_7] : memref<1x3x128xf32, #tpu.memory_space<vmem>>, vector<1x3x128xf32>
    %get3A_9 = vector.shape_cast %get3A_8 : vector<1x3x128xf32> to vector<3x128xf32>
    %slice3A = vector.extract_strided_slice %get3A_9 {offsets = [0, 0], sizes = [1, 128], strides = [1, 1]} : vector<3x128xf32> to vector<1x128xf32>
    %squeeze3A = vector.shape_cast %slice3A : vector<1x128xf32> to vector<128xf32>
    %broadcast_in_dim3A = vector.shape_cast %squeeze3A : vector<128xf32> to vector<128x1xf32>
    %slice3A_10 = vector.extract_strided_slice %get3A_4 {offsets = [0, 0], sizes = [1, 2048], strides = [1, 1]} : vector<3x2048xf32> to vector<1x2048xf32>
    %squeeze3A_11 = vector.shape_cast %slice3A_10 : vector<1x2048xf32> to vector<2048xf32>
    %broadcast_in_dim3A_12 = vector.shape_cast %squeeze3A_11 : vector<2048xf32> to vector<1x2048xf32>
    %sub3A = vector.broadcast %broadcast_in_dim3A : vector<128x1xf32> to vector<128x2048xf32>
    %sub3A_13 = vector.broadcast %broadcast_in_dim3A_12 : vector<1x2048xf32> to vector<128x2048xf32>
    %sub3A_14 = arith.subf %sub3A, %sub3A_13 : vector<128x2048xf32>
    %integer_pow3A = arith.mulf %sub3A_14, %sub3A_14 : vector<128x2048xf32>
    %slice3A_15 = vector.extract_strided_slice %get3A_9 {offsets = [1, 0], sizes = [1, 128], strides = [1, 1]} : vector<3x128xf32> to vector<1x128xf32>
    %squeeze3A_16 = vector.shape_cast %slice3A_15 : vector<1x128xf32> to vector<128xf32>
    %broadcast_in_dim3A_17 = vector.shape_cast %squeeze3A_16 : vector<128xf32> to vector<128x1xf32>
    %slice3A_18 = vector.extract_strided_slice %get3A_4 {offsets = [1, 0], sizes = [1, 2048], strides = [1, 1]} : vector<3x2048xf32> to vector<1x2048xf32>
    %squeeze3A_19 = vector.shape_cast %slice3A_18 : vector<1x2048xf32> to vector<2048xf32>
    %broadcast_in_dim3A_20 = vector.shape_cast %squeeze3A_19 : vector<2048xf32> to vector<1x2048xf32>
    %sub3A_21 = vector.broadcast %broadcast_in_dim3A_17 : vector<128x1xf32> to vector<128x2048xf32>
    %sub3A_22 = vector.broadcast %broadcast_in_dim3A_20 : vector<1x2048xf32> to vector<128x2048xf32>
    %sub3A_23 = arith.subf %sub3A_21, %sub3A_22 : vector<128x2048xf32>
    %integer_pow3A_24 = arith.mulf %sub3A_23, %sub3A_23 : vector<128x2048xf32>
    %add3A_25 = arith.addf %integer_pow3A, %integer_pow3A_24 : vector<128x2048xf32>
    %slice3A_26 = vector.extract_strided_slice %get3A_9 {offsets = [2, 0], sizes = [1, 128], strides = [1, 1]} : vector<3x128xf32> to vector<1x128xf32>
    %squeeze3A_27 = vector.shape_cast %slice3A_26 : vector<1x128xf32> to vector<128xf32>
    %broadcast_in_dim3A_28 = vector.shape_cast %squeeze3A_27 : vector<128xf32> to vector<128x1xf32>
    %slice3A_29 = vector.extract_strided_slice %get3A_4 {offsets = [2, 0], sizes = [1, 2048], strides = [1, 1]} : vector<3x2048xf32> to vector<1x2048xf32>
    %squeeze3A_30 = vector.shape_cast %slice3A_29 : vector<1x2048xf32> to vector<2048xf32>
    %broadcast_in_dim3A_31 = vector.shape_cast %squeeze3A_30 : vector<2048xf32> to vector<1x2048xf32>
    %sub3A_32 = vector.broadcast %broadcast_in_dim3A_28 : vector<128x1xf32> to vector<128x2048xf32>
    %sub3A_33 = vector.broadcast %broadcast_in_dim3A_31 : vector<1x2048xf32> to vector<128x2048xf32>
    %sub3A_34 = arith.subf %sub3A_32, %sub3A_33 : vector<128x2048xf32>
    %integer_pow3A_35 = arith.mulf %sub3A_34, %sub3A_34 : vector<128x2048xf32>
    %add3A_36 = arith.addf %add3A_25, %integer_pow3A_35 : vector<128x2048xf32>
    %le3A = arith.constant 4.000000e-02 : f32
    %le3A_37 = vector.broadcast %le3A : f32 to vector<128x2048xf32>
    %le3A_38 = arith.cmpf ole, %add3A_36, %le3A_37 : vector<128x2048xf32>
    %jit3A = arith.constant 0x7F800000 : f32
    %broadcast_in_dim3A_39 = vector.broadcast %jit3A : f32 to vector<128x2048xf32>
    %select_n3A = arith.select %le3A_38, %add3A_36, %broadcast_in_dim3A_39 : vector<128x2048xi1>, vector<128x2048xf32>
    %bitcast_convert_type3A = tpu.bitcast %select_n3A : vector<128x2048xf32> -> vector<128x2048xi32>
    %mul3A = arith.constant 2048 : i32
    %mul3A_40 = arith.muli %add3A_0, %mul3A : i32
    %iota3A = tpu.iota {dimensions = array<i32: 1>} : vector<128x2048xi32>
    %convert_element_type3A = arith.sitofp %iota3A : vector<128x2048xi32> to vector<128x2048xf32>
    %broadcast_in_dim3A_41 = arith.constant 0 : i32
    %broadcast_in_dim3A_42 = vector.broadcast %broadcast_in_dim3A_41 : i32 to vector<128xi32>
    %broadcast_in_dim3A_43 = arith.constant 1025758986 : i32
    %broadcast_in_dim3A_44 = vector.broadcast %broadcast_in_dim3A_43 : i32 to vector<128xi32>
    %scan3A = arith.constant 0 : i32
    %scan3A_45 = arith.constant 31 : i32
    %scan3A_46 = arith.addi %scan3A, %scan3A_45 : i32
    %scan3A_47 = arith.constant 1 : i32
    %scan3A_48:2 = scf.for %scan3A_134 = %scan3A to %scan3A_46 step %scan3A_47 iter_args(%scan3A_135 = %broadcast_in_dim3A_42, %scan3A_136 = %broadcast_in_dim3A_44) -> (vector<128xi32>, vector<128xi32>)  : i32 {
      %add3A_137 = arith.addi %scan3A_135, %scan3A_136 : vector<128xi32>
      %jit3A_138 = arith.constant 2 : i32
      %div3A = vector.broadcast %jit3A_138 : i32 to vector<128xi32>
      %div3A_139 = arith.divsi %add3A_137, %div3A : vector<128xi32>
      %sign3A = arith.constant 0 : i32
      %sign3A_140 = vector.broadcast %sign3A : i32 to vector<128xi32>
      %sign3A_141 = arith.cmpi sgt, %add3A_137, %sign3A_140 : vector<128xi32>
      %sign3A_142 = arith.extui %sign3A_141 : vector<128xi1> to vector<128xi32>
      %sign3A_143 = arith.constant 0 : i32
      %sign3A_144 = vector.broadcast %sign3A_143 : i32 to vector<128xi32>
      %sign3A_145 = arith.cmpi slt, %add3A_137, %sign3A_144 : vector<128xi32>
      %sign3A_146 = arith.extui %sign3A_145 : vector<128xi1> to vector<128xi32>
      %sign3A_147 = arith.subi %sign3A_142, %sign3A_146 : vector<128xi32>
      %sign3A_148 = arith.constant 0 : i32
      %sign3A_149 = arith.cmpi sgt, %jit3A_138, %sign3A_148 : i32
      %sign3A_150 = arith.extui %sign3A_149 : i1 to i32
      %sign3A_151 = arith.constant 0 : i32
      %sign3A_152 = arith.cmpi slt, %jit3A_138, %sign3A_151 : i32
      %sign3A_153 = arith.extui %sign3A_152 : i1 to i32
      %sign3A_154 = arith.subi %sign3A_150, %sign3A_153 : i32
      %ne3A = vector.broadcast %sign3A_154 : i32 to vector<128xi32>
      %ne3A_155 = arith.cmpi ne, %sign3A_147, %ne3A : vector<128xi32>
      %rem3A = vector.broadcast %jit3A_138 : i32 to vector<128xi32>
      %rem3A_156 = arith.remsi %add3A_137, %rem3A : vector<128xi32>
      %ne3A_157 = arith.constant 0 : i32
      %ne3A_158 = vector.broadcast %ne3A_157 : i32 to vector<128xi32>
      %ne3A_159 = arith.cmpi ne, %rem3A_156, %ne3A_158 : vector<128xi32>
      %and3A_160 = arith.andi %ne3A_155, %ne3A_159 : vector<128xi1>
      %sub3A_161 = arith.constant 1 : i32
      %sub3A_162 = vector.broadcast %sub3A_161 : i32 to vector<128xi32>
      %sub3A_163 = arith.subi %div3A_139, %sub3A_162 : vector<128xi32>
      %select_n3A_164 = arith.select %and3A_160, %sub3A_163, %div3A_139 : vector<128xi1>, vector<128xi32>
      %broadcast_in_dim3A_165 = vector.shape_cast %select_n3A_164 : vector<128xi32> to vector<128x1xi32>
      %le3A_166 = vector.broadcast %broadcast_in_dim3A_165 : vector<128x1xi32> to vector<128x2048xi32>
      %le3A_167 = arith.cmpi sle, %bitcast_convert_type3A, %le3A_166 : vector<128x2048xi32>
      %convert_element_type3A_168 = arith.extui %le3A_167 : vector<128x2048xi1> to vector<128x2048xi32>
      %convert_element_type3A_169 = arith.sitofp %convert_element_type3A_168 : vector<128x2048xi32> to vector<128x2048xf32>
      %reduce_sum3A_170 = arith.constant dense<0.000000e+00> : vector<128xf32>
      %reduce_sum3A_171 = vector.multi_reduction <add>, %convert_element_type3A_169, %reduce_sum3A_170 [1] : vector<128x2048xf32> to vector<128xf32>
      %ge3A = arith.constant 6.400000e+01 : f32
      %ge3A_172 = vector.broadcast %ge3A : f32 to vector<128xf32>
      %ge3A_173 = arith.cmpf oge, %reduce_sum3A_171, %ge3A_172 : vector<128xf32>
      %add3A_174 = arith.constant 1 : i32
      %add3A_175 = vector.broadcast %add3A_174 : i32 to vector<128xi32>
      %add3A_176 = arith.addi %select_n3A_164, %add3A_175 : vector<128xi32>
      %select_n3A_177 = arith.select %ge3A_173, %scan3A_135, %add3A_176 : vector<128xi1>, vector<128xi32>
      %select_n3A_178 = arith.select %ge3A_173, %select_n3A_164, %scan3A_136 : vector<128xi1>, vector<128xi32>
      scf.yield %select_n3A_177, %select_n3A_178 : vector<128xi32>, vector<128xi32>
    }
    %broadcast_in_dim3A_49 = vector.shape_cast %scan3A_48#1 : vector<128xi32> to vector<128x1xi32>
    %lt3A = vector.broadcast %broadcast_in_dim3A_49 : vector<128x1xi32> to vector<128x2048xi32>
    %lt3A_50 = arith.cmpi slt, %bitcast_convert_type3A, %lt3A : vector<128x2048xi32>
    %broadcast_in_dim3A_51 = vector.shape_cast %scan3A_48#1 : vector<128xi32> to vector<128x1xi32>
    %eq3A = vector.broadcast %broadcast_in_dim3A_51 : vector<128x1xi32> to vector<128x2048xi32>
    %eq3A_52 = arith.cmpi eq, %bitcast_convert_type3A, %eq3A : vector<128x2048xi32>
    %convert_element_type3A_53 = arith.extui %lt3A_50 : vector<128x2048xi1> to vector<128x2048xi32>
    %convert_element_type3A_54 = arith.sitofp %convert_element_type3A_53 : vector<128x2048xi32> to vector<128x2048xf32>
    %reduce_sum3A = arith.constant dense<0.000000e+00> : vector<128xf32>
    %reduce_sum3A_55 = vector.multi_reduction <add>, %convert_element_type3A_54, %reduce_sum3A [1] : vector<128x2048xf32> to vector<128xf32>
    %convert_element_type3A_56 = arith.extui %eq3A_52 : vector<128x2048xi1> to vector<128x2048xi32>
    %convert_element_type3A_57 = arith.sitofp %convert_element_type3A_56 : vector<128x2048xi32> to vector<128x2048xf32>
    %iota3A_58 = tpu.iota {dimensions = array<i32: 0>} : vector<128x128xi32>
    %iota3A_59 = tpu.iota {dimensions = array<i32: 1>} : vector<128x128xi32>
    %le3A_60 = arith.cmpi sle, %iota3A_58, %iota3A_59 : vector<128x128xi32>
    %convert_element_type3A_61 = arith.extui %le3A_60 : vector<128x128xi1> to vector<128x128xi32>
    %convert_element_type3A_62 = arith.sitofp %convert_element_type3A_61 : vector<128x128xi32> to vector<128x128xf32>
    %reshape3A = vector.shape_cast %convert_element_type3A_57 : vector<128x2048xf32> to vector<2048x128xf32>
    %dot_general3A = arith.constant dense<0.000000e+00> : vector<2048x128xf32>
    %dot_general3A_63 = tpu.matmul %reshape3A, %convert_element_type3A_62, %dot_general3A {dimension_numbers = #tpu.dot_dimension_numbers<[1], [0], [0], [1], [0, 0, 1, 1], [], []>, transpose_lhs_hint = false} : vector<2048x128xf32>, vector<128x128xf32>, vector<2048x128xf32> -> vector<2048x128xf32>
    %reshape3A_64 = vector.shape_cast %dot_general3A_63 : vector<2048x128xf32> to vector<128x16x128xf32>
    %slice3A_65 = vector.extract_strided_slice %reshape3A_64 {offsets = [0, 0, 127], sizes = [128, 16, 1], strides = [1, 1, 1]} : vector<128x16x128xf32> to vector<128x16x1xf32>
    %squeeze3A_66 = vector.shape_cast %slice3A_65 : vector<128x16x1xf32> to vector<128x16xf32>
    %iota3A_67 = tpu.iota {dimensions = array<i32: 0>} : vector<16x16xi32>
    %iota3A_68 = tpu.iota {dimensions = array<i32: 1>} : vector<16x16xi32>
    %lt3A_69 = arith.cmpi slt, %iota3A_67, %iota3A_68 : vector<16x16xi32>
    %convert_element_type3A_70 = arith.extui %lt3A_69 : vector<16x16xi1> to vector<16x16xi32>
    %convert_element_type3A_71 = arith.sitofp %convert_element_type3A_70 : vector<16x16xi32> to vector<16x16xf32>
    %dot_general3A_72 = arith.constant dense<0.000000e+00> : vector<128x16xf32>
    %dot_general3A_73 = tpu.matmul %squeeze3A_66, %convert_element_type3A_71, %dot_general3A_72 {dimension_numbers = #tpu.dot_dimension_numbers<[1], [0], [0], [1], [0, 0, 1, 1], [], []>, transpose_lhs_hint = false} : vector<128x16xf32>, vector<16x16xf32>, vector<128x16xf32> -> vector<128x16xf32>
    %broadcast_in_dim3A_74 = vector.shape_cast %dot_general3A_73 : vector<128x16xf32> to vector<128x16x1xf32>
    %add3A_75 = vector.broadcast %broadcast_in_dim3A_74 : vector<128x16x1xf32> to vector<128x16x128xf32>
    %add3A_76 = arith.addf %reshape3A_64, %add3A_75 : vector<128x16x128xf32>
    %reshape3A_77 = vector.shape_cast %add3A_76 : vector<128x16x128xf32> to vector<128x2048xf32>
    %sub3A_78 = arith.constant 6.400000e+01 : f32
    %sub3A_79 = vector.broadcast %sub3A_78 : f32 to vector<128xf32>
    %sub3A_80 = arith.subf %sub3A_79, %reduce_sum3A_55 : vector<128xf32>
    %broadcast_in_dim3A_81 = vector.shape_cast %sub3A_80 : vector<128xf32> to vector<128x1xf32>
    %le3A_82 = vector.broadcast %broadcast_in_dim3A_81 : vector<128x1xf32> to vector<128x2048xf32>
    %le3A_83 = arith.cmpf ole, %reshape3A_77, %le3A_82 : vector<128x2048xf32>
    %and3A = arith.andi %eq3A_52, %le3A_83 : vector<128x2048xi1>
    %or3A = arith.ori %lt3A_50, %and3A : vector<128x2048xi1>
    %convert_element_type3A_84 = arith.extui %or3A : vector<128x2048xi1> to vector<128x2048xi32>
    %convert_element_type3A_85 = arith.sitofp %convert_element_type3A_84 : vector<128x2048xi32> to vector<128x2048xf32>
    %iota3A_86 = tpu.iota {dimensions = array<i32: 0>} : vector<128x128xi32>
    %iota3A_87 = tpu.iota {dimensions = array<i32: 1>} : vector<128x128xi32>
    %le3A_88 = arith.cmpi sle, %iota3A_86, %iota3A_87 : vector<128x128xi32>
    %convert_element_type3A_89 = arith.extui %le3A_88 : vector<128x128xi1> to vector<128x128xi32>
    %convert_element_type3A_90 = arith.sitofp %convert_element_type3A_89 : vector<128x128xi32> to vector<128x128xf32>
    %reshape3A_91 = vector.shape_cast %convert_element_type3A_85 : vector<128x2048xf32> to vector<2048x128xf32>
    %dot_general3A_92 = arith.constant dense<0.000000e+00> : vector<2048x128xf32>
    %dot_general3A_93 = tpu.matmul %reshape3A_91, %convert_element_type3A_90, %dot_general3A_92 {dimension_numbers = #tpu.dot_dimension_numbers<[1], [0], [0], [1], [0, 0, 1, 1], [], []>, transpose_lhs_hint = false} : vector<2048x128xf32>, vector<128x128xf32>, vector<2048x128xf32> -> vector<2048x128xf32>
    %reshape3A_94 = vector.shape_cast %dot_general3A_93 : vector<2048x128xf32> to vector<128x16x128xf32>
    %slice3A_95 = vector.extract_strided_slice %reshape3A_94 {offsets = [0, 0, 127], sizes = [128, 16, 1], strides = [1, 1, 1]} : vector<128x16x128xf32> to vector<128x16x1xf32>
    %squeeze3A_96 = vector.shape_cast %slice3A_95 : vector<128x16x1xf32> to vector<128x16xf32>
    %iota3A_97 = tpu.iota {dimensions = array<i32: 0>} : vector<16x16xi32>
    %iota3A_98 = tpu.iota {dimensions = array<i32: 1>} : vector<16x16xi32>
    %lt3A_99 = arith.cmpi slt, %iota3A_97, %iota3A_98 : vector<16x16xi32>
    %convert_element_type3A_100 = arith.extui %lt3A_99 : vector<16x16xi1> to vector<16x16xi32>
    %convert_element_type3A_101 = arith.sitofp %convert_element_type3A_100 : vector<16x16xi32> to vector<16x16xf32>
    %dot_general3A_102 = arith.constant dense<0.000000e+00> : vector<128x16xf32>
    %dot_general3A_103 = tpu.matmul %squeeze3A_96, %convert_element_type3A_101, %dot_general3A_102 {dimension_numbers = #tpu.dot_dimension_numbers<[1], [0], [0], [1], [0, 0, 1, 1], [], []>, transpose_lhs_hint = false} : vector<128x16xf32>, vector<16x16xf32>, vector<128x16xf32> -> vector<128x16xf32>
    %broadcast_in_dim3A_104 = vector.shape_cast %dot_general3A_103 : vector<128x16xf32> to vector<128x16x1xf32>
    %add3A_105 = vector.broadcast %broadcast_in_dim3A_104 : vector<128x16x1xf32> to vector<128x16x128xf32>
    %add3A_106 = arith.addf %reshape3A_94, %add3A_105 : vector<128x16x128xf32>
    %reshape3A_107 = vector.shape_cast %add3A_106 : vector<128x16x128xf32> to vector<128x2048xf32>
    %jit3A_108 = arith.constant 0.000000e+00 : f32
    %broadcast_in_dim3A_109 = vector.broadcast %jit3A_108 : f32 to vector<128x2048xf32>
    %select_n3A_110 = arith.select %or3A, %reshape3A_107, %broadcast_in_dim3A_109 : vector<128x2048xi1>, vector<128x2048xf32>
    %reduce_sum3A_111 = arith.constant dense<0.000000e+00> : vector<128xf32>
    %reduce_sum3A_112 = vector.multi_reduction <add>, %convert_element_type3A_85, %reduce_sum3A_111 [1] : vector<128x2048xf32> to vector<128xf32>
    %eq3A_113 = arith.constant 1.000000e+00 : f32
    %eq3A_114 = vector.broadcast %eq3A_113 : f32 to vector<128x2048xf32>
    %eq3A_115 = arith.cmpf oeq, %select_n3A_110, %eq3A_114 : vector<128x2048xf32>
    %jit3A_116 = arith.constant 0.000000e+00 : f32
    %broadcast_in_dim3A_117 = vector.broadcast %jit3A_116 : f32 to vector<128x2048xf32>
    %select_n3A_118 = arith.select %eq3A_115, %convert_element_type3A, %broadcast_in_dim3A_117 : vector<128x2048xi1>, vector<128x2048xf32>
    %reduce_sum3A_119 = arith.constant dense<0.000000e+00> : vector<128xf32>
    %reduce_sum3A_120 = vector.multi_reduction <add>, %select_n3A_118, %reduce_sum3A_119 [1] : vector<128x2048xf32> to vector<128xf32>
    %convert_element_type3A_121 = arith.fptosi %reduce_sum3A_120 : vector<128xf32> to vector<128xi32>
    %add3A_122 = vector.broadcast %mul3A_40 : i32 to vector<128xi32>
    %add3A_123 = arith.addi %convert_element_type3A_121, %add3A_122 : vector<128xi32>
    %broadcast_in_dim3A_124 = vector.shape_cast %add3A_123 : vector<128xi32> to vector<1x1x1x128xi32>
    %swap3A = arith.constant 0 : index
    %swap3A_125 = arith.constant 0 : index
    %swap3A_126 = arith.constant 0 : index
    %swap3A_127 = arith.constant 0 : index
    %swap3A_128 = vector.load %arg4[%swap3A, %swap3A_125, %swap3A_126, %swap3A_127] : memref<1x64x1x128xi32, #tpu.memory_space<vmem>>, vector<1x1x1x128xi32>
    tpu.vector_store %arg4[%swap3A, %swap3A_125, %swap3A_126, %swap3A_127], %broadcast_in_dim3A_124 {strides = array<i32>} : memref<1x64x1x128xi32, #tpu.memory_space<vmem>>, vector<1x1x1x128xi32>,
    %scan3A_129 = arith.constant 0 : i32
    %scan3A_130 = arith.constant 32 : i32
    %scan3A_131 = arith.addi %scan3A_129, %scan3A_130 : i32
    %scan3A_132 = arith.constant 1 : i32
    scf.for %scan3A_134 = %scan3A_129 to %scan3A_131 step %scan3A_132  : i32 {
      %convert_element_type3A_135 = arith.sitofp %scan3A_134 : i32 to f32
      %mul3A_136 = arith.constant 2.000000e+00 : f32
      %mul3A_137 = arith.mulf %convert_element_type3A_135, %mul3A_136 : f32
      %add3A_138 = arith.constant 1.000000e+00 : f32
      %add3A_139 = arith.addf %mul3A_137, %add3A_138 : f32
      %eq3A_140 = vector.broadcast %add3A_139 : f32 to vector<128x2048xf32>
      %eq3A_141 = arith.cmpf oeq, %select_n3A_110, %eq3A_140 : vector<128x2048xf32>
      %jit3A_142 = arith.constant 0.000000e+00 : f32
      %broadcast_in_dim3A_143 = vector.broadcast %jit3A_142 : f32 to vector<128x2048xf32>
      %select_n3A_144 = arith.select %eq3A_141, %convert_element_type3A, %broadcast_in_dim3A_143 : vector<128x2048xi1>, vector<128x2048xf32>
      %add3A_145 = arith.constant 2.000000e+00 : f32
      %add3A_146 = arith.addf %mul3A_137, %add3A_145 : f32
      %eq3A_147 = vector.broadcast %add3A_146 : f32 to vector<128x2048xf32>
      %eq3A_148 = arith.cmpf oeq, %select_n3A_110, %eq3A_147 : vector<128x2048xf32>
      %mul3A_149 = arith.constant 4.096000e+03 : f32
      %mul3A_150 = vector.broadcast %mul3A_149 : f32 to vector<128x2048xf32>
      %mul3A_151 = arith.mulf %convert_element_type3A, %mul3A_150 : vector<128x2048xf32>
      %jit3A_152 = arith.constant 0.000000e+00 : f32
      %broadcast_in_dim3A_153 = vector.broadcast %jit3A_152 : f32 to vector<128x2048xf32>
      %select_n3A_154 = arith.select %eq3A_148, %mul3A_151, %broadcast_in_dim3A_153 : vector<128x2048xi1>, vector<128x2048xf32>
      %add3A_155 = arith.addf %select_n3A_144, %select_n3A_154 : vector<128x2048xf32>
      %reduce_sum3A_156 = arith.constant dense<0.000000e+00> : vector<128xf32>
      %reduce_sum3A_157 = vector.multi_reduction <add>, %add3A_155, %reduce_sum3A_156 [1] : vector<128x2048xf32> to vector<128xf32>
      %mul3A_158 = arith.constant 2.44140625E-4 : f32
      %mul3A_159 = vector.broadcast %mul3A_158 : f32 to vector<128xf32>
      %mul3A_160 = arith.mulf %reduce_sum3A_157, %mul3A_159 : vector<128xf32>
      %floor3A = math.floor %mul3A_160 : vector<128xf32>
      %mul3A_161 = arith.constant 4.096000e+03 : f32
      %mul3A_162 = vector.broadcast %mul3A_161 : f32 to vector<128xf32>
      %mul3A_163 = arith.mulf %floor3A, %mul3A_162 : vector<128xf32>
      %sub3A_164 = arith.subf %reduce_sum3A_157, %mul3A_163 : vector<128xf32>
      %lt3A_165 = vector.broadcast %mul3A_137 : f32 to vector<128xf32>
      %lt3A_166 = arith.cmpf olt, %lt3A_165, %reduce_sum3A_112 : vector<128xf32>
      %select_n3A_167 = arith.select %lt3A_166, %sub3A_164, %reduce_sum3A_120 : vector<128xi1>, vector<128xf32>
      %add3A_168 = arith.constant 1.000000e+00 : f32
      %add3A_169 = arith.addf %mul3A_137, %add3A_168 : f32
      %lt3A_170 = vector.broadcast %add3A_169 : f32 to vector<128xf32>
      %lt3A_171 = arith.cmpf olt, %lt3A_170, %reduce_sum3A_112 : vector<128xf32>
      %select_n3A_172 = arith.select %lt3A_171, %floor3A, %reduce_sum3A_120 : vector<128xi1>, vector<128xf32>
      %convert_element_type3A_173 = arith.fptosi %select_n3A_167 : vector<128xf32> to vector<128xi32>
      %add3A_174 = vector.broadcast %mul3A_40 : i32 to vector<128xi32>
      %add3A_175 = arith.addi %convert_element_type3A_173, %add3A_174 : vector<128xi32>
      %broadcast_in_dim3A_176 = vector.shape_cast %add3A_175 : vector<128xi32> to vector<1x1x1x128xi32>
      %mul3A_177 = arith.constant 2 : i32
      %mul3A_178 = arith.muli %mul3A_177, %scan3A_134 : i32
      %swap3A_179 = arith.constant 0 : index
      %swap3A_180 = arith.index_cast %mul3A_178 : i32 to index
      %swap3A_181 = arith.constant 0 : index
      %swap3A_182 = arith.constant 0 : index
      %swap3A_183 = vector.load %arg4[%swap3A_179, %swap3A_180, %swap3A_181, %swap3A_182] : memref<1x64x1x128xi32, #tpu.memory_space<vmem>>, vector<1x1x1x128xi32>
      tpu.vector_store %arg4[%swap3A_179, %swap3A_180, %swap3A_181, %swap3A_182], %broadcast_in_dim3A_176 {strides = array<i32>} : memref<1x64x1x128xi32, #tpu.memory_space<vmem>>, vector<1x1x1x128xi32>,
      %convert_element_type3A_184 = arith.fptosi %select_n3A_172 : vector<128xf32> to vector<128xi32>
      %add3A_185 = vector.broadcast %mul3A_40 : i32 to vector<128xi32>
      %add3A_186 = arith.addi %convert_element_type3A_184, %add3A_185 : vector<128xi32>
      %broadcast_in_dim3A_187 = vector.shape_cast %add3A_186 : vector<128xi32> to vector<1x1x1x128xi32>
      %mul3A_188 = arith.constant 2 : i32
      %mul3A_189 = arith.muli %mul3A_188, %scan3A_134 : i32
      %add3A_190 = arith.constant 1 : i32
      %add3A_191 = arith.addi %mul3A_189, %add3A_190 : i32
      %swap3A_192 = arith.constant 0 : index
      %swap3A_193 = arith.index_cast %add3A_191 : i32 to index
      %swap3A_194 = arith.constant 0 : index
      %swap3A_195 = arith.constant 0 : index
      %swap3A_196 = vector.load %arg4[%swap3A_192, %swap3A_193, %swap3A_194, %swap3A_195] : memref<1x64x1x128xi32, #tpu.memory_space<vmem>>, vector<1x1x1x128xi32>
      tpu.vector_store %arg4[%swap3A_192, %swap3A_193, %swap3A_194, %swap3A_195], %broadcast_in_dim3A_187 {strides = array<i32>} : memref<1x64x1x128xi32, #tpu.memory_space<vmem>>, vector<1x1x1x128xi32>,
    }
    %scan3A_133 = arith.constant 32 : i32
    return
  }
  func.func @transform_0(%arg0: i32, %arg1: i32) -> (i32, i32, i32) {
    %c0_i32 = arith.constant 0 : i32
    %c0_i32_0 = arith.constant 0 : i32
    %c0_i32_1 = arith.constant 0 : i32
    return %arg0, %c0_i32, %c0_i32_0 : i32, i32, i32
  }
  func.func @transform_1(%arg0: i32, %arg1: i32) -> (i32, i32, i32) {
    %c0_i32 = arith.constant 0 : i32
    %c0_i32_0 = arith.constant 0 : i32
    return %arg0, %c0_i32, %arg1 : i32, i32, i32
  }
  func.func @transform_2(%arg0: i32, %arg1: i32) -> (i32, i32, i32, i32) {
    %mul3A = arith.constant 4 : i32
    %mul3A_0 = arith.muli %arg0, %mul3A : i32
    %add3A = arith.addi %mul3A_0, %arg1 : i32
    %c0_i32 = arith.constant 0 : i32
    %c0_i32_1 = arith.constant 0 : i32
    %c0_i32_2 = arith.constant 0 : i32
    %c0_i32_3 = arith.constant 0 : i32
    return %add3A, %c0_i32, %c0_i32_1, %c0_i32_2 : i32, i32, i32, i32
  }
}

module attributes {stable_mosaic.version = 14 : i64} {
  func.func @_ballq_body(%arg0: i32, %arg1: i32, %arg2: memref<1x3x2048xf32, #tpu.memory_space<vmem>>, %arg3: memref<1x3x128xf32, #tpu.memory_space<vmem>>, %arg4: memref<1x64x1x128xi32, #tpu.memory_space<vmem>>) attributes {dimension_semantics = [#tpu.dimension_semantics<arbitrary>, #tpu.dimension_semantics<arbitrary>], iteration_bounds = array<i64: 2, 4>, scalar_prefetch = 0 : i64, scratch_operands = 0 : i64, tpu.core_type = #tpu.core_type<tc>, window_params = [{transform_indices = @transform_0, window_bounds = array<i64: 1, 3, 2048>}, {transform_indices = @transform_1, window_bounds = array<i64: 1, 3, 128>}, {transform_indices = @transform_2, window_bounds = array<i64: 1, 64, 1, 128>}]} {
    %add3A = arith.constant 2 : i32
    %add3A_0 = arith.addi %arg0, %add3A : i32
    %get3A = arith.constant 0 : index
    %get3A_1 = arith.constant 0 : index
    %get3A_2 = arith.constant 0 : index
    %get3A_3 = vector.load %arg2[%get3A, %get3A_1, %get3A_2] : memref<1x3x2048xf32, #tpu.memory_space<vmem>>, vector<1x3x2048xf32>
    %get3A_4 = vector.shape_cast %get3A_3 : vector<1x3x2048xf32> to vector<3x2048xf32>
    %get3A_5 = arith.constant 0 : index
    %get3A_6 = arith.constant 0 : index
    %get3A_7 = arith.constant 0 : index
    %get3A_8 = vector.load %arg3[%get3A_5, %get3A_6, %get3A_7] : memref<1x3x128xf32, #tpu.memory_space<vmem>>, vector<1x3x128xf32>
    %get3A_9 = vector.shape_cast %get3A_8 : vector<1x3x128xf32> to vector<3x128xf32>
    %slice3A = vector.extract_strided_slice %get3A_9 {offsets = [0, 0], sizes = [1, 128], strides = [1, 1]} : vector<3x128xf32> to vector<1x128xf32>
    %squeeze3A = vector.shape_cast %slice3A : vector<1x128xf32> to vector<128xf32>
    %broadcast_in_dim3A = vector.shape_cast %squeeze3A : vector<128xf32> to vector<128x1xf32>
    %slice3A_10 = vector.extract_strided_slice %get3A_4 {offsets = [0, 0], sizes = [1, 2048], strides = [1, 1]} : vector<3x2048xf32> to vector<1x2048xf32>
    %squeeze3A_11 = vector.shape_cast %slice3A_10 : vector<1x2048xf32> to vector<2048xf32>
    %broadcast_in_dim3A_12 = vector.shape_cast %squeeze3A_11 : vector<2048xf32> to vector<1x2048xf32>
    %sub3A = vector.broadcast %broadcast_in_dim3A : vector<128x1xf32> to vector<128x2048xf32>
    %sub3A_13 = vector.broadcast %broadcast_in_dim3A_12 : vector<1x2048xf32> to vector<128x2048xf32>
    %sub3A_14 = arith.subf %sub3A, %sub3A_13 : vector<128x2048xf32>
    %integer_pow3A = arith.mulf %sub3A_14, %sub3A_14 : vector<128x2048xf32>
    %slice3A_15 = vector.extract_strided_slice %get3A_9 {offsets = [1, 0], sizes = [1, 128], strides = [1, 1]} : vector<3x128xf32> to vector<1x128xf32>
    %squeeze3A_16 = vector.shape_cast %slice3A_15 : vector<1x128xf32> to vector<128xf32>
    %broadcast_in_dim3A_17 = vector.shape_cast %squeeze3A_16 : vector<128xf32> to vector<128x1xf32>
    %slice3A_18 = vector.extract_strided_slice %get3A_4 {offsets = [1, 0], sizes = [1, 2048], strides = [1, 1]} : vector<3x2048xf32> to vector<1x2048xf32>
    %squeeze3A_19 = vector.shape_cast %slice3A_18 : vector<1x2048xf32> to vector<2048xf32>
    %broadcast_in_dim3A_20 = vector.shape_cast %squeeze3A_19 : vector<2048xf32> to vector<1x2048xf32>
    %sub3A_21 = vector.broadcast %broadcast_in_dim3A_17 : vector<128x1xf32> to vector<128x2048xf32>
    %sub3A_22 = vector.broadcast %broadcast_in_dim3A_20 : vector<1x2048xf32> to vector<128x2048xf32>
    %sub3A_23 = arith.subf %sub3A_21, %sub3A_22 : vector<128x2048xf32>
    %integer_pow3A_24 = arith.mulf %sub3A_23, %sub3A_23 : vector<128x2048xf32>
    %add3A_25 = arith.addf %integer_pow3A, %integer_pow3A_24 : vector<128x2048xf32>
    %slice3A_26 = vector.extract_strided_slice %get3A_9 {offsets = [2, 0], sizes = [1, 128], strides = [1, 1]} : vector<3x128xf32> to vector<1x128xf32>
    %squeeze3A_27 = vector.shape_cast %slice3A_26 : vector<1x128xf32> to vector<128xf32>
    %broadcast_in_dim3A_28 = vector.shape_cast %squeeze3A_27 : vector<128xf32> to vector<128x1xf32>
    %slice3A_29 = vector.extract_strided_slice %get3A_4 {offsets = [2, 0], sizes = [1, 2048], strides = [1, 1]} : vector<3x2048xf32> to vector<1x2048xf32>
    %squeeze3A_30 = vector.shape_cast %slice3A_29 : vector<1x2048xf32> to vector<2048xf32>
    %broadcast_in_dim3A_31 = vector.shape_cast %squeeze3A_30 : vector<2048xf32> to vector<1x2048xf32>
    %sub3A_32 = vector.broadcast %broadcast_in_dim3A_28 : vector<128x1xf32> to vector<128x2048xf32>
    %sub3A_33 = vector.broadcast %broadcast_in_dim3A_31 : vector<1x2048xf32> to vector<128x2048xf32>
    %sub3A_34 = arith.subf %sub3A_32, %sub3A_33 : vector<128x2048xf32>
    %integer_pow3A_35 = arith.mulf %sub3A_34, %sub3A_34 : vector<128x2048xf32>
    %add3A_36 = arith.addf %add3A_25, %integer_pow3A_35 : vector<128x2048xf32>
    %le3A = arith.constant 4.000000e-02 : f32
    %le3A_37 = vector.broadcast %le3A : f32 to vector<128x2048xf32>
    %le3A_38 = arith.cmpf ole, %add3A_36, %le3A_37 : vector<128x2048xf32>
    %jit3A = arith.constant 0x7F800000 : f32
    %broadcast_in_dim3A_39 = vector.broadcast %jit3A : f32 to vector<128x2048xf32>
    %select_n3A = arith.select %le3A_38, %add3A_36, %broadcast_in_dim3A_39 : vector<128x2048xi1>, vector<128x2048xf32>
    %bitcast_convert_type3A = tpu.bitcast %select_n3A : vector<128x2048xf32> -> vector<128x2048xi32>
    %mul3A = arith.constant 2048 : i32
    %mul3A_40 = arith.muli %add3A_0, %mul3A : i32
    %iota3A = tpu.iota {dimensions = array<i32: 1>} : vector<128x2048xi32>
    %convert_element_type3A = arith.sitofp %iota3A : vector<128x2048xi32> to vector<128x2048xf32>
    %broadcast_in_dim3A_41 = arith.constant 0 : i32
    %broadcast_in_dim3A_42 = vector.broadcast %broadcast_in_dim3A_41 : i32 to vector<128xi32>
    %broadcast_in_dim3A_43 = arith.constant 1025758986 : i32
    %broadcast_in_dim3A_44 = vector.broadcast %broadcast_in_dim3A_43 : i32 to vector<128xi32>
    %scan3A = arith.constant 0 : i32
    %scan3A_45 = arith.constant 31 : i32
    %scan3A_46 = arith.addi %scan3A, %scan3A_45 : i32
    %scan3A_47 = arith.constant 1 : i32
    %scan3A_48:2 = scf.for %scan3A_134 = %scan3A to %scan3A_46 step %scan3A_47 iter_args(%scan3A_135 = %broadcast_in_dim3A_42, %scan3A_136 = %broadcast_in_dim3A_44) -> (vector<128xi32>, vector<128xi32>)  : i32 {
      %add3A_137 = arith.addi %scan3A_135, %scan3A_136 : vector<128xi32>
      %jit3A_138 = arith.constant 2 : i32
      %div3A = vector.broadcast %jit3A_138 : i32 to vector<128xi32>
      %div3A_139 = arith.divsi %add3A_137, %div3A : vector<128xi32>
      %sign3A = arith.constant 0 : i32
      %sign3A_140 = vector.broadcast %sign3A : i32 to vector<128xi32>
      %sign3A_141 = arith.cmpi sgt, %add3A_137, %sign3A_140 : vector<128xi32>
      %sign3A_142 = arith.extui %sign3A_141 : vector<128xi1> to vector<128xi32>
      %sign3A_143 = arith.constant 0 : i32
      %sign3A_144 = vector.broadcast %sign3A_143 : i32 to vector<128xi32>
      %sign3A_145 = arith.cmpi slt, %add3A_137, %sign3A_144 : vector<128xi32>
      %sign3A_146 = arith.extui %sign3A_145 : vector<128xi1> to vector<128xi32>
      %sign3A_147 = arith.subi %sign3A_142, %sign3A_146 : vector<128xi32>
      %sign3A_148 = arith.constant 0 : i32
      %sign3A_149 = arith.cmpi sgt, %jit3A_138, %sign3A_148 : i32
      %sign3A_150 = arith.extui %sign3A_149 : i1 to i32
      %sign3A_151 = arith.constant 0 : i32
      %sign3A_152 = arith.cmpi slt, %jit3A_138, %sign3A_151 : i32
      %sign3A_153 = arith.extui %sign3A_152 : i1 to i32
      %sign3A_154 = arith.subi %sign3A_150, %sign3A_153 : i32
      %ne3A = vector.broadcast %sign3A_154 : i32 to vector<128xi32>
      %ne3A_155 = arith.cmpi ne, %sign3A_147, %ne3A : vector<128xi32>
      %rem3A = vector.broadcast %jit3A_138 : i32 to vector<128xi32>
      %rem3A_156 = arith.remsi %add3A_137, %rem3A : vector<128xi32>
      %ne3A_157 = arith.constant 0 : i32
      %ne3A_158 = vector.broadcast %ne3A_157 : i32 to vector<128xi32>
      %ne3A_159 = arith.cmpi ne, %rem3A_156, %ne3A_158 : vector<128xi32>
      %and3A_160 = arith.andi %ne3A_155, %ne3A_159 : vector<128xi1>
      %sub3A_161 = arith.constant 1 : i32
      %sub3A_162 = vector.broadcast %sub3A_161 : i32 to vector<128xi32>
      %sub3A_163 = arith.subi %div3A_139, %sub3A_162 : vector<128xi32>
      %select_n3A_164 = arith.select %and3A_160, %sub3A_163, %div3A_139 : vector<128xi1>, vector<128xi32>
      %broadcast_in_dim3A_165 = vector.shape_cast %select_n3A_164 : vector<128xi32> to vector<128x1xi32>
      %le3A_166 = vector.broadcast %broadcast_in_dim3A_165 : vector<128x1xi32> to vector<128x2048xi32>
      %le3A_167 = arith.cmpi sle, %bitcast_convert_type3A, %le3A_166 : vector<128x2048xi32>
      %convert_element_type3A_168 = arith.extui %le3A_167 : vector<128x2048xi1> to vector<128x2048xi32>
      %convert_element_type3A_169 = arith.sitofp %convert_element_type3A_168 : vector<128x2048xi32> to vector<128x2048xf32>
      %reduce_sum3A_170 = arith.constant dense<0.000000e+00> : vector<128xf32>
      %reduce_sum3A_171 = vector.multi_reduction <add>, %convert_element_type3A_169, %reduce_sum3A_170 [1] : vector<128x2048xf32> to vector<128xf32>
      %ge3A = arith.constant 6.400000e+01 : f32
      %ge3A_172 = vector.broadcast %ge3A : f32 to vector<128xf32>
      %ge3A_173 = arith.cmpf oge, %reduce_sum3A_171, %ge3A_172 : vector<128xf32>
      %add3A_174 = arith.constant 1 : i32
      %add3A_175 = vector.broadcast %add3A_174 : i32 to vector<128xi32>
      %add3A_176 = arith.addi %select_n3A_164, %add3A_175 : vector<128xi32>
      %select_n3A_177 = arith.select %ge3A_173, %scan3A_135, %add3A_176 : vector<128xi1>, vector<128xi32>
      %select_n3A_178 = arith.select %ge3A_173, %select_n3A_164, %scan3A_136 : vector<128xi1>, vector<128xi32>
      scf.yield %select_n3A_177, %select_n3A_178 : vector<128xi32>, vector<128xi32>
    }
    %broadcast_in_dim3A_49 = vector.shape_cast %scan3A_48#1 : vector<128xi32> to vector<128x1xi32>
    %lt3A = vector.broadcast %broadcast_in_dim3A_49 : vector<128x1xi32> to vector<128x2048xi32>
    %lt3A_50 = arith.cmpi slt, %bitcast_convert_type3A, %lt3A : vector<128x2048xi32>
    %broadcast_in_dim3A_51 = vector.shape_cast %scan3A_48#1 : vector<128xi32> to vector<128x1xi32>
    %eq3A = vector.broadcast %broadcast_in_dim3A_51 : vector<128x1xi32> to vector<128x2048xi32>
    %eq3A_52 = arith.cmpi eq, %bitcast_convert_type3A, %eq3A : vector<128x2048xi32>
    %convert_element_type3A_53 = arith.extui %lt3A_50 : vector<128x2048xi1> to vector<128x2048xi32>
    %convert_element_type3A_54 = arith.sitofp %convert_element_type3A_53 : vector<128x2048xi32> to vector<128x2048xf32>
    %reduce_sum3A = arith.constant dense<0.000000e+00> : vector<128xf32>
    %reduce_sum3A_55 = vector.multi_reduction <add>, %convert_element_type3A_54, %reduce_sum3A [1] : vector<128x2048xf32> to vector<128xf32>
    %convert_element_type3A_56 = arith.extui %eq3A_52 : vector<128x2048xi1> to vector<128x2048xi32>
    %convert_element_type3A_57 = arith.sitofp %convert_element_type3A_56 : vector<128x2048xi32> to vector<128x2048xf32>
    %iota3A_58 = tpu.iota {dimensions = array<i32: 0>} : vector<128x128xi32>
    %iota3A_59 = tpu.iota {dimensions = array<i32: 1>} : vector<128x128xi32>
    %le3A_60 = arith.cmpi sle, %iota3A_58, %iota3A_59 : vector<128x128xi32>
    %convert_element_type3A_61 = arith.extui %le3A_60 : vector<128x128xi1> to vector<128x128xi32>
    %convert_element_type3A_62 = arith.sitofp %convert_element_type3A_61 : vector<128x128xi32> to vector<128x128xf32>
    %reshape3A = vector.shape_cast %convert_element_type3A_57 : vector<128x2048xf32> to vector<2048x128xf32>
    %dot_general3A = arith.constant dense<0.000000e+00> : vector<2048x128xf32>
    %dot_general3A_63 = tpu.matmul %reshape3A, %convert_element_type3A_62, %dot_general3A {dimension_numbers = #tpu.dot_dimension_numbers<[1], [0], [0], [1], [0, 0, 1, 1], [], []>, transpose_lhs_hint = false} : vector<2048x128xf32>, vector<128x128xf32>, vector<2048x128xf32> -> vector<2048x128xf32>
    %reshape3A_64 = vector.shape_cast %dot_general3A_63 : vector<2048x128xf32> to vector<128x16x128xf32>
    %slice3A_65 = vector.extract_strided_slice %reshape3A_64 {offsets = [0, 0, 127], sizes = [128, 16, 1], strides = [1, 1, 1]} : vector<128x16x128xf32> to vector<128x16x1xf32>
    %squeeze3A_66 = vector.shape_cast %slice3A_65 : vector<128x16x1xf32> to vector<128x16xf32>
    %iota3A_67 = tpu.iota {dimensions = array<i32: 0>} : vector<16x16xi32>
    %iota3A_68 = tpu.iota {dimensions = array<i32: 1>} : vector<16x16xi32>
    %lt3A_69 = arith.cmpi slt, %iota3A_67, %iota3A_68 : vector<16x16xi32>
    %convert_element_type3A_70 = arith.extui %lt3A_69 : vector<16x16xi1> to vector<16x16xi32>
    %convert_element_type3A_71 = arith.sitofp %convert_element_type3A_70 : vector<16x16xi32> to vector<16x16xf32>
    %dot_general3A_72 = arith.constant dense<0.000000e+00> : vector<128x16xf32>
    %dot_general3A_73 = tpu.matmul %squeeze3A_66, %convert_element_type3A_71, %dot_general3A_72 {dimension_numbers = #tpu.dot_dimension_numbers<[1], [0], [0], [1], [0, 0, 1, 1], [], []>, transpose_lhs_hint = false} : vector<128x16xf32>, vector<16x16xf32>, vector<128x16xf32> -> vector<128x16xf32>
    %broadcast_in_dim3A_74 = vector.shape_cast %dot_general3A_73 : vector<128x16xf32> to vector<128x16x1xf32>
    %add3A_75 = vector.broadcast %broadcast_in_dim3A_74 : vector<128x16x1xf32> to vector<128x16x128xf32>
    %add3A_76 = arith.addf %reshape3A_64, %add3A_75 : vector<128x16x128xf32>
    %reshape3A_77 = vector.shape_cast %add3A_76 : vector<128x16x128xf32> to vector<128x2048xf32>
    %sub3A_78 = arith.constant 6.400000e+01 : f32
    %sub3A_79 = vector.broadcast %sub3A_78 : f32 to vector<128xf32>
    %sub3A_80 = arith.subf %sub3A_79, %reduce_sum3A_55 : vector<128xf32>
    %broadcast_in_dim3A_81 = vector.shape_cast %sub3A_80 : vector<128xf32> to vector<128x1xf32>
    %le3A_82 = vector.broadcast %broadcast_in_dim3A_81 : vector<128x1xf32> to vector<128x2048xf32>
    %le3A_83 = arith.cmpf ole, %reshape3A_77, %le3A_82 : vector<128x2048xf32>
    %and3A = arith.andi %eq3A_52, %le3A_83 : vector<128x2048xi1>
    %or3A = arith.ori %lt3A_50, %and3A : vector<128x2048xi1>
    %convert_element_type3A_84 = arith.extui %or3A : vector<128x2048xi1> to vector<128x2048xi32>
    %convert_element_type3A_85 = arith.sitofp %convert_element_type3A_84 : vector<128x2048xi32> to vector<128x2048xf32>
    %iota3A_86 = tpu.iota {dimensions = array<i32: 0>} : vector<128x128xi32>
    %iota3A_87 = tpu.iota {dimensions = array<i32: 1>} : vector<128x128xi32>
    %le3A_88 = arith.cmpi sle, %iota3A_86, %iota3A_87 : vector<128x128xi32>
    %convert_element_type3A_89 = arith.extui %le3A_88 : vector<128x128xi1> to vector<128x128xi32>
    %convert_element_type3A_90 = arith.sitofp %convert_element_type3A_89 : vector<128x128xi32> to vector<128x128xf32>
    %reshape3A_91 = vector.shape_cast %convert_element_type3A_85 : vector<128x2048xf32> to vector<2048x128xf32>
    %dot_general3A_92 = arith.constant dense<0.000000e+00> : vector<2048x128xf32>
    %dot_general3A_93 = tpu.matmul %reshape3A_91, %convert_element_type3A_90, %dot_general3A_92 {dimension_numbers = #tpu.dot_dimension_numbers<[1], [0], [0], [1], [0, 0, 1, 1], [], []>, transpose_lhs_hint = false} : vector<2048x128xf32>, vector<128x128xf32>, vector<2048x128xf32> -> vector<2048x128xf32>
    %reshape3A_94 = vector.shape_cast %dot_general3A_93 : vector<2048x128xf32> to vector<128x16x128xf32>
    %slice3A_95 = vector.extract_strided_slice %reshape3A_94 {offsets = [0, 0, 127], sizes = [128, 16, 1], strides = [1, 1, 1]} : vector<128x16x128xf32> to vector<128x16x1xf32>
    %squeeze3A_96 = vector.shape_cast %slice3A_95 : vector<128x16x1xf32> to vector<128x16xf32>
    %iota3A_97 = tpu.iota {dimensions = array<i32: 0>} : vector<16x16xi32>
    %iota3A_98 = tpu.iota {dimensions = array<i32: 1>} : vector<16x16xi32>
    %lt3A_99 = arith.cmpi slt, %iota3A_97, %iota3A_98 : vector<16x16xi32>
    %convert_element_type3A_100 = arith.extui %lt3A_99 : vector<16x16xi1> to vector<16x16xi32>
    %convert_element_type3A_101 = arith.sitofp %convert_element_type3A_100 : vector<16x16xi32> to vector<16x16xf32>
    %dot_general3A_102 = arith.constant dense<0.000000e+00> : vector<128x16xf32>
    %dot_general3A_103 = tpu.matmul %squeeze3A_96, %convert_element_type3A_101, %dot_general3A_102 {dimension_numbers = #tpu.dot_dimension_numbers<[1], [0], [0], [1], [0, 0, 1, 1], [], []>, transpose_lhs_hint = false} : vector<128x16xf32>, vector<16x16xf32>, vector<128x16xf32> -> vector<128x16xf32>
    %broadcast_in_dim3A_104 = vector.shape_cast %dot_general3A_103 : vector<128x16xf32> to vector<128x16x1xf32>
    %add3A_105 = vector.broadcast %broadcast_in_dim3A_104 : vector<128x16x1xf32> to vector<128x16x128xf32>
    %add3A_106 = arith.addf %reshape3A_94, %add3A_105 : vector<128x16x128xf32>
    %reshape3A_107 = vector.shape_cast %add3A_106 : vector<128x16x128xf32> to vector<128x2048xf32>
    %jit3A_108 = arith.constant 0.000000e+00 : f32
    %broadcast_in_dim3A_109 = vector.broadcast %jit3A_108 : f32 to vector<128x2048xf32>
    %select_n3A_110 = arith.select %or3A, %reshape3A_107, %broadcast_in_dim3A_109 : vector<128x2048xi1>, vector<128x2048xf32>
    %reduce_sum3A_111 = arith.constant dense<0.000000e+00> : vector<128xf32>
    %reduce_sum3A_112 = vector.multi_reduction <add>, %convert_element_type3A_85, %reduce_sum3A_111 [1] : vector<128x2048xf32> to vector<128xf32>
    %eq3A_113 = arith.constant 1.000000e+00 : f32
    %eq3A_114 = vector.broadcast %eq3A_113 : f32 to vector<128x2048xf32>
    %eq3A_115 = arith.cmpf oeq, %select_n3A_110, %eq3A_114 : vector<128x2048xf32>
    %jit3A_116 = arith.constant 0.000000e+00 : f32
    %broadcast_in_dim3A_117 = vector.broadcast %jit3A_116 : f32 to vector<128x2048xf32>
    %select_n3A_118 = arith.select %eq3A_115, %convert_element_type3A, %broadcast_in_dim3A_117 : vector<128x2048xi1>, vector<128x2048xf32>
    %reduce_sum3A_119 = arith.constant dense<0.000000e+00> : vector<128xf32>
    %reduce_sum3A_120 = vector.multi_reduction <add>, %select_n3A_118, %reduce_sum3A_119 [1] : vector<128x2048xf32> to vector<128xf32>
    %convert_element_type3A_121 = arith.fptosi %reduce_sum3A_120 : vector<128xf32> to vector<128xi32>
    %add3A_122 = vector.broadcast %mul3A_40 : i32 to vector<128xi32>
    %add3A_123 = arith.addi %convert_element_type3A_121, %add3A_122 : vector<128xi32>
    %broadcast_in_dim3A_124 = vector.shape_cast %add3A_123 : vector<128xi32> to vector<1x1x1x128xi32>
    %swap3A = arith.constant 0 : index
    %swap3A_125 = arith.constant 0 : index
    %swap3A_126 = arith.constant 0 : index
    %swap3A_127 = arith.constant 0 : index
    %swap3A_128 = vector.load %arg4[%swap3A, %swap3A_125, %swap3A_126, %swap3A_127] : memref<1x64x1x128xi32, #tpu.memory_space<vmem>>, vector<1x1x1x128xi32>
    tpu.vector_store %arg4[%swap3A, %swap3A_125, %swap3A_126, %swap3A_127], %broadcast_in_dim3A_124 {strides = array<i32>} : memref<1x64x1x128xi32, #tpu.memory_space<vmem>>, vector<1x1x1x128xi32>,
    %scan3A_129 = arith.constant 0 : i32
    %scan3A_130 = arith.constant 32 : i32
    %scan3A_131 = arith.addi %scan3A_129, %scan3A_130 : i32
    %scan3A_132 = arith.constant 1 : i32
    scf.for %scan3A_134 = %scan3A_129 to %scan3A_131 step %scan3A_132  : i32 {
      %convert_element_type3A_135 = arith.sitofp %scan3A_134 : i32 to f32
      %mul3A_136 = arith.constant 2.000000e+00 : f32
      %mul3A_137 = arith.mulf %convert_element_type3A_135, %mul3A_136 : f32
      %add3A_138 = arith.constant 1.000000e+00 : f32
      %add3A_139 = arith.addf %mul3A_137, %add3A_138 : f32
      %eq3A_140 = vector.broadcast %add3A_139 : f32 to vector<128x2048xf32>
      %eq3A_141 = arith.cmpf oeq, %select_n3A_110, %eq3A_140 : vector<128x2048xf32>
      %jit3A_142 = arith.constant 0.000000e+00 : f32
      %broadcast_in_dim3A_143 = vector.broadcast %jit3A_142 : f32 to vector<128x2048xf32>
      %select_n3A_144 = arith.select %eq3A_141, %convert_element_type3A, %broadcast_in_dim3A_143 : vector<128x2048xi1>, vector<128x2048xf32>
      %add3A_145 = arith.constant 2.000000e+00 : f32
      %add3A_146 = arith.addf %mul3A_137, %add3A_145 : f32
      %eq3A_147 = vector.broadcast %add3A_146 : f32 to vector<128x2048xf32>
      %eq3A_148 = arith.cmpf oeq, %select_n3A_110, %eq3A_147 : vector<128x2048xf32>
      %mul3A_149 = arith.constant 4.096000e+03 : f32
      %mul3A_150 = vector.broadcast %mul3A_149 : f32 to vector<128x2048xf32>
      %mul3A_151 = arith.mulf %convert_element_type3A, %mul3A_150 : vector<128x2048xf32>
      %jit3A_152 = arith.constant 0.000000e+00 : f32
      %broadcast_in_dim3A_153 = vector.broadcast %jit3A_152 : f32 to vector<128x2048xf32>
      %select_n3A_154 = arith.select %eq3A_148, %mul3A_151, %broadcast_in_dim3A_153 : vector<128x2048xi1>, vector<128x2048xf32>
      %add3A_155 = arith.addf %select_n3A_144, %select_n3A_154 : vector<128x2048xf32>
      %reduce_sum3A_156 = arith.constant dense<0.000000e+00> : vector<128xf32>
      %reduce_sum3A_157 = vector.multi_reduction <add>, %add3A_155, %reduce_sum3A_156 [1] : vector<128x2048xf32> to vector<128xf32>
      %mul3A_158 = arith.constant 2.44140625E-4 : f32
      %mul3A_159 = vector.broadcast %mul3A_158 : f32 to vector<128xf32>
      %mul3A_160 = arith.mulf %reduce_sum3A_157, %mul3A_159 : vector<128xf32>
      %floor3A = math.floor %mul3A_160 : vector<128xf32>
      %mul3A_161 = arith.constant 4.096000e+03 : f32
      %mul3A_162 = vector.broadcast %mul3A_161 : f32 to vector<128xf32>
      %mul3A_163 = arith.mulf %floor3A, %mul3A_162 : vector<128xf32>
      %sub3A_164 = arith.subf %reduce_sum3A_157, %mul3A_163 : vector<128xf32>
      %lt3A_165 = vector.broadcast %mul3A_137 : f32 to vector<128xf32>
      %lt3A_166 = arith.cmpf olt, %lt3A_165, %reduce_sum3A_112 : vector<128xf32>
      %select_n3A_167 = arith.select %lt3A_166, %sub3A_164, %reduce_sum3A_120 : vector<128xi1>, vector<128xf32>
      %add3A_168 = arith.constant 1.000000e+00 : f32
      %add3A_169 = arith.addf %mul3A_137, %add3A_168 : f32
      %lt3A_170 = vector.broadcast %add3A_169 : f32 to vector<128xf32>
      %lt3A_171 = arith.cmpf olt, %lt3A_170, %reduce_sum3A_112 : vector<128xf32>
      %select_n3A_172 = arith.select %lt3A_171, %floor3A, %reduce_sum3A_120 : vector<128xi1>, vector<128xf32>
      %convert_element_type3A_173 = arith.fptosi %select_n3A_167 : vector<128xf32> to vector<128xi32>
      %add3A_174 = vector.broadcast %mul3A_40 : i32 to vector<128xi32>
      %add3A_175 = arith.addi %convert_element_type3A_173, %add3A_174 : vector<128xi32>
      %broadcast_in_dim3A_176 = vector.shape_cast %add3A_175 : vector<128xi32> to vector<1x1x1x128xi32>
      %mul3A_177 = arith.constant 2 : i32
      %mul3A_178 = arith.muli %mul3A_177, %scan3A_134 : i32
      %swap3A_179 = arith.constant 0 : index
      %swap3A_180 = arith.index_cast %mul3A_178 : i32 to index
      %swap3A_181 = arith.constant 0 : index
      %swap3A_182 = arith.constant 0 : index
      %swap3A_183 = vector.load %arg4[%swap3A_179, %swap3A_180, %swap3A_181, %swap3A_182] : memref<1x64x1x128xi32, #tpu.memory_space<vmem>>, vector<1x1x1x128xi32>
      tpu.vector_store %arg4[%swap3A_179, %swap3A_180, %swap3A_181, %swap3A_182], %broadcast_in_dim3A_176 {strides = array<i32>} : memref<1x64x1x128xi32, #tpu.memory_space<vmem>>, vector<1x1x1x128xi32>,
      %convert_element_type3A_184 = arith.fptosi %select_n3A_172 : vector<128xf32> to vector<128xi32>
      %add3A_185 = vector.broadcast %mul3A_40 : i32 to vector<128xi32>
      %add3A_186 = arith.addi %convert_element_type3A_184, %add3A_185 : vector<128xi32>
      %broadcast_in_dim3A_187 = vector.shape_cast %add3A_186 : vector<128xi32> to vector<1x1x1x128xi32>
      %mul3A_188 = arith.constant 2 : i32
      %mul3A_189 = arith.muli %mul3A_188, %scan3A_134 : i32
      %add3A_190 = arith.constant 1 : i32
      %add3A_191 = arith.addi %mul3A_189, %add3A_190 : i32
      %swap3A_192 = arith.constant 0 : index
      %swap3A_193 = arith.index_cast %add3A_191 : i32 to index
      %swap3A_194 = arith.constant 0 : index
      %swap3A_195 = arith.constant 0 : index
      %swap3A_196 = vector.load %arg4[%swap3A_192, %swap3A_193, %swap3A_194, %swap3A_195] : memref<1x64x1x128xi32, #tpu.memory_space<vmem>>, vector<1x1x1x128xi32>
      tpu.vector_store %arg4[%swap3A_192, %swap3A_193, %swap3A_194, %swap3A_195], %broadcast_in_dim3A_187 {strides = array<i32>} : memref<1x64x1x128xi32, #tpu.memory_space<vmem>>, vector<1x1x1x128xi32>,
    }
    %scan3A_133 = arith.constant 32 : i32
    return
  }
  func.func @transform_0(%arg0: i32, %arg1: i32) -> (i32, i32, i32) {
    %c0_i32 = arith.constant 0 : i32
    %c0_i32_0 = arith.constant 0 : i32
    %c0_i32_1 = arith.constant 0 : i32
    return %arg0, %c0_i32, %c0_i32_0 : i32, i32, i32
  }
  func.func @transform_1(%arg0: i32, %arg1: i32) -> (i32, i32, i32) {
    %c0_i32 = arith.constant 0 : i32
    %c0_i32_0 = arith.constant 0 : i32
    return %arg0, %c0_i32, %arg1 : i32, i32, i32
  }
  func.func @transform_2(%arg0: i32, %arg1: i32) -> (i32, i32, i32, i32) {
    %mul3A = arith.constant 4 : i32
    %mul3A_0 = arith.muli %arg0, %mul3A : i32
    %add3A = arith.addi %mul3A_0, %arg1 : i32
    %c0_i32 = arith.constant 0 : i32
    %c0_i32_1 = arith.constant 0 : i32
    %c0_i32_2 = arith.constant 0 : i32
    %c0_i32_3 = arith.constant 0 : i32
    return %add3A, %c0_i32, %c0_i32_1, %c0_i32_2 : i32, i32, i32, i32
  }
}

module attributes {stable_mosaic.version = 14 : i64} {
  func.func @_ballq_body(%arg0: i32, %arg1: i32, %arg2: memref<1x3x2048xf32, #tpu.memory_space<vmem>>, %arg3: memref<1x3x128xf32, #tpu.memory_space<vmem>>, %arg4: memref<1x64x1x128xi32, #tpu.memory_space<vmem>>) attributes {dimension_semantics = [#tpu.dimension_semantics<arbitrary>, #tpu.dimension_semantics<arbitrary>], iteration_bounds = array<i64: 2, 4>, scalar_prefetch = 0 : i64, scratch_operands = 0 : i64, tpu.core_type = #tpu.core_type<tc>, window_params = [{transform_indices = @transform_0, window_bounds = array<i64: 1, 3, 2048>}, {transform_indices = @transform_1, window_bounds = array<i64: 1, 3, 128>}, {transform_indices = @transform_2, window_bounds = array<i64: 1, 64, 1, 128>}]} {
    %add3A = arith.constant 0 : i32
    %add3A_0 = arith.addi %arg0, %add3A : i32
    %get3A = arith.constant 0 : index
    %get3A_1 = arith.constant 0 : index
    %get3A_2 = arith.constant 0 : index
    %get3A_3 = vector.load %arg2[%get3A, %get3A_1, %get3A_2] : memref<1x3x2048xf32, #tpu.memory_space<vmem>>, vector<1x3x2048xf32>
    %get3A_4 = vector.shape_cast %get3A_3 : vector<1x3x2048xf32> to vector<3x2048xf32>
    %get3A_5 = arith.constant 0 : index
    %get3A_6 = arith.constant 0 : index
    %get3A_7 = arith.constant 0 : index
    %get3A_8 = vector.load %arg3[%get3A_5, %get3A_6, %get3A_7] : memref<1x3x128xf32, #tpu.memory_space<vmem>>, vector<1x3x128xf32>
    %get3A_9 = vector.shape_cast %get3A_8 : vector<1x3x128xf32> to vector<3x128xf32>
    %slice3A = vector.extract_strided_slice %get3A_9 {offsets = [0, 0], sizes = [1, 128], strides = [1, 1]} : vector<3x128xf32> to vector<1x128xf32>
    %squeeze3A = vector.shape_cast %slice3A : vector<1x128xf32> to vector<128xf32>
    %broadcast_in_dim3A = vector.shape_cast %squeeze3A : vector<128xf32> to vector<128x1xf32>
    %slice3A_10 = vector.extract_strided_slice %get3A_4 {offsets = [0, 0], sizes = [1, 2048], strides = [1, 1]} : vector<3x2048xf32> to vector<1x2048xf32>
    %squeeze3A_11 = vector.shape_cast %slice3A_10 : vector<1x2048xf32> to vector<2048xf32>
    %broadcast_in_dim3A_12 = vector.shape_cast %squeeze3A_11 : vector<2048xf32> to vector<1x2048xf32>
    %sub3A = vector.broadcast %broadcast_in_dim3A : vector<128x1xf32> to vector<128x2048xf32>
    %sub3A_13 = vector.broadcast %broadcast_in_dim3A_12 : vector<1x2048xf32> to vector<128x2048xf32>
    %sub3A_14 = arith.subf %sub3A, %sub3A_13 : vector<128x2048xf32>
    %integer_pow3A = arith.mulf %sub3A_14, %sub3A_14 : vector<128x2048xf32>
    %slice3A_15 = vector.extract_strided_slice %get3A_9 {offsets = [1, 0], sizes = [1, 128], strides = [1, 1]} : vector<3x128xf32> to vector<1x128xf32>
    %squeeze3A_16 = vector.shape_cast %slice3A_15 : vector<1x128xf32> to vector<128xf32>
    %broadcast_in_dim3A_17 = vector.shape_cast %squeeze3A_16 : vector<128xf32> to vector<128x1xf32>
    %slice3A_18 = vector.extract_strided_slice %get3A_4 {offsets = [1, 0], sizes = [1, 2048], strides = [1, 1]} : vector<3x2048xf32> to vector<1x2048xf32>
    %squeeze3A_19 = vector.shape_cast %slice3A_18 : vector<1x2048xf32> to vector<2048xf32>
    %broadcast_in_dim3A_20 = vector.shape_cast %squeeze3A_19 : vector<2048xf32> to vector<1x2048xf32>
    %sub3A_21 = vector.broadcast %broadcast_in_dim3A_17 : vector<128x1xf32> to vector<128x2048xf32>
    %sub3A_22 = vector.broadcast %broadcast_in_dim3A_20 : vector<1x2048xf32> to vector<128x2048xf32>
    %sub3A_23 = arith.subf %sub3A_21, %sub3A_22 : vector<128x2048xf32>
    %integer_pow3A_24 = arith.mulf %sub3A_23, %sub3A_23 : vector<128x2048xf32>
    %add3A_25 = arith.addf %integer_pow3A, %integer_pow3A_24 : vector<128x2048xf32>
    %slice3A_26 = vector.extract_strided_slice %get3A_9 {offsets = [2, 0], sizes = [1, 128], strides = [1, 1]} : vector<3x128xf32> to vector<1x128xf32>
    %squeeze3A_27 = vector.shape_cast %slice3A_26 : vector<1x128xf32> to vector<128xf32>
    %broadcast_in_dim3A_28 = vector.shape_cast %squeeze3A_27 : vector<128xf32> to vector<128x1xf32>
    %slice3A_29 = vector.extract_strided_slice %get3A_4 {offsets = [2, 0], sizes = [1, 2048], strides = [1, 1]} : vector<3x2048xf32> to vector<1x2048xf32>
    %squeeze3A_30 = vector.shape_cast %slice3A_29 : vector<1x2048xf32> to vector<2048xf32>
    %broadcast_in_dim3A_31 = vector.shape_cast %squeeze3A_30 : vector<2048xf32> to vector<1x2048xf32>
    %sub3A_32 = vector.broadcast %broadcast_in_dim3A_28 : vector<128x1xf32> to vector<128x2048xf32>
    %sub3A_33 = vector.broadcast %broadcast_in_dim3A_31 : vector<1x2048xf32> to vector<128x2048xf32>
    %sub3A_34 = arith.subf %sub3A_32, %sub3A_33 : vector<128x2048xf32>
    %integer_pow3A_35 = arith.mulf %sub3A_34, %sub3A_34 : vector<128x2048xf32>
    %add3A_36 = arith.addf %add3A_25, %integer_pow3A_35 : vector<128x2048xf32>
    %le3A = arith.constant 4.000000e-02 : f32
    %le3A_37 = vector.broadcast %le3A : f32 to vector<128x2048xf32>
    %le3A_38 = arith.cmpf ole, %add3A_36, %le3A_37 : vector<128x2048xf32>
    %jit3A = arith.constant 0x7F800000 : f32
    %broadcast_in_dim3A_39 = vector.broadcast %jit3A : f32 to vector<128x2048xf32>
    %select_n3A = arith.select %le3A_38, %add3A_36, %broadcast_in_dim3A_39 : vector<128x2048xi1>, vector<128x2048xf32>
    %bitcast_convert_type3A = tpu.bitcast %select_n3A : vector<128x2048xf32> -> vector<128x2048xi32>
    %mul3A = arith.constant 2048 : i32
    %mul3A_40 = arith.muli %add3A_0, %mul3A : i32
    %iota3A = tpu.iota {dimensions = array<i32: 1>} : vector<128x2048xi32>
    %convert_element_type3A = arith.sitofp %iota3A : vector<128x2048xi32> to vector<128x2048xf32>
    %broadcast_in_dim3A_41 = arith.constant 0 : i32
    %broadcast_in_dim3A_42 = vector.broadcast %broadcast_in_dim3A_41 : i32 to vector<128xi32>
    %broadcast_in_dim3A_43 = arith.constant 1025758986 : i32
    %broadcast_in_dim3A_44 = vector.broadcast %broadcast_in_dim3A_43 : i32 to vector<128xi32>
    %scan3A = arith.constant 0 : i32
    %scan3A_45 = arith.constant 31 : i32
    %scan3A_46 = arith.addi %scan3A, %scan3A_45 : i32
    %scan3A_47 = arith.constant 1 : i32
    %scan3A_48:2 = scf.for %scan3A_134 = %scan3A to %scan3A_46 step %scan3A_47 iter_args(%scan3A_135 = %broadcast_in_dim3A_42, %scan3A_136 = %broadcast_in_dim3A_44) -> (vector<128xi32>, vector<128xi32>)  : i32 {
      %add3A_137 = arith.addi %scan3A_135, %scan3A_136 : vector<128xi32>
      %jit3A_138 = arith.constant 2 : i32
      %div3A = vector.broadcast %jit3A_138 : i32 to vector<128xi32>
      %div3A_139 = arith.divsi %add3A_137, %div3A : vector<128xi32>
      %sign3A = arith.constant 0 : i32
      %sign3A_140 = vector.broadcast %sign3A : i32 to vector<128xi32>
      %sign3A_141 = arith.cmpi sgt, %add3A_137, %sign3A_140 : vector<128xi32>
      %sign3A_142 = arith.extui %sign3A_141 : vector<128xi1> to vector<128xi32>
      %sign3A_143 = arith.constant 0 : i32
      %sign3A_144 = vector.broadcast %sign3A_143 : i32 to vector<128xi32>
      %sign3A_145 = arith.cmpi slt, %add3A_137, %sign3A_144 : vector<128xi32>
      %sign3A_146 = arith.extui %sign3A_145 : vector<128xi1> to vector<128xi32>
      %sign3A_147 = arith.subi %sign3A_142, %sign3A_146 : vector<128xi32>
      %sign3A_148 = arith.constant 0 : i32
      %sign3A_149 = arith.cmpi sgt, %jit3A_138, %sign3A_148 : i32
      %sign3A_150 = arith.extui %sign3A_149 : i1 to i32
      %sign3A_151 = arith.constant 0 : i32
      %sign3A_152 = arith.cmpi slt, %jit3A_138, %sign3A_151 : i32
      %sign3A_153 = arith.extui %sign3A_152 : i1 to i32
      %sign3A_154 = arith.subi %sign3A_150, %sign3A_153 : i32
      %ne3A = vector.broadcast %sign3A_154 : i32 to vector<128xi32>
      %ne3A_155 = arith.cmpi ne, %sign3A_147, %ne3A : vector<128xi32>
      %rem3A = vector.broadcast %jit3A_138 : i32 to vector<128xi32>
      %rem3A_156 = arith.remsi %add3A_137, %rem3A : vector<128xi32>
      %ne3A_157 = arith.constant 0 : i32
      %ne3A_158 = vector.broadcast %ne3A_157 : i32 to vector<128xi32>
      %ne3A_159 = arith.cmpi ne, %rem3A_156, %ne3A_158 : vector<128xi32>
      %and3A_160 = arith.andi %ne3A_155, %ne3A_159 : vector<128xi1>
      %sub3A_161 = arith.constant 1 : i32
      %sub3A_162 = vector.broadcast %sub3A_161 : i32 to vector<128xi32>
      %sub3A_163 = arith.subi %div3A_139, %sub3A_162 : vector<128xi32>
      %select_n3A_164 = arith.select %and3A_160, %sub3A_163, %div3A_139 : vector<128xi1>, vector<128xi32>
      %broadcast_in_dim3A_165 = vector.shape_cast %select_n3A_164 : vector<128xi32> to vector<128x1xi32>
      %le3A_166 = vector.broadcast %broadcast_in_dim3A_165 : vector<128x1xi32> to vector<128x2048xi32>
      %le3A_167 = arith.cmpi sle, %bitcast_convert_type3A, %le3A_166 : vector<128x2048xi32>
      %convert_element_type3A_168 = arith.extui %le3A_167 : vector<128x2048xi1> to vector<128x2048xi32>
      %convert_element_type3A_169 = arith.sitofp %convert_element_type3A_168 : vector<128x2048xi32> to vector<128x2048xf32>
      %reduce_sum3A_170 = arith.constant dense<0.000000e+00> : vector<128xf32>
      %reduce_sum3A_171 = vector.multi_reduction <add>, %convert_element_type3A_169, %reduce_sum3A_170 [1] : vector<128x2048xf32> to vector<128xf32>
      %ge3A = arith.constant 6.400000e+01 : f32
      %ge3A_172 = vector.broadcast %ge3A : f32 to vector<128xf32>
      %ge3A_173 = arith.cmpf oge, %reduce_sum3A_171, %ge3A_172 : vector<128xf32>
      %add3A_174 = arith.constant 1 : i32
      %add3A_175 = vector.broadcast %add3A_174 : i32 to vector<128xi32>
      %add3A_176 = arith.addi %select_n3A_164, %add3A_175 : vector<128xi32>
      %select_n3A_177 = arith.select %ge3A_173, %scan3A_135, %add3A_176 : vector<128xi1>, vector<128xi32>
      %select_n3A_178 = arith.select %ge3A_173, %select_n3A_164, %scan3A_136 : vector<128xi1>, vector<128xi32>
      scf.yield %select_n3A_177, %select_n3A_178 : vector<128xi32>, vector<128xi32>
    }
    %broadcast_in_dim3A_49 = vector.shape_cast %scan3A_48#1 : vector<128xi32> to vector<128x1xi32>
    %lt3A = vector.broadcast %broadcast_in_dim3A_49 : vector<128x1xi32> to vector<128x2048xi32>
    %lt3A_50 = arith.cmpi slt, %bitcast_convert_type3A, %lt3A : vector<128x2048xi32>
    %broadcast_in_dim3A_51 = vector.shape_cast %scan3A_48#1 : vector<128xi32> to vector<128x1xi32>
    %eq3A = vector.broadcast %broadcast_in_dim3A_51 : vector<128x1xi32> to vector<128x2048xi32>
    %eq3A_52 = arith.cmpi eq, %bitcast_convert_type3A, %eq3A : vector<128x2048xi32>
    %convert_element_type3A_53 = arith.extui %lt3A_50 : vector<128x2048xi1> to vector<128x2048xi32>
    %convert_element_type3A_54 = arith.sitofp %convert_element_type3A_53 : vector<128x2048xi32> to vector<128x2048xf32>
    %reduce_sum3A = arith.constant dense<0.000000e+00> : vector<128xf32>
    %reduce_sum3A_55 = vector.multi_reduction <add>, %convert_element_type3A_54, %reduce_sum3A [1] : vector<128x2048xf32> to vector<128xf32>
    %convert_element_type3A_56 = arith.extui %eq3A_52 : vector<128x2048xi1> to vector<128x2048xi32>
    %convert_element_type3A_57 = arith.sitofp %convert_element_type3A_56 : vector<128x2048xi32> to vector<128x2048xf32>
    %iota3A_58 = tpu.iota {dimensions = array<i32: 0>} : vector<128x128xi32>
    %iota3A_59 = tpu.iota {dimensions = array<i32: 1>} : vector<128x128xi32>
    %le3A_60 = arith.cmpi sle, %iota3A_58, %iota3A_59 : vector<128x128xi32>
    %convert_element_type3A_61 = arith.extui %le3A_60 : vector<128x128xi1> to vector<128x128xi32>
    %convert_element_type3A_62 = arith.sitofp %convert_element_type3A_61 : vector<128x128xi32> to vector<128x128xf32>
    %reshape3A = vector.shape_cast %convert_element_type3A_57 : vector<128x2048xf32> to vector<2048x128xf32>
    %dot_general3A = arith.constant dense<0.000000e+00> : vector<2048x128xf32>
    %dot_general3A_63 = tpu.matmul %reshape3A, %convert_element_type3A_62, %dot_general3A {dimension_numbers = #tpu.dot_dimension_numbers<[1], [0], [0], [1], [0, 0, 1, 1], [], []>, transpose_lhs_hint = false} : vector<2048x128xf32>, vector<128x128xf32>, vector<2048x128xf32> -> vector<2048x128xf32>
    %reshape3A_64 = vector.shape_cast %dot_general3A_63 : vector<2048x128xf32> to vector<128x16x128xf32>
    %slice3A_65 = vector.extract_strided_slice %reshape3A_64 {offsets = [0, 0, 127], sizes = [128, 16, 1], strides = [1, 1, 1]} : vector<128x16x128xf32> to vector<128x16x1xf32>
    %squeeze3A_66 = vector.shape_cast %slice3A_65 : vector<128x16x1xf32> to vector<128x16xf32>
    %iota3A_67 = tpu.iota {dimensions = array<i32: 0>} : vector<16x16xi32>
    %iota3A_68 = tpu.iota {dimensions = array<i32: 1>} : vector<16x16xi32>
    %lt3A_69 = arith.cmpi slt, %iota3A_67, %iota3A_68 : vector<16x16xi32>
    %convert_element_type3A_70 = arith.extui %lt3A_69 : vector<16x16xi1> to vector<16x16xi32>
    %convert_element_type3A_71 = arith.sitofp %convert_element_type3A_70 : vector<16x16xi32> to vector<16x16xf32>
    %dot_general3A_72 = arith.constant dense<0.000000e+00> : vector<128x16xf32>
    %dot_general3A_73 = tpu.matmul %squeeze3A_66, %convert_element_type3A_71, %dot_general3A_72 {dimension_numbers = #tpu.dot_dimension_numbers<[1], [0], [0], [1], [0, 0, 1, 1], [], []>, transpose_lhs_hint = false} : vector<128x16xf32>, vector<16x16xf32>, vector<128x16xf32> -> vector<128x16xf32>
    %broadcast_in_dim3A_74 = vector.shape_cast %dot_general3A_73 : vector<128x16xf32> to vector<128x16x1xf32>
    %add3A_75 = vector.broadcast %broadcast_in_dim3A_74 : vector<128x16x1xf32> to vector<128x16x128xf32>
    %add3A_76 = arith.addf %reshape3A_64, %add3A_75 : vector<128x16x128xf32>
    %reshape3A_77 = vector.shape_cast %add3A_76 : vector<128x16x128xf32> to vector<128x2048xf32>
    %sub3A_78 = arith.constant 6.400000e+01 : f32
    %sub3A_79 = vector.broadcast %sub3A_78 : f32 to vector<128xf32>
    %sub3A_80 = arith.subf %sub3A_79, %reduce_sum3A_55 : vector<128xf32>
    %broadcast_in_dim3A_81 = vector.shape_cast %sub3A_80 : vector<128xf32> to vector<128x1xf32>
    %le3A_82 = vector.broadcast %broadcast_in_dim3A_81 : vector<128x1xf32> to vector<128x2048xf32>
    %le3A_83 = arith.cmpf ole, %reshape3A_77, %le3A_82 : vector<128x2048xf32>
    %and3A = arith.andi %eq3A_52, %le3A_83 : vector<128x2048xi1>
    %or3A = arith.ori %lt3A_50, %and3A : vector<128x2048xi1>
    %convert_element_type3A_84 = arith.extui %or3A : vector<128x2048xi1> to vector<128x2048xi32>
    %convert_element_type3A_85 = arith.sitofp %convert_element_type3A_84 : vector<128x2048xi32> to vector<128x2048xf32>
    %iota3A_86 = tpu.iota {dimensions = array<i32: 0>} : vector<128x128xi32>
    %iota3A_87 = tpu.iota {dimensions = array<i32: 1>} : vector<128x128xi32>
    %le3A_88 = arith.cmpi sle, %iota3A_86, %iota3A_87 : vector<128x128xi32>
    %convert_element_type3A_89 = arith.extui %le3A_88 : vector<128x128xi1> to vector<128x128xi32>
    %convert_element_type3A_90 = arith.sitofp %convert_element_type3A_89 : vector<128x128xi32> to vector<128x128xf32>
    %reshape3A_91 = vector.shape_cast %convert_element_type3A_85 : vector<128x2048xf32> to vector<2048x128xf32>
    %dot_general3A_92 = arith.constant dense<0.000000e+00> : vector<2048x128xf32>
    %dot_general3A_93 = tpu.matmul %reshape3A_91, %convert_element_type3A_90, %dot_general3A_92 {dimension_numbers = #tpu.dot_dimension_numbers<[1], [0], [0], [1], [0, 0, 1, 1], [], []>, transpose_lhs_hint = false} : vector<2048x128xf32>, vector<128x128xf32>, vector<2048x128xf32> -> vector<2048x128xf32>
    %reshape3A_94 = vector.shape_cast %dot_general3A_93 : vector<2048x128xf32> to vector<128x16x128xf32>
    %slice3A_95 = vector.extract_strided_slice %reshape3A_94 {offsets = [0, 0, 127], sizes = [128, 16, 1], strides = [1, 1, 1]} : vector<128x16x128xf32> to vector<128x16x1xf32>
    %squeeze3A_96 = vector.shape_cast %slice3A_95 : vector<128x16x1xf32> to vector<128x16xf32>
    %iota3A_97 = tpu.iota {dimensions = array<i32: 0>} : vector<16x16xi32>
    %iota3A_98 = tpu.iota {dimensions = array<i32: 1>} : vector<16x16xi32>
    %lt3A_99 = arith.cmpi slt, %iota3A_97, %iota3A_98 : vector<16x16xi32>
    %convert_element_type3A_100 = arith.extui %lt3A_99 : vector<16x16xi1> to vector<16x16xi32>
    %convert_element_type3A_101 = arith.sitofp %convert_element_type3A_100 : vector<16x16xi32> to vector<16x16xf32>
    %dot_general3A_102 = arith.constant dense<0.000000e+00> : vector<128x16xf32>
    %dot_general3A_103 = tpu.matmul %squeeze3A_96, %convert_element_type3A_101, %dot_general3A_102 {dimension_numbers = #tpu.dot_dimension_numbers<[1], [0], [0], [1], [0, 0, 1, 1], [], []>, transpose_lhs_hint = false} : vector<128x16xf32>, vector<16x16xf32>, vector<128x16xf32> -> vector<128x16xf32>
    %broadcast_in_dim3A_104 = vector.shape_cast %dot_general3A_103 : vector<128x16xf32> to vector<128x16x1xf32>
    %add3A_105 = vector.broadcast %broadcast_in_dim3A_104 : vector<128x16x1xf32> to vector<128x16x128xf32>
    %add3A_106 = arith.addf %reshape3A_94, %add3A_105 : vector<128x16x128xf32>
    %reshape3A_107 = vector.shape_cast %add3A_106 : vector<128x16x128xf32> to vector<128x2048xf32>
    %jit3A_108 = arith.constant 0.000000e+00 : f32
    %broadcast_in_dim3A_109 = vector.broadcast %jit3A_108 : f32 to vector<128x2048xf32>
    %select_n3A_110 = arith.select %or3A, %reshape3A_107, %broadcast_in_dim3A_109 : vector<128x2048xi1>, vector<128x2048xf32>
    %reduce_sum3A_111 = arith.constant dense<0.000000e+00> : vector<128xf32>
    %reduce_sum3A_112 = vector.multi_reduction <add>, %convert_element_type3A_85, %reduce_sum3A_111 [1] : vector<128x2048xf32> to vector<128xf32>
    %eq3A_113 = arith.constant 1.000000e+00 : f32
    %eq3A_114 = vector.broadcast %eq3A_113 : f32 to vector<128x2048xf32>
    %eq3A_115 = arith.cmpf oeq, %select_n3A_110, %eq3A_114 : vector<128x2048xf32>
    %jit3A_116 = arith.constant 0.000000e+00 : f32
    %broadcast_in_dim3A_117 = vector.broadcast %jit3A_116 : f32 to vector<128x2048xf32>
    %select_n3A_118 = arith.select %eq3A_115, %convert_element_type3A, %broadcast_in_dim3A_117 : vector<128x2048xi1>, vector<128x2048xf32>
    %reduce_sum3A_119 = arith.constant dense<0.000000e+00> : vector<128xf32>
    %reduce_sum3A_120 = vector.multi_reduction <add>, %select_n3A_118, %reduce_sum3A_119 [1] : vector<128x2048xf32> to vector<128xf32>
    %convert_element_type3A_121 = arith.fptosi %reduce_sum3A_120 : vector<128xf32> to vector<128xi32>
    %add3A_122 = vector.broadcast %mul3A_40 : i32 to vector<128xi32>
    %add3A_123 = arith.addi %convert_element_type3A_121, %add3A_122 : vector<128xi32>
    %broadcast_in_dim3A_124 = vector.shape_cast %add3A_123 : vector<128xi32> to vector<1x1x1x128xi32>
    %swap3A = arith.constant 0 : index
    %swap3A_125 = arith.constant 0 : index
    %swap3A_126 = arith.constant 0 : index
    %swap3A_127 = arith.constant 0 : index
    %swap3A_128 = vector.load %arg4[%swap3A, %swap3A_125, %swap3A_126, %swap3A_127] : memref<1x64x1x128xi32, #tpu.memory_space<vmem>>, vector<1x1x1x128xi32>
    tpu.vector_store %arg4[%swap3A, %swap3A_125, %swap3A_126, %swap3A_127], %broadcast_in_dim3A_124 {strides = array<i32>} : memref<1x64x1x128xi32, #tpu.memory_space<vmem>>, vector<1x1x1x128xi32>,
    %scan3A_129 = arith.constant 0 : i32
    %scan3A_130 = arith.constant 32 : i32
    %scan3A_131 = arith.addi %scan3A_129, %scan3A_130 : i32
    %scan3A_132 = arith.constant 1 : i32
    scf.for %scan3A_134 = %scan3A_129 to %scan3A_131 step %scan3A_132  : i32 {
      %convert_element_type3A_135 = arith.sitofp %scan3A_134 : i32 to f32
      %mul3A_136 = arith.constant 2.000000e+00 : f32
      %mul3A_137 = arith.mulf %convert_element_type3A_135, %mul3A_136 : f32
      %add3A_138 = arith.constant 1.000000e+00 : f32
      %add3A_139 = arith.addf %mul3A_137, %add3A_138 : f32
      %eq3A_140 = vector.broadcast %add3A_139 : f32 to vector<128x2048xf32>
      %eq3A_141 = arith.cmpf oeq, %select_n3A_110, %eq3A_140 : vector<128x2048xf32>
      %jit3A_142 = arith.constant 0.000000e+00 : f32
      %broadcast_in_dim3A_143 = vector.broadcast %jit3A_142 : f32 to vector<128x2048xf32>
      %select_n3A_144 = arith.select %eq3A_141, %convert_element_type3A, %broadcast_in_dim3A_143 : vector<128x2048xi1>, vector<128x2048xf32>
      %add3A_145 = arith.constant 2.000000e+00 : f32
      %add3A_146 = arith.addf %mul3A_137, %add3A_145 : f32
      %eq3A_147 = vector.broadcast %add3A_146 : f32 to vector<128x2048xf32>
      %eq3A_148 = arith.cmpf oeq, %select_n3A_110, %eq3A_147 : vector<128x2048xf32>
      %mul3A_149 = arith.constant 4.096000e+03 : f32
      %mul3A_150 = vector.broadcast %mul3A_149 : f32 to vector<128x2048xf32>
      %mul3A_151 = arith.mulf %convert_element_type3A, %mul3A_150 : vector<128x2048xf32>
      %jit3A_152 = arith.constant 0.000000e+00 : f32
      %broadcast_in_dim3A_153 = vector.broadcast %jit3A_152 : f32 to vector<128x2048xf32>
      %select_n3A_154 = arith.select %eq3A_148, %mul3A_151, %broadcast_in_dim3A_153 : vector<128x2048xi1>, vector<128x2048xf32>
      %add3A_155 = arith.addf %select_n3A_144, %select_n3A_154 : vector<128x2048xf32>
      %reduce_sum3A_156 = arith.constant dense<0.000000e+00> : vector<128xf32>
      %reduce_sum3A_157 = vector.multi_reduction <add>, %add3A_155, %reduce_sum3A_156 [1] : vector<128x2048xf32> to vector<128xf32>
      %mul3A_158 = arith.constant 2.44140625E-4 : f32
      %mul3A_159 = vector.broadcast %mul3A_158 : f32 to vector<128xf32>
      %mul3A_160 = arith.mulf %reduce_sum3A_157, %mul3A_159 : vector<128xf32>
      %floor3A = math.floor %mul3A_160 : vector<128xf32>
      %mul3A_161 = arith.constant 4.096000e+03 : f32
      %mul3A_162 = vector.broadcast %mul3A_161 : f32 to vector<128xf32>
      %mul3A_163 = arith.mulf %floor3A, %mul3A_162 : vector<128xf32>
      %sub3A_164 = arith.subf %reduce_sum3A_157, %mul3A_163 : vector<128xf32>
      %lt3A_165 = vector.broadcast %mul3A_137 : f32 to vector<128xf32>
      %lt3A_166 = arith.cmpf olt, %lt3A_165, %reduce_sum3A_112 : vector<128xf32>
      %select_n3A_167 = arith.select %lt3A_166, %sub3A_164, %reduce_sum3A_120 : vector<128xi1>, vector<128xf32>
      %add3A_168 = arith.constant 1.000000e+00 : f32
      %add3A_169 = arith.addf %mul3A_137, %add3A_168 : f32
      %lt3A_170 = vector.broadcast %add3A_169 : f32 to vector<128xf32>
      %lt3A_171 = arith.cmpf olt, %lt3A_170, %reduce_sum3A_112 : vector<128xf32>
      %select_n3A_172 = arith.select %lt3A_171, %floor3A, %reduce_sum3A_120 : vector<128xi1>, vector<128xf32>
      %convert_element_type3A_173 = arith.fptosi %select_n3A_167 : vector<128xf32> to vector<128xi32>
      %add3A_174 = vector.broadcast %mul3A_40 : i32 to vector<128xi32>
      %add3A_175 = arith.addi %convert_element_type3A_173, %add3A_174 : vector<128xi32>
      %broadcast_in_dim3A_176 = vector.shape_cast %add3A_175 : vector<128xi32> to vector<1x1x1x128xi32>
      %mul3A_177 = arith.constant 2 : i32
      %mul3A_178 = arith.muli %mul3A_177, %scan3A_134 : i32
      %swap3A_179 = arith.constant 0 : index
      %swap3A_180 = arith.index_cast %mul3A_178 : i32 to index
      %swap3A_181 = arith.constant 0 : index
      %swap3A_182 = arith.constant 0 : index
      %swap3A_183 = vector.load %arg4[%swap3A_179, %swap3A_180, %swap3A_181, %swap3A_182] : memref<1x64x1x128xi32, #tpu.memory_space<vmem>>, vector<1x1x1x128xi32>
      tpu.vector_store %arg4[%swap3A_179, %swap3A_180, %swap3A_181, %swap3A_182], %broadcast_in_dim3A_176 {strides = array<i32>} : memref<1x64x1x128xi32, #tpu.memory_space<vmem>>, vector<1x1x1x128xi32>,
      %convert_element_type3A_184 = arith.fptosi %select_n3A_172 : vector<128xf32> to vector<128xi32>
      %add3A_185 = vector.broadcast %mul3A_40 : i32 to vector<128xi32>
      %add3A_186 = arith.addi %convert_element_type3A_184, %add3A_185 : vector<128xi32>
      %broadcast_in_dim3A_187 = vector.shape_cast %add3A_186 : vector<128xi32> to vector<1x1x1x128xi32>
      %mul3A_188 = arith.constant 2 : i32
      %mul3A_189 = arith.muli %mul3A_188, %scan3A_134 : i32
      %add3A_190 = arith.constant 1 : i32
      %add3A_191 = arith.addi %mul3A_189, %add3A_190 : i32
      %swap3A_192 = arith.constant 0 : index
      %swap3A_193 = arith.index_cast %add3A_191 : i32 to index
      %swap3A_194 = arith.constant 0 : index
      %swap3A_195 = arith.constant 0 : index
      %swap3A_196 = vector.load %arg4[%swap3A_192, %swap3A_193, %swap3A_194, %swap3A_195] : memref<1x64x1x128xi32, #tpu.memory_space<vmem>>, vector<1x1x1x128xi32>
      tpu.vector_store %arg4[%swap3A_192, %swap3A_193, %swap3A_194, %swap3A_195], %broadcast_in_dim3A_187 {strides = array<i32>} : memref<1x64x1x128xi32, #tpu.memory_space<vmem>>, vector<1x1x1x128xi32>,
    }
    %scan3A_133 = arith.constant 32 : i32
    return
  }
  func.func @transform_0(%arg0: i32, %arg1: i32) -> (i32, i32, i32) {
    %c0_i32 = arith.constant 0 : i32
    %c0_i32_0 = arith.constant 0 : i32
    %c0_i32_1 = arith.constant 0 : i32
    return %arg0, %c0_i32, %c0_i32_0 : i32, i32, i32
  }
  func.func @transform_1(%arg0: i32, %arg1: i32) -> (i32, i32, i32) {
    %c0_i32 = arith.constant 0 : i32
    %c0_i32_0 = arith.constant 0 : i32
    return %arg0, %c0_i32, %arg1 : i32, i32, i32
  }
  func.func @transform_2(%arg0: i32, %arg1: i32) -> (i32, i32, i32, i32) {
    %mul3A = arith.constant 4 : i32
    %mul3A_0 = arith.muli %arg0, %mul3A : i32
    %add3A = arith.addi %mul3A_0, %arg1 : i32
    %c0_i32 = arith.constant 0 : i32
    %c0_i32_1 = arith.constant 0 : i32
    %c0_i32_2 = arith.constant 0 : i32
    %c0_i32_3 = arith.constant 0 : i32
    return %add3A, %c0_i32, %c0_i32_1, %c0_i32_2 : i32, i32, i32, i32
  }
}

module attributes {stable_mosaic.version = 14 : i64} {
  func.func @_mlp_body(%arg0: i32, %arg1: memref<8192x128xf32, #tpu.memory_space<vmem>>, %arg2: memref<3x128xf32, #tpu.memory_space<vmem>>, %arg3: memref<128x128xf32, #tpu.memory_space<vmem>>, %arg4: memref<1x128xf32, #tpu.memory_space<vmem>>, %arg5: memref<3x128xf32, #tpu.memory_space<vmem>>, %arg6: memref<128x128xf32, #tpu.memory_space<vmem>>) attributes {dimension_semantics = [#tpu.dimension_semantics<arbitrary>], iteration_bounds = array<i64: 8>, scalar_prefetch = 0 : i64, scratch_operands = 0 : i64, tpu.core_type = #tpu.core_type<tc>, window_params = [{transform_indices = @transform_0, window_bounds = array<i64: 8192, 128>}, {pipeline_mode = #tpu.pipeline_mode<synchronous>, transform_indices = @transform_1, window_bounds = array<i64: 3, 128>}, {pipeline_mode = #tpu.pipeline_mode<synchronous>, transform_indices = @transform_2, window_bounds = array<i64: 128, 128>}, {pipeline_mode = #tpu.pipeline_mode<synchronous>, transform_indices = @transform_3, window_bounds = array<i64: 1, 128>}, {transform_indices = @transform_4, window_bounds = array<i64: 3, 128>}, {transform_indices = @transform_5, window_bounds = array<i64: 128, 128>}]} {
    %get3A = arith.constant 0 : index
    %get3A_0 = arith.constant 0 : index
    %get3A_1 = vector.load %arg5[%get3A, %get3A_0] : memref<3x128xf32, #tpu.memory_space<vmem>>, vector<3x128xf32>
    %get3A_2 = arith.constant 0 : index
    %get3A_3 = arith.constant 0 : index
    %get3A_4 = vector.load %arg2[%get3A_2, %get3A_3] : memref<3x128xf32, #tpu.memory_space<vmem>>, vector<3x128xf32>
    %dot_general3A = arith.constant dense<0.000000e+00> : vector<128x128xf32>
    %dot_general3A_5 = tpu.matmul %get3A_1, %get3A_4, %dot_general3A {dimension_numbers = #tpu.dot_dimension_numbers<[0], [0], [1], [1], [0, 1, 1, 1], [], []>, transpose_lhs_hint = false} : vector<3x128xf32>, vector<3x128xf32>, vector<128x128xf32> -> vector<128x128xf32>
    %get3A_6 = arith.constant 0 : index
    %get3A_7 = arith.constant 0 : index
    %get3A_8 = vector.load %arg1[%get3A_6, %get3A_7] : memref<8192x128xf32, #tpu.memory_space<vmem>>, vector<8192x128xf32>
    %reshape3A = vector.shape_cast %get3A_8 : vector<8192x128xf32> to vector<128x64x128xf32>
    %broadcast_in_dim3A = vector.shape_cast %dot_general3A_5 : vector<128x128xf32> to vector<128x1x128xf32>
    %sub3A = vector.broadcast %broadcast_in_dim3A : vector<128x1x128xf32> to vector<128x64x128xf32>
    %sub3A_9 = arith.subf %reshape3A, %sub3A : vector<128x64x128xf32>
    %max3A = arith.constant 0.000000e+00 : f32
    %max3A_10 = vector.broadcast %max3A : f32 to vector<128x64x128xf32>
    %max3A_11 = arith.maximumf %sub3A_9, %max3A_10 : vector<128x64x128xf32>
    %reshape3A_12 = vector.shape_cast %max3A_11 : vector<128x64x128xf32> to vector<8192x128xf32>
    %get3A_13 = arith.constant 0 : index
    %get3A_14 = arith.constant 0 : index
    %get3A_15 = vector.load %arg3[%get3A_13, %get3A_14] : memref<128x128xf32, #tpu.memory_space<vmem>>, vector<128x128xf32>
    %dot_general3A_16 = arith.constant dense<0.000000e+00> : vector<8192x128xf32>
    %dot_general3A_17 = tpu.matmul %reshape3A_12, %get3A_15, %dot_general3A_16 {dimension_numbers = #tpu.dot_dimension_numbers<[1], [0], [0], [1], [0, 0, 1, 1], [], []>, transpose_lhs_hint = false} : vector<8192x128xf32>, vector<128x128xf32>, vector<8192x128xf32> -> vector<8192x128xf32>
    %get3A_18 = arith.constant 0 : index
    %get3A_19 = arith.constant 0 : index
    %get3A_20 = vector.load %arg4[%get3A_18, %get3A_19] : memref<1x128xf32, #tpu.memory_space<vmem>>, vector<1x128xf32>
    %add3A = vector.broadcast %get3A_20 : vector<1x128xf32> to vector<8192x128xf32>
    %add3A_21 = arith.addf %dot_general3A_17, %add3A : vector<8192x128xf32>
    %max3A_22 = arith.constant 0.000000e+00 : f32
    %max3A_23 = vector.broadcast %max3A_22 : f32 to vector<8192x128xf32>
    %max3A_24 = arith.maximumf %add3A_21, %max3A_23 : vector<8192x128xf32>
    %reshape3A_25 = vector.shape_cast %max3A_24 : vector<8192x128xf32> to vector<128x64x128xf32>
    %reduce_max3A = arith.constant dense<0xFF800000> : vector<128x128xf32>
    %reduce_max3A_26 = vector.multi_reduction <maximumf>, %reshape3A_25, %reduce_max3A [1] : vector<128x64x128xf32> to vector<128x128xf32>
    %swap3A = arith.constant 0 : index
    %swap3A_27 = arith.constant 0 : index
    %swap3A_28 = vector.load %arg6[%swap3A, %swap3A_27] : memref<128x128xf32, #tpu.memory_space<vmem>>, vector<128x128xf32>
    tpu.vector_store %arg6[%swap3A, %swap3A_27], %reduce_max3A_26 {strides = array<i32>} : memref<128x128xf32, #tpu.memory_space<vmem>>, vector<128x128xf32>,
    return
  }
  func.func @transform_0(%arg0: i32) -> (i32, i32) {
    %c0_i32 = arith.constant 0 : i32
    %c0_i32_0 = arith.constant 0 : i32
    return %arg0, %c0_i32 : i32, i32
  }
  func.func @transform_1(%arg0: i32) -> (i32, i32) {
    %c0_i32 = arith.constant 0 : i32
    %c0_i32_0 = arith.constant 0 : i32
    %c0_i32_1 = arith.constant 0 : i32
    return %c0_i32, %c0_i32_0 : i32, i32
  }
  func.func @transform_2(%arg0: i32) -> (i32, i32) {
    %c0_i32 = arith.constant 0 : i32
    %c0_i32_0 = arith.constant 0 : i32
    %c0_i32_1 = arith.constant 0 : i32
    return %c0_i32, %c0_i32_0 : i32, i32
  }
  func.func @transform_3(%arg0: i32) -> (i32, i32) {
    %c0_i32 = arith.constant 0 : i32
    %c0_i32_0 = arith.constant 0 : i32
    %c0_i32_1 = arith.constant 0 : i32
    return %c0_i32, %c0_i32_0 : i32, i32
  }
  func.func @transform_4(%arg0: i32) -> (i32, i32) {
    %c0_i32 = arith.constant 0 : i32
    %c0_i32_0 = arith.constant 0 : i32
    return %c0_i32, %arg0 : i32, i32
  }
  func.func @transform_5(%arg0: i32) -> (i32, i32) {
    %c0_i32 = arith.constant 0 : i32
    %c0_i32_0 = arith.constant 0 : i32
    return %arg0, %c0_i32 : i32, i32
  }
}

</mosaic_0001>

<sc_bundles>
// kernel: kernel.16.cloned.1.call-start
scs
__scs_entry_jumppad:
0x0: {  	(pc) =	sbr.rel $0x88, $3  }
0x1: {  	(tag) =	ssettag $0x0;
	lr =	simm.s32 $0x1  }
0x2: {  	[smem:$0x3F9B] =	sst lr;
	_ =	strace $0xD0000000  }
0x3: {  	_ = 	snop  }
0x4: {  	_ = 	snop  }
0x5: {  	_ = 	snop  }
0x6: {  	_ = 	snop  }
0x7: {  	_ = 	snop  }
__scs_overlays_trampoline_lowered:
0x8: {  	[smem:$0x3FAA] =	sst s0  }
0x9: {  	[smem:$0x3FAB] =	sst s1  }
0xa: {  	[smem:$0x3FAC] =	sst s2  }
0xb: {  	[smem:$0x3FAD] =	sst s3  }
0xc: {  	[smem:$0x3FAE] =	sst s4  }
0xd: {  	[smem:$0x3FAF] =	sst s5  }
0xe: {  	[smem:$0x3FB0] =	sst s6  }
0xf: {  	[smem:$0x3FB1] =	sst s7  }
0x10: {  	[smem:$0x3FB2] =	sst s8  }
0x11: {  	[smem:$0x3FB3] =	sst s9;
	s0 =	simm.s32 @!p0 $0x0  }
0x12: {  	s1 =	sld [smem:$0x3F99];
	s0 =	simm.s32 @p0 $0x1  }
0x13: {  	[smem:$0x3FB4] =	sst s0;
	s0 =	simm.s32 @!p1 $0x0  }
0x14: {  	s2 =	sld [smem:$0x3F98];
	s0 =	simm.s32 @p1 $0x1  }
0x15: {  	[smem:$0x3FB5] =	sst s0;
	s0 =	simm.s32 @!p2 $0x0  }
0x16: {  	s3 =	sld [smem:$0x3FDB];
	s0 =	simm.s32 @p2 $0x1  }
0x17: {  	s4 =	simm.s32 $0x1BF5;
	[smem:$0x3FB7] =	sst s0  }
0x18: {  	s0 =	sld [smem:$0x3F9A];
	_ =	swait.ge [sflag:s4], $0x0  }
0x19: {  	s7 =	sld [smem:$0x3F9B]  }
0x1a: {  	s8 =	sadd.s32 $0xFFFFE003, lr  }
0x1b: {  	s9 =	sadd.s32 $0xFFFFFEF7, lr;
	s5 =	simm.s32 $0xFFFFFFFF;
	p2 =	slt.u32 s8, $0xFFFFF086  }
0x1c: {  	p1 =	slt.u32 s9, $0xF7A;
	s5 =	simm.s32 @!p2 $0x0  }
0x1d: {  	s5 =	simm.s32 @p1 $0x1;
	p0 =	seq.s32 s7, s2  }
0x1e: {  	s7 =	smul.u32 @!p0 $0xF7A, s2;
	p2 =	seq.s32 @!p0 s5, $0x0  }
0x1f: {  	s9 =	smul.u32 $0xF7A, s1;
	s8 =	simm.s32 @!p0 $0x1BF5;
	p2 =	por !p2, p0  }
0x20: {  	[sflag:s8] =	ssyncset.s32 @!p0 $0xFFFFF086;
	s6 =	sadd.s32 @!p0 s3, s7;
	s7 =	simm.s32 @!p0 $0x108  }
0x21: {  	s3 =	sadd.s32 s3, s9;
	s6 =	sadd.s32 @!p0 $0x88, s6;
	s7 =	simm.s32 @p2 $0x1082  }
0x22: {  	[simem:s7], [sflag:s8] =	dma.local @!p0 [hbm:s6], $0xF7A  }
0x23: {  	s9 =	sor.u32 $0xD0000000, s2;
	s6 =	simm.s32 $0x108;
	_ =	swait.ge @!p0 [sflag:s8], $0x0  }
0x24: {  	s3 =	sadd.s32 $0x88, s3;
	s6 =	simm.s32 @!p1 $0x1082;
	[sflag:s4] =	ssyncset.s32 $0xFFFFF086  }
0x25: {  	[simem:s6], [sflag:s4] =	dma.local [hbm:s3], $0xF7A  }
0x26: {  	[smem:$0x3F9B] =	sst s1;
	(tag) =	ssettag s2;
	_ =	strace s9  }
0x27: {  	s1 =	sld [smem:$0x3FAB]  }
0x28: {  	s2 =	sld [smem:$0x3FAC]  }
0x29: {  	s4 =	sld [smem:$0x3FAE]  }
0x2a: {  	p0 =	seq.s32 s5, $0x0;
	s5 =	sld [smem:$0x3FAF]  }
0x2b: {  	s6 =	sld [smem:$0x3FB0]  }
0x2c: {  	s7 =	sld [smem:$0x3FB1]  }
0x2d: {  	s3 =	simm.s32 $0x108;
	s8 =	sld [smem:$0x3FB2]  }
0x2e: {  	s3 =	simm.s32 @!p0 $0x1082;
	s9 =	sld [smem:$0x3FB3]  }
0x2f: {  	lr =	sadd.s32 s0, s3;
	s0 =	sld [smem:$0x3FAA]  }
0x30: {  	s3 =	sld [smem:$0x3FAD]  }
0x31: {  	[smem:$0x3FB6] =	sst s10  }
0x32: {  	s10 =	sld [smem:$0x3FB4];
	_ =	sdelay $0x3  }
0x33: {  	p0 =	seq.s32 s10, $0x1;
	s10 =	sld [smem:$0x3FB6];
	_ =	sdelay $0x3  }
0x34: {  	[smem:$0x3FB6] =	sst s10  }
0x35: {  	s10 =	sld [smem:$0x3FB5];
	_ =	sdelay $0x3  }
0x36: {  	p1 =	seq.s32 s10, $0x1;
	s10 =	sld [smem:$0x3FB6];
	_ =	sdelay $0x3  }
0x37: {  	[smem:$0x3FB6] =	sst s10  }
0x38: {  	s10 =	sld [smem:$0x3FB7]  }
0x39: {  	_ = 	snop;
	(pc) =	sbr.ind lr, $3  }
0x3a: {  	_ = 	snop  }
0x3b: {  	_ = 	snop  }
0x3c: {  	p2 =	seq.s32 s10, $0x1;
	s10 =	sld [smem:$0x3FB6]  }
0x3d: {  	_ =	shalt  }
0x3e: {  	_ =	shalt  }
0x3f: {  	_ =	shalt  }
0x40: {  	_ =	shalt  }
0x41: {  	_ =	shalt  }
0x42: {  	_ =	shalt  }
0x43: {  	_ =	shalt  }
0x44: {  	_ =	shalt  }
0x45: {  	_ =	shalt  }
0x46: {  	_ =	shalt  }
0x47: {  	_ =	shalt  }
0x48: {  	_ =	shalt  }
0x49: {  	_ =	shalt  }
0x4a: {  	_ =	shalt  }
0x4b: {  	_ =	shalt  }
0x4c: {  	_ =	shalt  }
0x4d: {  	_ =	shalt  }
0x4e: {  	_ =	shalt  }
0x4f: {  	_ =	shalt  }
0x50: {  	_ =	shalt  }
0x51: {  	_ =	shalt  }
0x52: {  	_ =	shalt  }
0x53: {  	_ =	shalt  }
0x54: {  	_ =	shalt  }
0x55: {  	_ =	shalt  }
0x56: {  	_ =	shalt  }
0x57: {  	_ =	shalt  }
0x58: {  	_ =	shalt  }
0x59: {  	_ =	shalt  }
0x5a: {  	_ =	shalt  }
0x5b: {  	_ =	shalt  }
0x5c: {  	_ =	shalt  }
0x5d: {  	_ =	shalt  }
0x5e: {  	_ =	shalt  }
0x5f: {  	_ =	shalt  }
0x60: {  	_ =	shalt  }
0x61: {  	_ =	shalt  }
0x62: {  	_ =	shalt  }
0x63: {  	_ =	shalt  }
0x64: {  	_ =	shalt  }
0x65: {  	_ =	shalt  }
0x66: {  	_ =	shalt  }
0x67: {  	_ =	shalt  }
0x68: {  	_ =	shalt  }
0x69: {  	_ =	shalt  }
0x6a: {  	_ =	shalt  }
0x6b: {  	_ =	shalt  }
0x6c: {  	_ =	shalt  }
0x6d: {  	_ =	shalt  }
0x6e: {  	_ =	shalt  }
0x6f: {  	_ =	shalt  }
0x70: {  	_ =	shalt  }
0x71: {  	_ =	shalt  }
0x72: {  	_ =	shalt  }
0x73: {  	_ =	shalt  }
0x74: {  	_ =	shalt  }
0x75: {  	_ =	shalt  }
0x76: {  	_ =	shalt  }
0x77: {  	_ =	shalt  }
0x78: {  	_ =	shalt  }
0x79: {  	_ =	shalt  }
0x7a: {  	_ =	shalt  }
0x7b: {  	_ =	shalt  }
0x7c: {  	_ =	shalt  }
0x7d: {  	_ =	shalt  }
0x7e: {  	_ =	shalt  }
0x7f: {  	_ =	shalt  }
0x80: {  	_ =	shalt  }
0x81: {  	_ =	shalt  }
0x82: {  	_ =	shalt  }
0x83: {  	_ =	shalt  }
0x84: {  	_ =	shalt  }
0x85: {  	_ =	shalt  }
0x86: {  	_ =	shalt  }
0x87: {  	_ =	shalt  }
.Lfunc_end0:
.L_simem_size_0:
called_computation_lowered:
.L_overlay_start_0:
0x88: {  	s2 =	sld [smem:$0x3FD9]  }
0x89: {  	s3 =	sld [smem:$0x3FFE];
	_ =	sdelay $0x1  }
0x8a: {  	s1 =	srdreg.scid  }
0x8b: {  	s0 =	sand.u32 $0x1, s1  }
0x8c: {  	s17 =	sshll.u32 s0, $0xA;
	s2 =	sadd.s32 s3, s2  }
0x8d: {  	s2 =	sadd.s32 s2, s17  }
0x8e: {  	[smem:$0x3FC2] =	sst s2  }
0x8f: {  	_ = 	snop  }
0x90: {  	(tm) =	ssettm $0x1  }
0x91: {  	s18 =	sld [smem:$0x3FFB];
	_ =	sdelay $0x3  }
0x92: {  	_ =	strace s18  }
0x93: {  	s2 =	sld [smem:$0x3FFC];
	_ =	sdelay $0x3  }
0x94: {  	_ =	strace s2  }
0x95: {  	s2 =	sld [smem:$0x3FFD];
	_ =	sdelay $0x3  }
0x96: {  	_ =	strace s2  }
0x97: {  	_ =	strace $0x8FFFFFFF  }
0x98: {  	s19 =	sld [smem:$0x3FDB];
	_ =	sdelay $0x1  }
0x99: {  	s20 =	simm.s32 $_scs_section_size  }
0x9a: {  	s4 =	simm.s32 $_size__tile_overlayer_lowered;
	s5 =	simm.s32 $_tile_overlayer_lowered  }
0x9b: {  	s6 =	simm.s32 $0x1BFF;
	s21 =	sshll.u32 s5, $0x1;
	s3 =	sadd.s32 s20, s19  }
0x9c: {  	s22 =	simm.s32 $0x0;
	s4 =	sshll.u32 s4, $0x1;
	s5 =	sadd.s32 s21, s3  }
0x9d: {  	[timem:s22], [sflag:s6] =	dma.local [hbm:s5], s4  }
0x9e: {  	_ =	swait.ge [sflag:s6], s4  }
0x9f: {  	s4 =	ssub.s32 $0x0, s4;
	[sflag:s6] =	ssyncset.done $0x0  }
0xa0: {  	[sflag:s6] =	ssyncadd.s32 s4;
	_ =	sdelay $0x1  }
0xa1: {  	s23 =	simm.s32 $0x1B8B  }
0xa2: {  	_ =	swait.ge [sflag:s23], $0x1  }
0xa3: {  	[sflag:s23] =	ssyncset.done $0x0  }
0xa4: {  	[sflag:s23] =	ssyncadd.s32 $0xFFFFFFFF  }
0xa5: {  	s4 =	sld [smem:$0x0]  }
0xa6: {  	s5 =	sand.u32 $0xFFFFFFFE, s1  }
0xa7: {  	p0 =	sne.s32 s1, s5  }
0xa8: {  	s5 =	sshll.u32 @p0 s5, $0xE  }
0xa9: {  	s5 =	sadd.s32 @p0 $0x11B8D, s5;
	s6 =	sshll.u32 @p0 s4, $0x11  }
0xaa: {  	s5 =	sor.u32 @p0 s6, s5  }
0xab: {  	[sflag:s5] =	ssyncadd.remote.s32 @p0 $0x1;
	_ =	sdelay $0x1  }
0xac: {  	s5 =	simm.s32 @p0 $0x1B8D  }
0xad: {  	_ =	swait.eq @p0 [sflag:s5], $0x1  }
0xae: {  	[sflag:s5] =	ssyncadd.s32 @p0 $0xFFFFFFFF  }
0xaf: {  	s6 =	sshll.u32 @!p0 s1, $0xE  }
0xb0: {  	s6 =	sor.u32 @!p0 $0x4000, s6;
	s5 =	simm.s32 @!p0 $0x1B8D  }
0xb1: {  	s4 =	sshll.u32 @!p0 s4, $0x11;
	s6 =	sadd.s32 @!p0 $0x11B8D, s6;
	_ =	swait.eq @!p0 [sflag:s5], $0x1  }
0xb2: {  	s4 =	sor.u32 @!p0 s4, s6;
	[sflag:s5] =	ssyncadd.s32 @!p0 $0xFFFFFFFF  }
0xb3: {  	s25 =	simm.s32 $0x1B8E;
	s24 =	sld [smem:$0x3FFE];
	[sflag:s4] =	ssyncadd.remote.s32 @!p0 $0x1  }
0xb4: {  	s26 =	simm.s32 $execute0_lowered;
	[smem:$0x3FD2] =	sst s25  }
0xb5: {  	s5 =	sshll.u32 s26, $0x1;
	_ =	strace $0x8000004F;
	[dreg:$0x1] =	wrdreg $0xFFFFFFFF  }
0xb6: {  	s28 =	simm.s32 $_size_execute0_lowered;
	s3 =	sadd.s32 s3, s5;
	[dreg:$0x0] =	wrdreg $0x0  }
0xb7: {  	s5 =	sshll.u32 s28, $0x1;
	[dreg:$0x2] =	wrdreg s3  }
0xb8: {  	[dreg:$0x3] =	wrdreg s5  }
0xb9: {  	[dreg:$0x4] =	wrdreg $0xC0  }
0xba: {  	_ =	task [dreg:s22], $0x5FFFF  }
0xbb: {  	[dreg:$0x1] =	wrdreg $0xFFFFFFFF  }
0xbc: {  	[dreg:$0x0] =	wrdreg $0x60  }
0xbd: {  	[dreg:$0x2] =	wrdreg s24  }
0xbe: {  	[dreg:$0x3] =	wrdreg $0x9  }
0xbf: {  	_ =	task.clear_ibuf [dreg:s22], $0x4FFFF;
	_ =	strace $0x9000004F  }
0xc0: {  	s29 =	simm.s32 $0x9;
	_ =	strace $0x80000051  }
0xc1: {  	_ =	swait.ge [sflag:s29], $0x1  }
0xc2: {  	[sflag:s29] =	ssyncadd.s32 $0xFFFFFFFF  }
0xc3: {  	_ =	strace $0x90000051  }
0xc4: {  	_ =	sfence  }
0xc5: {  	s30 =	sld [smem:$0x0];
	_ =	sdelay $0x2  }
0xc6: {  	s31 =	sshll.u32 s1, $0xD;
	s1 =	sshrl.u32 s1, $0x2  }
0xc7: {  	s4 =	sand.u32 $0x4000, s31;
	s1 =	sadd.s32 s1, s30  }
0xc8: {  	s0 =	sor.u32 s4, s0;
	s1 =	sshll.u32 s1, $0x11  }
0xc9: {  	s0 =	sor.u32 s1, s0  }
0xca: {  	s0 =	sadd.s32 $0x8F2B, s0  }
0xcb: {  	[sflag:s0] =	ssyncadd.remote.s32 $0x1  }
0xcc: {  	_ =	sfence.sel $0xFFFF  }
0xcd: {  	[dreg:$0x0] =	wrdreg $0xFFFFFFFF;
	(pc) =	sbr.abs _section_cstart, $3  }
0xce: {  	[dreg:$0x1] =	wrdreg $0xFFFFFFFF  }
0xcf: {  	_ =	task.clear_ibuf [dreg:s22], $0x2FFFF;
	_ =	strace $0x9FFFFFFF  }
0xd0: {  	(tm) =	ssettm $0x7FFFFFFF  }
0xd1: {  	_ =	shalt  }
tec
execute0_lowered:
.L_overlay_start_1:
0x0: {  	(tag) =	ssettag $0x1  }
0x1: {  	s1 =	srdreg.scid  }
0x2: {  	s0 =	stileid.u32;
	s25 =	sand.u32 $0x1, s1  }
0x3: {  	s30 =	sshll.u32 s0, $0xC;
	s2 =	sshll.u32 s25, $0xB  }
0x4: {  	s10 =	sor.u32 s2, s30  }
0x5: {  	s9 =	rddreg [dreg:$0x0];
	s2 =	simm.s32 $0x0;
	s3 =	sshrl.u32 s10, $0x3  }
0x6: {  	s4 =	simm.s32 $0x4;
	[smem:$0x7FF] =	sst s2;
	s3 =	sadd.s32 s3, s9  }
0x7: {  	s1 =	rddreg [dreg:$0x1];
	_ =	strace $0x80000050;
	s3 =	sadd.s32 $0x348C00, s3  }
0x8: {  	[tilespmem:s2], [sflag:$0x4] =	stream.linear.gather [hbm4b:s3+s2], $0x800, $0x38;
	[tilespmem:$0x10800] =	vst v63  }
0x9: {  	_ =	swait.ge [sflag:s4], $0x800  }
0xa: {  	s6 =	simm.s32 $0x100;
	s7 =	simm.s32 $0x800;
	[sflag:s4] =	ssyncset.done $0x0  }
0xb: {  	s8 =	simm.s32 $0x1;
	s5 =	sadd.s32 $0x4C00, s9;
	[sflag:s4] =	ssyncadd.s32 $0xFFFFF800  }
0xc: {  	[tilespmem:s7], [sflag:$0x1] =	stream.indirect.gather [hbm4b:s5+s6], $0x80, s2, s6, $0xb8;
	[tilespmem:$0x10800] =	vst v63  }
0xd: {  	s10 =	sshll.u32 s10, $0x4;
	_ =	swait.ge [sflag:s8], $0x8000  }
0xe: {  	s26 =	sadd.s32 s10, s9;
	[sflag:s8] =	ssyncset.done $0x0  }
0xf: {  	s9 =	sadd.s32 $0x34AC00, s26;
	[sflag:s8] =	ssyncadd.s32 $0xFFFF8000  }
0x10: {  	[hbm4b:s9+s2] =	stream.linear.scatter [tilespmem:s7], [sflag:$0x2], $0x8000, $0x38;
	[tilespmem:$0x10800] =	vst v63  }
0x11: {  	s10 =	simm.s32 $0x8800  }
0x12: {  	[tilespmem:s10], [sflag:$0x1] =	stream.indirect.gather [hbm4b:s5+s6], $0x80, s6, s6, $0xb8;
	[tilespmem:$0x10800] =	vst v63  }
0x13: {  	_ =	swait.ge [sflag:s8], $0x8000  }
0x14: {  	[sflag:s8] =	ssyncset.done $0x0  }
0x15: {  	s12 =	simm.s32 $0x2;
	s11 =	sadd.s32 $0x34BC00, s26;
	[sflag:s8] =	ssyncadd.s32 $0xFFFF8000  }
0x16: {  	[hbm4b:s11+s2] =	stream.linear.scatter [tilespmem:s10], [sflag:$0x3], $0x8000, $0x38;
	[tilespmem:$0x10800] =	vst v63  }
0x17: {  	_ =	swait.ge [sflag:s12], $0x8000  }
0x18: {  	[sflag:s12] =	ssyncset.done $0x0  }
0x19: {  	s13 =	simm.s32 $0x200;
	[sflag:s12] =	ssyncadd.s32 $0xFFFF8000  }
0x1a: {  	[tilespmem:s7], [sflag:$0x1] =	stream.indirect.gather [hbm4b:s5+s6], $0x80, s13, s6, $0xb8;
	[tilespmem:$0x10800] =	vst v63  }
0x1b: {  	_ =	swait.ge [sflag:s8], $0x8000  }
0x1c: {  	[sflag:s8] =	ssyncset.done $0x0  }
0x1d: {  	s14 =	simm.s32 $0x3;
	s15 =	sadd.s32 $0x34CC00, s26;
	[sflag:s8] =	ssyncadd.s32 $0xFFFF8000  }
0x1e: {  	[hbm4b:s15+s2] =	stream.linear.scatter [tilespmem:s7], [sflag:$0x2], $0x8000, $0x38;
	[tilespmem:$0x10800] =	vst v63  }
0x1f: {  	_ =	swait.ge [sflag:s14], $0x8000  }
0x20: {  	[sflag:s14] =	ssyncset.done $0x0  }
0x21: {  	s16 =	simm.s32 $0x300;
	[sflag:s14] =	ssyncadd.s32 $0xFFFF8000  }
0x22: {  	[tilespmem:s10], [sflag:$0x1] =	stream.indirect.gather [hbm4b:s5+s6], $0x80, s16, s6, $0xb8;
	[tilespmem:$0x10800] =	vst v63  }
0x23: {  	_ =	swait.ge [sflag:s8], $0x8000  }
0x24: {  	[sflag:s8] =	ssyncset.done $0x0  }
0x25: {  	s17 =	sadd.s32 $0x34DC00, s26;
	[sflag:s8] =	ssyncadd.s32 $0xFFFF8000  }
0x26: {  	[hbm4b:s17+s2] =	stream.linear.scatter [tilespmem:s10], [sflag:$0x3], $0x8000, $0x38;
	[tilespmem:$0x10800] =	vst v63  }
0x27: {  	_ =	swait.ge [sflag:s12], $0x8000  }
0x28: {  	[sflag:s12] =	ssyncset.done $0x0  }
0x29: {  	s18 =	simm.s32 $0x400;
	[sflag:s12] =	ssyncadd.s32 $0xFFFF8000  }
0x2a: {  	[tilespmem:s7], [sflag:$0x1] =	stream.indirect.gather [hbm4b:s5+s6], $0x80, s18, s6, $0xb8;
	[tilespmem:$0x10800] =	vst v63  }
0x2b: {  	_ =	swait.ge [sflag:s8], $0x8000  }
0x2c: {  	[sflag:s8] =	ssyncset.done $0x0  }
0x2d: {  	s19 =	sadd.s32 $0x34EC00, s26;
	[sflag:s8] =	ssyncadd.s32 $0xFFFF8000  }
0x2e: {  	[hbm4b:s19+s2] =	stream.linear.scatter [tilespmem:s7], [sflag:$0x2], $0x8000, $0x38;
	[tilespmem:$0x10800] =	vst v63  }
0x2f: {  	_ =	swait.ge [sflag:s14], $0x8000  }
0x30: {  	[sflag:s14] =	ssyncset.done $0x0  }
0x31: {  	s20 =	simm.s32 $0x500;
	[sflag:s14] =	ssyncadd.s32 $0xFFFF8000  }
0x32: {  	[tilespmem:s10], [sflag:$0x1] =	stream.indirect.gather [hbm4b:s5+s6], $0x80, s20, s6, $0xb8;
	[tilespmem:$0x10800] =	vst v63  }
0x33: {  	_ =	swait.ge [sflag:s8], $0x8000  }
0x34: {  	[sflag:s8] =	ssyncset.done $0x0  }
0x35: {  	s21 =	sadd.s32 $0x34FC00, s26;
	[sflag:s8] =	ssyncadd.s32 $0xFFFF8000  }
0x36: {  	[hbm4b:s21+s2] =	stream.linear.scatter [tilespmem:s10], [sflag:$0x3], $0x8000, $0x38;
	[tilespmem:$0x10800] =	vst v63  }
0x37: {  	_ =	swait.ge [sflag:s12], $0x8000  }
0x38: {  	[sflag:s12] =	ssyncset.done $0x0  }
0x39: {  	s22 =	simm.s32 $0x600;
	[sflag:s12] =	ssyncadd.s32 $0xFFFF8000  }
0x3a: {  	[tilespmem:s7], [sflag:$0x1] =	stream.indirect.gather [hbm4b:s5+s6], $0x80, s22, s6, $0xb8;
	[tilespmem:$0x10800] =	vst v63  }
0x3b: {  	_ =	swait.ge [sflag:s8], $0x8000  }
0x3c: {  	[sflag:s8] =	ssyncset.done $0x0  }
0x3d: {  	s23 =	sadd.s32 $0x350C00, s26;
	[sflag:s8] =	ssyncadd.s32 $0xFFFF8000  }
0x3e: {  	[hbm4b:s23+s2] =	stream.linear.scatter [tilespmem:s7], [sflag:$0x2], $0x8000, $0x38;
	[tilespmem:$0x10800] =	vst v63  }
0x3f: {  	_ =	swait.ge [sflag:s14], $0x8000  }
0x40: {  	s28 =	ssub.s32 $0x2, s25;
	[sflag:s14] =	ssyncset.done $0x0  }
0x41: {  	s24 =	simm.s32 $0x700;
	s31 =	sshrl.u32 s28, $0x1;
	[sflag:s14] =	ssyncadd.s32 $0xFFFF8000  }
0x42: {  	[tilespmem:s10], [sflag:$0x1] =	stream.indirect.gather [hbm4b:s5+s6], $0x80, s24, s6, $0xb8;
	[tilespmem:$0x10800] =	vst v63  }
0x43: {  	s25 =	sadd.s32 $0x351C00, s26;
	s26 =	ssub.s32 s28, s31;
	_ =	swait.ge [sflag:s8], $0x8000  }
0x44: {  	s26 =	smax.u32 s26, $0x1;
	[sflag:s8] =	ssyncset.done $0x0  }
0x45: {  	p0 =	sne.s32 s26, $0x1;
	[sflag:s8] =	ssyncadd.s32 $0xFFFF8000  }
0x46: {  	[hbm4b:s25+s2] =	stream.linear.scatter [tilespmem:s10], [sflag:$0x3], $0x8000, $0x38;
	[tilespmem:$0x10800] =	vst v63  }
.Ltmp0:
0x47: {  	_ =	swait.ge [sflag:s12], $0x8000;
	(pc) =	sbr.rel @!p0 .LBB2_2-.Ltmp0, $4  }
0x48: {  	[sflag:s12] =	ssyncset.done $0x0  }
0x49: {  	[sflag:s12] =	ssyncadd.s32 $0xFFFF8000  }
0x4a: {  	_ =	swait.ge [sflag:s14], $0x8000  }
0x4b: {  	s26 =	sadd.s32 $0xFFFFFFFF, s26;
	[sflag:s14] =	ssyncset.done $0x0  }
.LBB2_1:
0x4c: {  	p0 =	sne.s32 s26, $0x1;
	s26 =	sadd.s32 $0xFFFFFFFF, s26;
	[sflag:s14] =	ssyncadd.s32 $0xFFFF8000  }
0x4d: {  	[tilespmem:s2], [sflag:$0x4] =	stream.linear.gather [hbm4b:s3+s2], $0x800, $0x38;
	[tilespmem:$0x10800] =	vst v63  }
0x4e: {  	_ =	swait.ge [sflag:s4], $0x800  }
0x4f: {  	[sflag:s4] =	ssyncset.done $0x0  }
0x50: {  	[sflag:s4] =	ssyncadd.s32 $0xFFFFF800  }
0x51: {  	[tilespmem:s7], [sflag:$0x1] =	stream.indirect.gather [hbm4b:s5+s6], $0x80, s2, s6, $0xb8;
	[tilespmem:$0x10800] =	vst v63  }
0x52: {  	_ =	swait.ge [sflag:s8], $0x8000  }
0x53: {  	[sflag:s8] =	ssyncset.done $0x0  }
0x54: {  	[sflag:s8] =	ssyncadd.s32 $0xFFFF8000  }
0x55: {  	[hbm4b:s9+s2] =	stream.linear.scatter [tilespmem:s7], [sflag:$0x2], $0x8000, $0x38;
	[tilespmem:$0x10800] =	vst v63  }
0x56: {  	_ = 	snop  }
0x57: {  	[tilespmem:s10], [sflag:$0x1] =	stream.indirect.gather [hbm4b:s5+s6], $0x80, s6, s6, $0xb8;
	[tilespmem:$0x10800] =	vst v63  }
0x58: {  	_ =	swait.ge [sflag:s8], $0x8000  }
0x59: {  	[sflag:s8] =	ssyncset.done $0x0  }
0x5a: {  	[sflag:s8] =	ssyncadd.s32 $0xFFFF8000  }
0x5b: {  	[hbm4b:s11+s2] =	stream.linear.scatter [tilespmem:s10], [sflag:$0x3], $0x8000, $0x38;
	[tilespmem:$0x10800] =	vst v63  }
0x5c: {  	_ =	swait.ge [sflag:s12], $0x8000  }
0x5d: {  	[sflag:s12] =	ssyncset.done $0x0  }
0x5e: {  	[sflag:s12] =	ssyncadd.s32 $0xFFFF8000  }
0x5f: {  	[tilespmem:s7], [sflag:$0x1] =	stream.indirect.gather [hbm4b:s5+s6], $0x80, s13, s6, $0xb8;
	[tilespmem:$0x10800] =	vst v63  }
0x60: {  	_ =	swait.ge [sflag:s8], $0x8000  }
0x61: {  	[sflag:s8] =	ssyncset.done $0x0  }
0x62: {  	[sflag:s8] =	ssyncadd.s32 $0xFFFF8000  }
0x63: {  	[hbm4b:s15+s2] =	stream.linear.scatter [tilespmem:s7], [sflag:$0x2], $0x8000, $0x38;
	[tilespmem:$0x10800] =	vst v63  }
0x64: {  	_ =	swait.ge [sflag:s14], $0x8000  }
0x65: {  	[sflag:s14] =	ssyncset.done $0x0  }
0x66: {  	[sflag:s14] =	ssyncadd.s32 $0xFFFF8000  }
0x67: {  	[tilespmem:s10], [sflag:$0x1] =	stream.indirect.gather [hbm4b:s5+s6], $0x80, s16, s6, $0xb8;
	[tilespmem:$0x10800] =	vst v63  }
0x68: {  	_ =	swait.ge [sflag:s8], $0x8000  }
0x69: {  	[sflag:s8] =	ssyncset.done $0x0  }
0x6a: {  	[sflag:s8] =	ssyncadd.s32 $0xFFFF8000  }
0x6b: {  	[hbm4b:s17+s2] =	stream.linear.scatter [tilespmem:s10], [sflag:$0x3], $0x8000, $0x38;
	[tilespmem:$0x10800] =	vst v63  }
0x6c: {  	_ =	swait.ge [sflag:s12], $0x8000  }
0x6d: {  	[sflag:s12] =	ssyncset.done $0x0  }
0x6e: {  	[sflag:s12] =	ssyncadd.s32 $0xFFFF8000  }
0x6f: {  	[tilespmem:s7], [sflag:$0x1] =	stream.indirect.gather [hbm4b:s5+s6], $0x80, s18, s6, $0xb8;
	[tilespmem:$0x10800] =	vst v63  }
0x70: {  	_ =	swait.ge [sflag:s8], $0x8000  }
0x71: {  	[sflag:s8] =	ssyncset.done $0x0  }
0x72: {  	[sflag:s8] =	ssyncadd.s32 $0xFFFF8000  }
0x73: {  	[hbm4b:s19+s2] =	stream.linear.scatter [tilespmem:s7], [sflag:$0x2], $0x8000, $0x38;
	[tilespmem:$0x10800] =	vst v63  }
0x74: {  	_ =	swait.ge [sflag:s14], $0x8000  }
0x75: {  	[sflag:s14] =	ssyncset.done $0x0  }
0x76: {  	[sflag:s14] =	ssyncadd.s32 $0xFFFF8000  }
0x77: {  	[tilespmem:s10], [sflag:$0x1] =	stream.indirect.gather [hbm4b:s5+s6], $0x80, s20, s6, $0xb8;
	[tilespmem:$0x10800] =	vst v63  }
0x78: {  	_ =	swait.ge [sflag:s8], $0x8000  }
0x79: {  	[sflag:s8] =	ssyncset.done $0x0  }
0x7a: {  	[sflag:s8] =	ssyncadd.s32 $0xFFFF8000  }
0x7b: {  	[hbm4b:s21+s2] =	stream.linear.scatter [tilespmem:s10], [sflag:$0x3], $0x8000, $0x38;
	[tilespmem:$0x10800] =	vst v63  }
0x7c: {  	_ =	swait.ge [sflag:s12], $0x8000  }
0x7d: {  	[sflag:s12] =	ssyncset.done $0x0  }
0x7e: {  	[sflag:s12] =	ssyncadd.s32 $0xFFFF8000  }
0x7f: {  	[tilespmem:s7], [sflag:$0x1] =	stream.indirect.gather [hbm4b:s5+s6], $0x80, s22, s6, $0xb8;
	[tilespmem:$0x10800] =	vst v63  }
0x80: {  	_ =	swait.ge [sflag:s8], $0x8000  }
0x81: {  	[sflag:s8] =	ssyncset.done $0x0  }
0x82: {  	[sflag:s8] =	ssyncadd.s32 $0xFFFF8000  }
0x83: {  	[hbm4b:s23+s2] =	stream.linear.scatter [tilespmem:s7], [sflag:$0x2], $0x8000, $0x38;
	[tilespmem:$0x10800] =	vst v63  }
0x84: {  	_ =	swait.ge [sflag:s14], $0x8000  }
0x85: {  	[sflag:s14] =	ssyncset.done $0x0  }
0x86: {  	[sflag:s14] =	ssyncadd.s32 $0xFFFF8000  }
0x87: {  	[tilespmem:s10], [sflag:$0x1] =	stream.indirect.gather [hbm4b:s5+s6], $0x80, s24, s6, $0xb8;
	[tilespmem:$0x10800] =	vst v63  }
0x88: {  	_ =	swait.ge [sflag:s8], $0x8000  }
0x89: {  	[sflag:s8] =	ssyncset.done $0x0  }
0x8a: {  	[sflag:s8] =	ssyncadd.s32 $0xFFFF8000  }
0x8b: {  	[hbm4b:s25+s2] =	stream.linear.scatter [tilespmem:s10], [sflag:$0x3], $0x8000, $0x38;
	[tilespmem:$0x10800] =	vst v63  }
.Ltmp1:
0x8c: {  	_ =	swait.ge [sflag:s12], $0x8000;
	(pc) =	sbr.rel @p0 .LBB2_1-.Ltmp1, $4  }
0x8d: {  	[sflag:s12] =	ssyncset.done $0x0  }
0x8e: {  	[sflag:s12] =	ssyncadd.s32 $0xFFFF8000  }
0x8f: {  	_ =	swait.ge [sflag:s14], $0x8000  }
0x90: {  	[sflag:s14] =	ssyncset.done $0x0  }
.LBB2_2:
0x91: {  	[sflag:s14] =	ssyncadd.s32 $0xFFFF8000  }
0x92: {  	_ =	sfence.sel $0x180000  }
0x93: {  	[bflag:$0x0] =	sbarrier.arrive $0xFFFF  }
0x94: {  	p0 =	sne.s32 s0, $0x0;
	_ =	strace $0x90000050  }
0x95: {  	s0 =	sadd.s32 @!p0 $0x100000, s1;
	[bflag:$0x2] =	sbarrier.arrive $0xFFFF  }
0x96: {  	[sflag:s0] =	ssyncadd.tile.s32 @!p0 $0x1;
	_ =	shalt  }
.Lfunc_end2:
_tile_overlayer_lowered:
.L_overlay_start_2:
0x97: {  	(tag) =	ssettag $0x2  }
0x98: {  	s0 =	rddreg [dreg:$0x0];
	s2 =	stileid.u32  }
0x99: {  	s1 =	rddreg [dreg:$0x1];
	p0 =	sne.s32 s2, $0x0  }
0x9a: {  	s3 =	rddreg [dreg:$0x2];
	[bflag:$0x3] =	sbarrier.arrive $0xFFFF;
	s2 =	simm.s32 @!p0 $0x1C04  }
0x9b: {  	[timem:s3], [sflag:s2] =	dma.local @!p0 [hbm:s0], s1  }
0x9c: {  	s0 =	simm.s32 @!p0 $0x4  }
0x9d: {  	_ =	swait.ge @!p0 [sflag:s0], s1  }
0x9e: {  	s1 =	ssub.s32 @!p0 $0x0, s1;
	[sflag:s0] =	ssyncset.done @!p0 $0x0  }
0x9f: {  	[sflag:s0] =	ssyncadd.s32 @!p0 s1  }
0xa0: {  	[bflag:$0x3] =	sbarrier.arrive $0xFFFF  }
0xa1: {  	_ =	shalt  }

// kernel: kernel.19.cloned.1.call-start
scs
__scs_entry_jumppad:
0x0: {  	(pc) =	sbr.rel $0x88, $3  }
0x1: {  	(tag) =	ssettag $0x0;
	lr =	simm.s32 $0x1  }
0x2: {  	[smem:$0x3F9B] =	sst lr;
	_ =	strace $0xD0000000  }
0x3: {  	_ = 	snop  }
0x4: {  	_ = 	snop  }
0x5: {  	_ = 	snop  }
0x6: {  	_ = 	snop  }
0x7: {  	_ = 	snop  }
__scs_overlays_trampoline_lowered:
0x8: {  	[smem:$0x3FAA] =	sst s0  }
0x9: {  	[smem:$0x3FAB] =	sst s1  }
0xa: {  	[smem:$0x3FAC] =	sst s2  }
0xb: {  	[smem:$0x3FAD] =	sst s3  }
0xc: {  	[smem:$0x3FAE] =	sst s4  }
0xd: {  	[smem:$0x3FAF] =	sst s5  }
0xe: {  	[smem:$0x3FB0] =	sst s6  }
0xf: {  	[smem:$0x3FB1] =	sst s7  }
0x10: {  	[smem:$0x3FB2] =	sst s8  }
0x11: {  	[smem:$0x3FB3] =	sst s9;
	s0 =	simm.s32 @!p0 $0x0  }
0x12: {  	s1 =	sld [smem:$0x3F99];
	s0 =	simm.s32 @p0 $0x1  }
0x13: {  	[smem:$0x3FB4] =	sst s0;
	s0 =	simm.s32 @!p1 $0x0  }
0x14: {  	s2 =	sld [smem:$0x3F98];
	s0 =	simm.s32 @p1 $0x1  }
0x15: {  	[smem:$0x3FB5] =	sst s0;
	s0 =	simm.s32 @!p2 $0x0  }
0x16: {  	s3 =	sld [smem:$0x3FDB];
	s0 =	simm.s32 @p2 $0x1  }
0x17: {  	s4 =	simm.s32 $0x1BF5;
	[smem:$0x3FB7] =	sst s0  }
0x18: {  	s0 =	sld [smem:$0x3F9A];
	_ =	swait.ge [sflag:s4], $0x0  }
0x19: {  	s7 =	sld [smem:$0x3F9B]  }
0x1a: {  	s8 =	sadd.s32 $0xFFFFE003, lr  }
0x1b: {  	s9 =	sadd.s32 $0xFFFFFEF7, lr;
	s5 =	simm.s32 $0xFFFFFFFF;
	p2 =	slt.u32 s8, $0xFFFFF086  }
0x1c: {  	p1 =	slt.u32 s9, $0xF7A;
	s5 =	simm.s32 @!p2 $0x0  }
0x1d: {  	s5 =	simm.s32 @p1 $0x1;
	p0 =	seq.s32 s7, s2  }
0x1e: {  	s7 =	smul.u32 @!p0 $0xF7A, s2;
	p2 =	seq.s32 @!p0 s5, $0x0  }
0x1f: {  	s9 =	smul.u32 $0xF7A, s1;
	s8 =	simm.s32 @!p0 $0x1BF5;
	p2 =	por !p2, p0  }
0x20: {  	[sflag:s8] =	ssyncset.s32 @!p0 $0xFFFFF086;
	s6 =	sadd.s32 @!p0 s3, s7;
	s7 =	simm.s32 @!p0 $0x108  }
0x21: {  	s3 =	sadd.s32 s3, s9;
	s6 =	sadd.s32 @!p0 $0x88, s6;
	s7 =	simm.s32 @p2 $0x1082  }
0x22: {  	[simem:s7], [sflag:s8] =	dma.local @!p0 [hbm:s6], $0xF7A  }
0x23: {  	s9 =	sor.u32 $0xD0000000, s2;
	s6 =	simm.s32 $0x108;
	_ =	swait.ge @!p0 [sflag:s8], $0x0  }
0x24: {  	s3 =	sadd.s32 $0x88, s3;
	s6 =	simm.s32 @!p1 $0x1082;
	[sflag:s4] =	ssyncset.s32 $0xFFFFF086  }
0x25: {  	[simem:s6], [sflag:s4] =	dma.local [hbm:s3], $0xF7A  }
0x26: {  	[smem:$0x3F9B] =	sst s1;
	(tag) =	ssettag s2;
	_ =	strace s9  }
0x27: {  	s1 =	sld [smem:$0x3FAB]  }
0x28: {  	s2 =	sld [smem:$0x3FAC]  }
0x29: {  	s4 =	sld [smem:$0x3FAE]  }
0x2a: {  	p0 =	seq.s32 s5, $0x0;
	s5 =	sld [smem:$0x3FAF]  }
0x2b: {  	s6 =	sld [smem:$0x3FB0]  }
0x2c: {  	s7 =	sld [smem:$0x3FB1]  }
0x2d: {  	s3 =	simm.s32 $0x108;
	s8 =	sld [smem:$0x3FB2]  }
0x2e: {  	s3 =	simm.s32 @!p0 $0x1082;
	s9 =	sld [smem:$0x3FB3]  }
0x2f: {  	lr =	sadd.s32 s0, s3;
	s0 =	sld [smem:$0x3FAA]  }
0x30: {  	s3 =	sld [smem:$0x3FAD]  }
0x31: {  	[smem:$0x3FB6] =	sst s10  }
0x32: {  	s10 =	sld [smem:$0x3FB4];
	_ =	sdelay $0x3  }
0x33: {  	p0 =	seq.s32 s10, $0x1;
	s10 =	sld [smem:$0x3FB6];
	_ =	sdelay $0x3  }
0x34: {  	[smem:$0x3FB6] =	sst s10  }
0x35: {  	s10 =	sld [smem:$0x3FB5];
	_ =	sdelay $0x3  }
0x36: {  	p1 =	seq.s32 s10, $0x1;
	s10 =	sld [smem:$0x3FB6];
	_ =	sdelay $0x3  }
0x37: {  	[smem:$0x3FB6] =	sst s10  }
0x38: {  	s10 =	sld [smem:$0x3FB7]  }
0x39: {  	_ = 	snop;
	(pc) =	sbr.ind lr, $3  }
0x3a: {  	_ = 	snop  }
0x3b: {  	_ = 	snop  }
0x3c: {  	p2 =	seq.s32 s10, $0x1;
	s10 =	sld [smem:$0x3FB6]  }
0x3d: {  	_ =	shalt  }
0x3e: {  	_ =	shalt  }
0x3f: {  	_ =	shalt  }
0x40: {  	_ =	shalt  }
0x41: {  	_ =	shalt  }
0x42: {  	_ =	shalt  }
0x43: {  	_ =	shalt  }
0x44: {  	_ =	shalt  }
0x45: {  	_ =	shalt  }
0x46: {  	_ =	shalt  }
0x47: {  	_ =	shalt  }
0x48: {  	_ =	shalt  }
0x49: {  	_ =	shalt  }
0x4a: {  	_ =	shalt  }
0x4b: {  	_ =	shalt  }
0x4c: {  	_ =	shalt  }
0x4d: {  	_ =	shalt  }
0x4e: {  	_ =	shalt  }
0x4f: {  	_ =	shalt  }
0x50: {  	_ =	shalt  }
0x51: {  	_ =	shalt  }
0x52: {  	_ =	shalt  }
0x53: {  	_ =	shalt  }
0x54: {  	_ =	shalt  }
0x55: {  	_ =	shalt  }
0x56: {  	_ =	shalt  }
0x57: {  	_ =	shalt  }
0x58: {  	_ =	shalt  }
0x59: {  	_ =	shalt  }
0x5a: {  	_ =	shalt  }
0x5b: {  	_ =	shalt  }
0x5c: {  	_ =	shalt  }
0x5d: {  	_ =	shalt  }
0x5e: {  	_ =	shalt  }
0x5f: {  	_ =	shalt  }
0x60: {  	_ =	shalt  }
0x61: {  	_ =	shalt  }
0x62: {  	_ =	shalt  }
0x63: {  	_ =	shalt  }
0x64: {  	_ =	shalt  }
0x65: {  	_ =	shalt  }
0x66: {  	_ =	shalt  }
0x67: {  	_ =	shalt  }
0x68: {  	_ =	shalt  }
0x69: {  	_ =	shalt  }
0x6a: {  	_ =	shalt  }
0x6b: {  	_ =	shalt  }
0x6c: {  	_ =	shalt  }
0x6d: {  	_ =	shalt  }
0x6e: {  	_ =	shalt  }
0x6f: {  	_ =	shalt  }
0x70: {  	_ =	shalt  }
0x71: {  	_ =	shalt  }
0x72: {  	_ =	shalt  }
0x73: {  	_ =	shalt  }
0x74: {  	_ =	shalt  }
0x75: {  	_ =	shalt  }
0x76: {  	_ =	shalt  }
0x77: {  	_ =	shalt  }
0x78: {  	_ =	shalt  }
0x79: {  	_ =	shalt  }
0x7a: {  	_ =	shalt  }
0x7b: {  	_ =	shalt  }
0x7c: {  	_ =	shalt  }
0x7d: {  	_ =	shalt  }
0x7e: {  	_ =	shalt  }
0x7f: {  	_ =	shalt  }
0x80: {  	_ =	shalt  }
0x81: {  	_ =	shalt  }
0x82: {  	_ =	shalt  }
0x83: {  	_ =	shalt  }
0x84: {  	_ =	shalt  }
0x85: {  	_ =	shalt  }
0x86: {  	_ =	shalt  }
0x87: {  	_ =	shalt  }
.Lfunc_end0:
.L_simem_size_0:
called_computation.1_lowered:
.L_overlay_start_0:
0x88: {  	s2 =	sld [smem:$0x3FD9]  }
0x89: {  	s3 =	sld [smem:$0x3FFE];
	_ =	sdelay $0x1  }
0x8a: {  	s1 =	srdreg.scid  }
0x8b: {  	s0 =	sand.u32 $0x1, s1  }
0x8c: {  	s17 =	sshll.u32 s0, $0xA;
	s2 =	sadd.s32 s3, s2  }
0x8d: {  	s2 =	sadd.s32 s2, s17  }
0x8e: {  	[smem:$0x3FC2] =	sst s2  }
0x8f: {  	_ = 	snop  }
0x90: {  	(tm) =	ssettm $0x1  }
0x91: {  	s18 =	sld [smem:$0x3FFB];
	_ =	sdelay $0x3  }
0x92: {  	_ =	strace s18  }
0x93: {  	s2 =	sld [smem:$0x3FFC];
	_ =	sdelay $0x3  }
0x94: {  	_ =	strace s2  }
0x95: {  	s2 =	sld [smem:$0x3FFD];
	_ =	sdelay $0x3  }
0x96: {  	_ =	strace s2  }
0x97: {  	_ =	strace $0x8FFFFFFF  }
0x98: {  	s19 =	sld [smem:$0x3FDB];
	_ =	sdelay $0x1  }
0x99: {  	s20 =	simm.s32 $_scs_section_size  }
0x9a: {  	s4 =	simm.s32 $_size__tile_overlayer_lowered;
	s5 =	simm.s32 $_tile_overlayer_lowered  }
0x9b: {  	s6 =	simm.s32 $0x1BFF;
	s21 =	sshll.u32 s5, $0x1;
	s3 =	sadd.s32 s20, s19  }
0x9c: {  	s22 =	simm.s32 $0x0;
	s4 =	sshll.u32 s4, $0x1;
	s5 =	sadd.s32 s21, s3  }
0x9d: {  	[timem:s22], [sflag:s6] =	dma.local [hbm:s5], s4  }
0x9e: {  	_ =	swait.ge [sflag:s6], s4  }
0x9f: {  	s4 =	ssub.s32 $0x0, s4;
	[sflag:s6] =	ssyncset.done $0x0  }
0xa0: {  	[sflag:s6] =	ssyncadd.s32 s4;
	_ =	sdelay $0x1  }
0xa1: {  	s23 =	simm.s32 $0x1B8B  }
0xa2: {  	_ =	swait.ge [sflag:s23], $0x1  }
0xa3: {  	[sflag:s23] =	ssyncset.done $0x0  }
0xa4: {  	[sflag:s23] =	ssyncadd.s32 $0xFFFFFFFF  }
0xa5: {  	s4 =	sld [smem:$0x0]  }
0xa6: {  	s5 =	sand.u32 $0xFFFFFFFE, s1  }
0xa7: {  	p0 =	sne.s32 s1, s5  }
0xa8: {  	s5 =	sshll.u32 @p0 s5, $0xE  }
0xa9: {  	s5 =	sadd.s32 @p0 $0x11B8D, s5;
	s6 =	sshll.u32 @p0 s4, $0x11  }
0xaa: {  	s5 =	sor.u32 @p0 s6, s5  }
0xab: {  	[sflag:s5] =	ssyncadd.remote.s32 @p0 $0x1;
	_ =	sdelay $0x1  }
0xac: {  	s5 =	simm.s32 @p0 $0x1B8D  }
0xad: {  	_ =	swait.eq @p0 [sflag:s5], $0x1  }
0xae: {  	[sflag:s5] =	ssyncadd.s32 @p0 $0xFFFFFFFF  }
0xaf: {  	s6 =	sshll.u32 @!p0 s1, $0xE  }
0xb0: {  	s6 =	sor.u32 @!p0 $0x4000, s6;
	s5 =	simm.s32 @!p0 $0x1B8D  }
0xb1: {  	s4 =	sshll.u32 @!p0 s4, $0x11;
	s6 =	sadd.s32 @!p0 $0x11B8D, s6;
	_ =	swait.eq @!p0 [sflag:s5], $0x1  }
0xb2: {  	s4 =	sor.u32 @!p0 s4, s6;
	[sflag:s5] =	ssyncadd.s32 @!p0 $0xFFFFFFFF  }
0xb3: {  	s25 =	simm.s32 $0x1B8E;
	s24 =	sld [smem:$0x3FFE];
	[sflag:s4] =	ssyncadd.remote.s32 @!p0 $0x1  }
0xb4: {  	s26 =	simm.s32 $execute0_lowered;
	[smem:$0x3FD2] =	sst s25  }
0xb5: {  	s5 =	sshll.u32 s26, $0x1;
	_ =	strace $0x8000004C;
	[dreg:$0x1] =	wrdreg $0xFFFFFFFF  }
0xb6: {  	s28 =	simm.s32 $_size_execute0_lowered;
	s3 =	sadd.s32 s3, s5;
	[dreg:$0x0] =	wrdreg $0x0  }
0xb7: {  	s5 =	sshll.u32 s28, $0x1;
	[dreg:$0x2] =	wrdreg s3  }
0xb8: {  	[dreg:$0x3] =	wrdreg s5  }
0xb9: {  	[dreg:$0x4] =	wrdreg $0xC0  }
0xba: {  	_ =	task [dreg:s22], $0x5FFFF  }
0xbb: {  	[dreg:$0x1] =	wrdreg $0xFFFFFFFF  }
0xbc: {  	[dreg:$0x0] =	wrdreg $0x60  }
0xbd: {  	[dreg:$0x2] =	wrdreg s24  }
0xbe: {  	[dreg:$0x3] =	wrdreg $0xA  }
0xbf: {  	_ =	task.clear_ibuf [dreg:s22], $0x4FFFF;
	_ =	strace $0x9000004C  }
0xc0: {  	s29 =	simm.s32 $0xA;
	_ =	strace $0x8000004E  }
0xc1: {  	_ =	swait.ge [sflag:s29], $0x1  }
0xc2: {  	[sflag:s29] =	ssyncadd.s32 $0xFFFFFFFF  }
0xc3: {  	_ =	strace $0x9000004E  }
0xc4: {  	_ =	sfence  }
0xc5: {  	s30 =	sld [smem:$0x0];
	_ =	sdelay $0x2  }
0xc6: {  	s31 =	sshll.u32 s1, $0xD;
	s1 =	sshrl.u32 s1, $0x2  }
0xc7: {  	s4 =	sand.u32 $0x4000, s31;
	s1 =	sadd.s32 s1, s30  }
0xc8: {  	s0 =	sor.u32 s4, s0;
	s1 =	sshll.u32 s1, $0x11  }
0xc9: {  	s0 =	sor.u32 s1, s0  }
0xca: {  	s0 =	sadd.s32 $0x8F2B, s0  }
0xcb: {  	[sflag:s0] =	ssyncadd.remote.s32 $0x1  }
0xcc: {  	_ =	sfence.sel $0xFFFF  }
0xcd: {  	[dreg:$0x0] =	wrdreg $0xFFFFFFFF;
	(pc) =	sbr.abs _section_cstart, $3  }
0xce: {  	[dreg:$0x1] =	wrdreg $0xFFFFFFFF  }
0xcf: {  	_ =	task.clear_ibuf [dreg:s22], $0x2FFFF;
	_ =	strace $0x9FFFFFFF  }
0xd0: {  	(tm) =	ssettm $0x7FFFFFFF  }
0xd1: {  	_ =	shalt  }
tec
execute0_lowered:
.L_overlay_start_1:
0x0: {  	(tag) =	ssettag $0x1  }
0x1: {  	s1 =	srdreg.scid  }
0x2: {  	s0 =	stileid.u32;
	s25 =	sand.u32 $0x1, s1  }
0x3: {  	s30 =	sshll.u32 s0, $0xC;
	s2 =	sshll.u32 s25, $0xB  }
0x4: {  	s10 =	sor.u32 s2, s30  }
0x5: {  	s9 =	rddreg [dreg:$0x0];
	s2 =	simm.s32 $0x0;
	s3 =	sshrl.u32 s10, $0x3  }
0x6: {  	s4 =	simm.s32 $0x4;
	[smem:$0x7FF] =	sst s2;
	s3 =	sadd.s32 s3, s9  }
0x7: {  	s1 =	rddreg [dreg:$0x1];
	_ =	strace $0x8000004D;
	s3 =	sadd.s32 $0x246C00, s3  }
0x8: {  	[tilespmem:s2], [sflag:$0x4] =	stream.linear.gather [hbm4b:s3+s2], $0x800, $0x38;
	[tilespmem:$0x10800] =	vst v63  }
0x9: {  	_ =	swait.ge [sflag:s4], $0x800  }
0xa: {  	s6 =	simm.s32 $0x100;
	s7 =	simm.s32 $0x800;
	[sflag:s4] =	ssyncset.done $0x0  }
0xb: {  	s8 =	simm.s32 $0x1;
	s5 =	sadd.s32 $0x4C00, s9;
	[sflag:s4] =	ssyncadd.s32 $0xFFFFF800  }
0xc: {  	[tilespmem:s7], [sflag:$0x1] =	stream.indirect.gather [hbm4b:s5+s6], $0x80, s2, s6, $0xb8;
	[tilespmem:$0x10800] =	vst v63  }
0xd: {  	s10 =	sshll.u32 s10, $0x4;
	_ =	swait.ge [sflag:s8], $0x8000  }
0xe: {  	s26 =	sadd.s32 s10, s9;
	[sflag:s8] =	ssyncset.done $0x0  }
0xf: {  	s9 =	sadd.s32 $0x248C00, s26;
	[sflag:s8] =	ssyncadd.s32 $0xFFFF8000  }
0x10: {  	[hbm4b:s9+s2] =	stream.linear.scatter [tilespmem:s7], [sflag:$0x2], $0x8000, $0x38;
	[tilespmem:$0x10800] =	vst v63  }
0x11: {  	s10 =	simm.s32 $0x8800  }
0x12: {  	[tilespmem:s10], [sflag:$0x1] =	stream.indirect.gather [hbm4b:s5+s6], $0x80, s6, s6, $0xb8;
	[tilespmem:$0x10800] =	vst v63  }
0x13: {  	_ =	swait.ge [sflag:s8], $0x8000  }
0x14: {  	[sflag:s8] =	ssyncset.done $0x0  }
0x15: {  	s12 =	simm.s32 $0x2;
	s11 =	sadd.s32 $0x249C00, s26;
	[sflag:s8] =	ssyncadd.s32 $0xFFFF8000  }
0x16: {  	[hbm4b:s11+s2] =	stream.linear.scatter [tilespmem:s10], [sflag:$0x3], $0x8000, $0x38;
	[tilespmem:$0x10800] =	vst v63  }
0x17: {  	_ =	swait.ge [sflag:s12], $0x8000  }
0x18: {  	[sflag:s12] =	ssyncset.done $0x0  }
0x19: {  	s13 =	simm.s32 $0x200;
	[sflag:s12] =	ssyncadd.s32 $0xFFFF8000  }
0x1a: {  	[tilespmem:s7], [sflag:$0x1] =	stream.indirect.gather [hbm4b:s5+s6], $0x80, s13, s6, $0xb8;
	[tilespmem:$0x10800] =	vst v63  }
0x1b: {  	_ =	swait.ge [sflag:s8], $0x8000  }
0x1c: {  	[sflag:s8] =	ssyncset.done $0x0  }
0x1d: {  	s14 =	simm.s32 $0x3;
	s15 =	sadd.s32 $0x24AC00, s26;
	[sflag:s8] =	ssyncadd.s32 $0xFFFF8000  }
0x1e: {  	[hbm4b:s15+s2] =	stream.linear.scatter [tilespmem:s7], [sflag:$0x2], $0x8000, $0x38;
	[tilespmem:$0x10800] =	vst v63  }
0x1f: {  	_ =	swait.ge [sflag:s14], $0x8000  }
0x20: {  	[sflag:s14] =	ssyncset.done $0x0  }
0x21: {  	s16 =	simm.s32 $0x300;
	[sflag:s14] =	ssyncadd.s32 $0xFFFF8000  }
0x22: {  	[tilespmem:s10], [sflag:$0x1] =	stream.indirect.gather [hbm4b:s5+s6], $0x80, s16, s6, $0xb8;
	[tilespmem:$0x10800] =	vst v63  }
0x23: {  	_ =	swait.ge [sflag:s8], $0x8000  }
0x24: {  	[sflag:s8] =	ssyncset.done $0x0  }
0x25: {  	s17 =	sadd.s32 $0x24BC00, s26;
	[sflag:s8] =	ssyncadd.s32 $0xFFFF8000  }
0x26: {  	[hbm4b:s17+s2] =	stream.linear.scatter [tilespmem:s10], [sflag:$0x3], $0x8000, $0x38;
	[tilespmem:$0x10800] =	vst v63  }
0x27: {  	_ =	swait.ge [sflag:s12], $0x8000  }
0x28: {  	[sflag:s12] =	ssyncset.done $0x0  }
0x29: {  	s18 =	simm.s32 $0x400;
	[sflag:s12] =	ssyncadd.s32 $0xFFFF8000  }
0x2a: {  	[tilespmem:s7], [sflag:$0x1] =	stream.indirect.gather [hbm4b:s5+s6], $0x80, s18, s6, $0xb8;
	[tilespmem:$0x10800] =	vst v63  }
0x2b: {  	_ =	swait.ge [sflag:s8], $0x8000  }
0x2c: {  	[sflag:s8] =	ssyncset.done $0x0  }
0x2d: {  	s19 =	sadd.s32 $0x24CC00, s26;
	[sflag:s8] =	ssyncadd.s32 $0xFFFF8000  }
0x2e: {  	[hbm4b:s19+s2] =	stream.linear.scatter [tilespmem:s7], [sflag:$0x2], $0x8000, $0x38;
	[tilespmem:$0x10800] =	vst v63  }
0x2f: {  	_ =	swait.ge [sflag:s14], $0x8000  }
0x30: {  	[sflag:s14] =	ssyncset.done $0x0  }
0x31: {  	s20 =	simm.s32 $0x500;
	[sflag:s14] =	ssyncadd.s32 $0xFFFF8000  }
0x32: {  	[tilespmem:s10], [sflag:$0x1] =	stream.indirect.gather [hbm4b:s5+s6], $0x80, s20, s6, $0xb8;
	[tilespmem:$0x10800] =	vst v63  }
0x33: {  	_ =	swait.ge [sflag:s8], $0x8000  }
0x34: {  	[sflag:s8] =	ssyncset.done $0x0  }
0x35: {  	s21 =	sadd.s32 $0x24DC00, s26;
	[sflag:s8] =	ssyncadd.s32 $0xFFFF8000  }
0x36: {  	[hbm4b:s21+s2] =	stream.linear.scatter [tilespmem:s10], [sflag:$0x3], $0x8000, $0x38;
	[tilespmem:$0x10800] =	vst v63  }
0x37: {  	_ =	swait.ge [sflag:s12], $0x8000  }
0x38: {  	[sflag:s12] =	ssyncset.done $0x0  }
0x39: {  	s22 =	simm.s32 $0x600;
	[sflag:s12] =	ssyncadd.s32 $0xFFFF8000  }
0x3a: {  	[tilespmem:s7], [sflag:$0x1] =	stream.indirect.gather [hbm4b:s5+s6], $0x80, s22, s6, $0xb8;
	[tilespmem:$0x10800] =	vst v63  }
0x3b: {  	_ =	swait.ge [sflag:s8], $0x8000  }
0x3c: {  	[sflag:s8] =	ssyncset.done $0x0  }
0x3d: {  	s23 =	sadd.s32 $0x24EC00, s26;
	[sflag:s8] =	ssyncadd.s32 $0xFFFF8000  }
0x3e: {  	[hbm4b:s23+s2] =	stream.linear.scatter [tilespmem:s7], [sflag:$0x2], $0x8000, $0x38;
	[tilespmem:$0x10800] =	vst v63  }
0x3f: {  	_ =	swait.ge [sflag:s14], $0x8000  }
0x40: {  	s28 =	ssub.s32 $0x2, s25;
	[sflag:s14] =	ssyncset.done $0x0  }
0x41: {  	s24 =	simm.s32 $0x700;
	s31 =	sshrl.u32 s28, $0x1;
	[sflag:s14] =	ssyncadd.s32 $0xFFFF8000  }
0x42: {  	[tilespmem:s10], [sflag:$0x1] =	stream.indirect.gather [hbm4b:s5+s6], $0x80, s24, s6, $0xb8;
	[tilespmem:$0x10800] =	vst v63  }
0x43: {  	s25 =	sadd.s32 $0x24FC00, s26;
	s26 =	ssub.s32 s28, s31;
	_ =	swait.ge [sflag:s8], $0x8000  }
0x44: {  	s26 =	smax.u32 s26, $0x1;
	[sflag:s8] =	ssyncset.done $0x0  }
0x45: {  	p0 =	sne.s32 s26, $0x1;
	[sflag:s8] =	ssyncadd.s32 $0xFFFF8000  }
0x46: {  	[hbm4b:s25+s2] =	stream.linear.scatter [tilespmem:s10], [sflag:$0x3], $0x8000, $0x38;
	[tilespmem:$0x10800] =	vst v63  }
.Ltmp0:
0x47: {  	_ =	swait.ge [sflag:s12], $0x8000;
	(pc) =	sbr.rel @!p0 .LBB2_2-.Ltmp0, $4  }
0x48: {  	[sflag:s12] =	ssyncset.done $0x0  }
0x49: {  	[sflag:s12] =	ssyncadd.s32 $0xFFFF8000  }
0x4a: {  	_ =	swait.ge [sflag:s14], $0x8000  }
0x4b: {  	s26 =	sadd.s32 $0xFFFFFFFF, s26;
	[sflag:s14] =	ssyncset.done $0x0  }
.LBB2_1:
0x4c: {  	p0 =	sne.s32 s26, $0x1;
	s26 =	sadd.s32 $0xFFFFFFFF, s26;
	[sflag:s14] =	ssyncadd.s32 $0xFFFF8000  }
0x4d: {  	[tilespmem:s2], [sflag:$0x4] =	stream.linear.gather [hbm4b:s3+s2], $0x800, $0x38;
	[tilespmem:$0x10800] =	vst v63  }
0x4e: {  	_ =	swait.ge [sflag:s4], $0x800  }
0x4f: {  	[sflag:s4] =	ssyncset.done $0x0  }
0x50: {  	[sflag:s4] =	ssyncadd.s32 $0xFFFFF800  }
0x51: {  	[tilespmem:s7], [sflag:$0x1] =	stream.indirect.gather [hbm4b:s5+s6], $0x80, s2, s6, $0xb8;
	[tilespmem:$0x10800] =	vst v63  }
0x52: {  	_ =	swait.ge [sflag:s8], $0x8000  }
0x53: {  	[sflag:s8] =	ssyncset.done $0x0  }
0x54: {  	[sflag:s8] =	ssyncadd.s32 $0xFFFF8000  }
0x55: {  	[hbm4b:s9+s2] =	stream.linear.scatter [tilespmem:s7], [sflag:$0x2], $0x8000, $0x38;
	[tilespmem:$0x10800] =	vst v63  }
0x56: {  	_ = 	snop  }
0x57: {  	[tilespmem:s10], [sflag:$0x1] =	stream.indirect.gather [hbm4b:s5+s6], $0x80, s6, s6, $0xb8;
	[tilespmem:$0x10800] =	vst v63  }
0x58: {  	_ =	swait.ge [sflag:s8], $0x8000  }
0x59: {  	[sflag:s8] =	ssyncset.done $0x0  }
0x5a: {  	[sflag:s8] =	ssyncadd.s32 $0xFFFF8000  }
0x5b: {  	[hbm4b:s11+s2] =	stream.linear.scatter [tilespmem:s10], [sflag:$0x3], $0x8000, $0x38;
	[tilespmem:$0x10800] =	vst v63  }
0x5c: {  	_ =	swait.ge [sflag:s12], $0x8000  }
0x5d: {  	[sflag:s12] =	ssyncset.done $0x0  }
0x5e: {  	[sflag:s12] =	ssyncadd.s32 $0xFFFF8000  }
0x5f: {  	[tilespmem:s7], [sflag:$0x1] =	stream.indirect.gather [hbm4b:s5+s6], $0x80, s13, s6, $0xb8;
	[tilespmem:$0x10800] =	vst v63  }
0x60: {  	_ =	swait.ge [sflag:s8], $0x8000  }
0x61: {  	[sflag:s8] =	ssyncset.done $0x0  }
0x62: {  	[sflag:s8] =	ssyncadd.s32 $0xFFFF8000  }
0x63: {  	[hbm4b:s15+s2] =	stream.linear.scatter [tilespmem:s7], [sflag:$0x2], $0x8000, $0x38;
	[tilespmem:$0x10800] =	vst v63  }
0x64: {  	_ =	swait.ge [sflag:s14], $0x8000  }
0x65: {  	[sflag:s14] =	ssyncset.done $0x0  }
0x66: {  	[sflag:s14] =	ssyncadd.s32 $0xFFFF8000  }
0x67: {  	[tilespmem:s10], [sflag:$0x1] =	stream.indirect.gather [hbm4b:s5+s6], $0x80, s16, s6, $0xb8;
	[tilespmem:$0x10800] =	vst v63  }
0x68: {  	_ =	swait.ge [sflag:s8], $0x8000  }
0x69: {  	[sflag:s8] =	ssyncset.done $0x0  }
0x6a: {  	[sflag:s8] =	ssyncadd.s32 $0xFFFF8000  }
0x6b: {  	[hbm4b:s17+s2] =	stream.linear.scatter [tilespmem:s10], [sflag:$0x3], $0x8000, $0x38;
	[tilespmem:$0x10800] =	vst v63  }
0x6c: {  	_ =	swait.ge [sflag:s12], $0x8000  }
0x6d: {  	[sflag:s12] =	ssyncset.done $0x0  }
0x6e: {  	[sflag:s12] =	ssyncadd.s32 $0xFFFF8000  }
0x6f: {  	[tilespmem:s7], [sflag:$0x1] =	stream.indirect.gather [hbm4b:s5+s6], $0x80, s18, s6, $0xb8;
	[tilespmem:$0x10800] =	vst v63  }
0x70: {  	_ =	swait.ge [sflag:s8], $0x8000  }
0x71: {  	[sflag:s8] =	ssyncset.done $0x0  }
0x72: {  	[sflag:s8] =	ssyncadd.s32 $0xFFFF8000  }
0x73: {  	[hbm4b:s19+s2] =	stream.linear.scatter [tilespmem:s7], [sflag:$0x2], $0x8000, $0x38;
	[tilespmem:$0x10800] =	vst v63  }
0x74: {  	_ =	swait.ge [sflag:s14], $0x8000  }
0x75: {  	[sflag:s14] =	ssyncset.done $0x0  }
0x76: {  	[sflag:s14] =	ssyncadd.s32 $0xFFFF8000  }
0x77: {  	[tilespmem:s10], [sflag:$0x1] =	stream.indirect.gather [hbm4b:s5+s6], $0x80, s20, s6, $0xb8;
	[tilespmem:$0x10800] =	vst v63  }
0x78: {  	_ =	swait.ge [sflag:s8], $0x8000  }
0x79: {  	[sflag:s8] =	ssyncset.done $0x0  }
0x7a: {  	[sflag:s8] =	ssyncadd.s32 $0xFFFF8000  }
0x7b: {  	[hbm4b:s21+s2] =	stream.linear.scatter [tilespmem:s10], [sflag:$0x3], $0x8000, $0x38;
	[tilespmem:$0x10800] =	vst v63  }
0x7c: {  	_ =	swait.ge [sflag:s12], $0x8000  }
0x7d: {  	[sflag:s12] =	ssyncset.done $0x0  }
0x7e: {  	[sflag:s12] =	ssyncadd.s32 $0xFFFF8000  }
0x7f: {  	[tilespmem:s7], [sflag:$0x1] =	stream.indirect.gather [hbm4b:s5+s6], $0x80, s22, s6, $0xb8;
	[tilespmem:$0x10800] =	vst v63  }
0x80: {  	_ =	swait.ge [sflag:s8], $0x8000  }
0x81: {  	[sflag:s8] =	ssyncset.done $0x0  }
0x82: {  	[sflag:s8] =	ssyncadd.s32 $0xFFFF8000  }
0x83: {  	[hbm4b:s23+s2] =	stream.linear.scatter [tilespmem:s7], [sflag:$0x2], $0x8000, $0x38;
	[tilespmem:$0x10800] =	vst v63  }
0x84: {  	_ =	swait.ge [sflag:s14], $0x8000  }
0x85: {  	[sflag:s14] =	ssyncset.done $0x0  }
0x86: {  	[sflag:s14] =	ssyncadd.s32 $0xFFFF8000  }
0x87: {  	[tilespmem:s10], [sflag:$0x1] =	stream.indirect.gather [hbm4b:s5+s6], $0x80, s24, s6, $0xb8;
	[tilespmem:$0x10800] =	vst v63  }
0x88: {  	_ =	swait.ge [sflag:s8], $0x8000  }
0x89: {  	[sflag:s8] =	ssyncset.done $0x0  }
0x8a: {  	[sflag:s8] =	ssyncadd.s32 $0xFFFF8000  }
0x8b: {  	[hbm4b:s25+s2] =	stream.linear.scatter [tilespmem:s10], [sflag:$0x3], $0x8000, $0x38;
	[tilespmem:$0x10800] =	vst v63  }
.Ltmp1:
0x8c: {  	_ =	swait.ge [sflag:s12], $0x8000;
	(pc) =	sbr.rel @p0 .LBB2_1-.Ltmp1, $4  }
0x8d: {  	[sflag:s12] =	ssyncset.done $0x0  }
0x8e: {  	[sflag:s12] =	ssyncadd.s32 $0xFFFF8000  }
0x8f: {  	_ =	swait.ge [sflag:s14], $0x8000  }
0x90: {  	[sflag:s14] =	ssyncset.done $0x0  }
.LBB2_2:
0x91: {  	[sflag:s14] =	ssyncadd.s32 $0xFFFF8000  }
0x92: {  	_ =	sfence.sel $0x180000  }
0x93: {  	[bflag:$0x0] =	sbarrier.arrive $0xFFFF  }
0x94: {  	p0 =	sne.s32 s0, $0x0;
	_ =	strace $0x9000004D  }
0x95: {  	s0 =	sadd.s32 @!p0 $0x100000, s1;
	[bflag:$0x2] =	sbarrier.arrive $0xFFFF  }
0x96: {  	[sflag:s0] =	ssyncadd.tile.s32 @!p0 $0x1;
	_ =	shalt  }
.Lfunc_end2:
_tile_overlayer_lowered:
.L_overlay_start_2:
0x97: {  	(tag) =	ssettag $0x2  }
0x98: {  	s0 =	rddreg [dreg:$0x0];
	s2 =	stileid.u32  }
0x99: {  	s1 =	rddreg [dreg:$0x1];
	p0 =	sne.s32 s2, $0x0  }
0x9a: {  	s3 =	rddreg [dreg:$0x2];
	[bflag:$0x3] =	sbarrier.arrive $0xFFFF;
	s2 =	simm.s32 @!p0 $0x1C04  }
0x9b: {  	[timem:s3], [sflag:s2] =	dma.local @!p0 [hbm:s0], s1  }
0x9c: {  	s0 =	simm.s32 @!p0 $0x4  }
0x9d: {  	_ =	swait.ge @!p0 [sflag:s0], s1  }
0x9e: {  	s1 =	ssub.s32 @!p0 $0x0, s1;
	[sflag:s0] =	ssyncset.done @!p0 $0x0  }
0x9f: {  	[sflag:s0] =	ssyncadd.s32 @!p0 s1  }
0xa0: {  	[bflag:$0x3] =	sbarrier.arrive $0xFFFF  }
0xa1: {  	_ =	shalt  }

// kernel: kernel.22.cloned.1.call-start
scs
__scs_entry_jumppad:
0x0: {  	(pc) =	sbr.rel $0x88, $3  }
0x1: {  	(tag) =	ssettag $0x0;
	lr =	simm.s32 $0x1  }
0x2: {  	[smem:$0x3F9B] =	sst lr;
	_ =	strace $0xD0000000  }
0x3: {  	_ = 	snop  }
0x4: {  	_ = 	snop  }
0x5: {  	_ = 	snop  }
0x6: {  	_ = 	snop  }
0x7: {  	_ = 	snop  }
__scs_overlays_trampoline_lowered:
0x8: {  	[smem:$0x3FAA] =	sst s0  }
0x9: {  	[smem:$0x3FAB] =	sst s1  }
0xa: {  	[smem:$0x3FAC] =	sst s2  }
0xb: {  	[smem:$0x3FAD] =	sst s3  }
0xc: {  	[smem:$0x3FAE] =	sst s4  }
0xd: {  	[smem:$0x3FAF] =	sst s5  }
0xe: {  	[smem:$0x3FB0] =	sst s6  }
0xf: {  	[smem:$0x3FB1] =	sst s7  }
0x10: {  	[smem:$0x3FB2] =	sst s8  }
0x11: {  	[smem:$0x3FB3] =	sst s9;
	s0 =	simm.s32 @!p0 $0x0  }
0x12: {  	s1 =	sld [smem:$0x3F99];
	s0 =	simm.s32 @p0 $0x1  }
0x13: {  	[smem:$0x3FB4] =	sst s0;
	s0 =	simm.s32 @!p1 $0x0  }
0x14: {  	s2 =	sld [smem:$0x3F98];
	s0 =	simm.s32 @p1 $0x1  }
0x15: {  	[smem:$0x3FB5] =	sst s0;
	s0 =	simm.s32 @!p2 $0x0  }
0x16: {  	s3 =	sld [smem:$0x3FDB];
	s0 =	simm.s32 @p2 $0x1  }
0x17: {  	s4 =	simm.s32 $0x1BF5;
	[smem:$0x3FB7] =	sst s0  }
0x18: {  	s0 =	sld [smem:$0x3F9A];
	_ =	swait.ge [sflag:s4], $0x0  }
0x19: {  	s7 =	sld [smem:$0x3F9B]  }
0x1a: {  	s8 =	sadd.s32 $0xFFFFE003, lr  }
0x1b: {  	s9 =	sadd.s32 $0xFFFFFEF7, lr;
	s5 =	simm.s32 $0xFFFFFFFF;
	p2 =	slt.u32 s8, $0xFFFFF086  }
0x1c: {  	p1 =	slt.u32 s9, $0xF7A;
	s5 =	simm.s32 @!p2 $0x0  }
0x1d: {  	s5 =	simm.s32 @p1 $0x1;
	p0 =	seq.s32 s7, s2  }
0x1e: {  	s7 =	smul.u32 @!p0 $0xF7A, s2;
	p2 =	seq.s32 @!p0 s5, $0x0  }
0x1f: {  	s9 =	smul.u32 $0xF7A, s1;
	s8 =	simm.s32 @!p0 $0x1BF5;
	p2 =	por !p2, p0  }
0x20: {  	[sflag:s8] =	ssyncset.s32 @!p0 $0xFFFFF086;
	s6 =	sadd.s32 @!p0 s3, s7;
	s7 =	simm.s32 @!p0 $0x108  }
0x21: {  	s3 =	sadd.s32 s3, s9;
	s6 =	sadd.s32 @!p0 $0x88, s6;
	s7 =	simm.s32 @p2 $0x1082  }
0x22: {  	[simem:s7], [sflag:s8] =	dma.local @!p0 [hbm:s6], $0xF7A  }
0x23: {  	s9 =	sor.u32 $0xD0000000, s2;
	s6 =	simm.s32 $0x108;
	_ =	swait.ge @!p0 [sflag:s8], $0x0  }
0x24: {  	s3 =	sadd.s32 $0x88, s3;
	s6 =	simm.s32 @!p1 $0x1082;
	[sflag:s4] =	ssyncset.s32 $0xFFFFF086  }
0x25: {  	[simem:s6], [sflag:s4] =	dma.local [hbm:s3], $0xF7A  }
0x26: {  	[smem:$0x3F9B] =	sst s1;
	(tag) =	ssettag s2;
	_ =	strace s9  }
0x27: {  	s1 =	sld [smem:$0x3FAB]  }
0x28: {  	s2 =	sld [smem:$0x3FAC]  }
0x29: {  	s4 =	sld [smem:$0x3FAE]  }
0x2a: {  	p0 =	seq.s32 s5, $0x0;
	s5 =	sld [smem:$0x3FAF]  }
0x2b: {  	s6 =	sld [smem:$0x3FB0]  }
0x2c: {  	s7 =	sld [smem:$0x3FB1]  }
0x2d: {  	s3 =	simm.s32 $0x108;
	s8 =	sld [smem:$0x3FB2]  }
0x2e: {  	s3 =	simm.s32 @!p0 $0x1082;
	s9 =	sld [smem:$0x3FB3]  }
0x2f: {  	lr =	sadd.s32 s0, s3;
	s0 =	sld [smem:$0x3FAA]  }
0x30: {  	s3 =	sld [smem:$0x3FAD]  }
0x31: {  	[smem:$0x3FB6] =	sst s10  }
0x32: {  	s10 =	sld [smem:$0x3FB4];
	_ =	sdelay $0x3  }
0x33: {  	p0 =	seq.s32 s10, $0x1;
	s10 =	sld [smem:$0x3FB6];
	_ =	sdelay $0x3  }
0x34: {  	[smem:$0x3FB6] =	sst s10  }
0x35: {  	s10 =	sld [smem:$0x3FB5];
	_ =	sdelay $0x3  }
0x36: {  	p1 =	seq.s32 s10, $0x1;
	s10 =	sld [smem:$0x3FB6];
	_ =	sdelay $0x3  }
0x37: {  	[smem:$0x3FB6] =	sst s10  }
0x38: {  	s10 =	sld [smem:$0x3FB7]  }
0x39: {  	_ = 	snop;
	(pc) =	sbr.ind lr, $3  }
0x3a: {  	_ = 	snop  }
0x3b: {  	_ = 	snop  }
0x3c: {  	p2 =	seq.s32 s10, $0x1;
	s10 =	sld [smem:$0x3FB6]  }
0x3d: {  	_ =	shalt  }
0x3e: {  	_ =	shalt  }
0x3f: {  	_ =	shalt  }
0x40: {  	_ =	shalt  }
0x41: {  	_ =	shalt  }
0x42: {  	_ =	shalt  }
0x43: {  	_ =	shalt  }
0x44: {  	_ =	shalt  }
0x45: {  	_ =	shalt  }
0x46: {  	_ =	shalt  }
0x47: {  	_ =	shalt  }
0x48: {  	_ =	shalt  }
0x49: {  	_ =	shalt  }
0x4a: {  	_ =	shalt  }
0x4b: {  	_ =	shalt  }
0x4c: {  	_ =	shalt  }
0x4d: {  	_ =	shalt  }
0x4e: {  	_ =	shalt  }
0x4f: {  	_ =	shalt  }
0x50: {  	_ =	shalt  }
0x51: {  	_ =	shalt  }
0x52: {  	_ =	shalt  }
0x53: {  	_ =	shalt  }
0x54: {  	_ =	shalt  }
0x55: {  	_ =	shalt  }
0x56: {  	_ =	shalt  }
0x57: {  	_ =	shalt  }
0x58: {  	_ =	shalt  }
0x59: {  	_ =	shalt  }
0x5a: {  	_ =	shalt  }
0x5b: {  	_ =	shalt  }
0x5c: {  	_ =	shalt  }
0x5d: {  	_ =	shalt  }
0x5e: {  	_ =	shalt  }
0x5f: {  	_ =	shalt  }
0x60: {  	_ =	shalt  }
0x61: {  	_ =	shalt  }
0x62: {  	_ =	shalt  }
0x63: {  	_ =	shalt  }
0x64: {  	_ =	shalt  }
0x65: {  	_ =	shalt  }
0x66: {  	_ =	shalt  }
0x67: {  	_ =	shalt  }
0x68: {  	_ =	shalt  }
0x69: {  	_ =	shalt  }
0x6a: {  	_ =	shalt  }
0x6b: {  	_ =	shalt  }
0x6c: {  	_ =	shalt  }
0x6d: {  	_ =	shalt  }
0x6e: {  	_ =	shalt  }
0x6f: {  	_ =	shalt  }
0x70: {  	_ =	shalt  }
0x71: {  	_ =	shalt  }
0x72: {  	_ =	shalt  }
0x73: {  	_ =	shalt  }
0x74: {  	_ =	shalt  }
0x75: {  	_ =	shalt  }
0x76: {  	_ =	shalt  }
0x77: {  	_ =	shalt  }
0x78: {  	_ =	shalt  }
0x79: {  	_ =	shalt  }
0x7a: {  	_ =	shalt  }
0x7b: {  	_ =	shalt  }
0x7c: {  	_ =	shalt  }
0x7d: {  	_ =	shalt  }
0x7e: {  	_ =	shalt  }
0x7f: {  	_ =	shalt  }
0x80: {  	_ =	shalt  }
0x81: {  	_ =	shalt  }
0x82: {  	_ =	shalt  }
0x83: {  	_ =	shalt  }
0x84: {  	_ =	shalt  }
0x85: {  	_ =	shalt  }
0x86: {  	_ =	shalt  }
0x87: {  	_ =	shalt  }
.Lfunc_end0:
.L_simem_size_0:
called_computation.2_lowered:
.L_overlay_start_0:
0x88: {  	s2 =	sld [smem:$0x3FD9]  }
0x89: {  	s3 =	sld [smem:$0x3FFE];
	_ =	sdelay $0x1  }
0x8a: {  	s1 =	srdreg.scid  }
0x8b: {  	s0 =	sand.u32 $0x1, s1  }
0x8c: {  	s17 =	sshll.u32 s0, $0xA;
	s2 =	sadd.s32 s3, s2  }
0x8d: {  	s2 =	sadd.s32 s2, s17  }
0x8e: {  	[smem:$0x3FC2] =	sst s2  }
0x8f: {  	_ = 	snop  }
0x90: {  	(tm) =	ssettm $0x1  }
0x91: {  	s18 =	sld [smem:$0x3FFB];
	_ =	sdelay $0x3  }
0x92: {  	_ =	strace s18  }
0x93: {  	s2 =	sld [smem:$0x3FFC];
	_ =	sdelay $0x3  }
0x94: {  	_ =	strace s2  }
0x95: {  	s2 =	sld [smem:$0x3FFD];
	_ =	sdelay $0x3  }
0x96: {  	_ =	strace s2  }
0x97: {  	_ =	strace $0x8FFFFFFF  }
0x98: {  	s19 =	sld [smem:$0x3FDB];
	_ =	sdelay $0x1  }
0x99: {  	s20 =	simm.s32 $_scs_section_size  }
0x9a: {  	s4 =	simm.s32 $_size__tile_overlayer_lowered;
	s5 =	simm.s32 $_tile_overlayer_lowered  }
0x9b: {  	s6 =	simm.s32 $0x1BFF;
	s21 =	sshll.u32 s5, $0x1;
	s3 =	sadd.s32 s20, s19  }
0x9c: {  	s22 =	simm.s32 $0x0;
	s4 =	sshll.u32 s4, $0x1;
	s5 =	sadd.s32 s21, s3  }
0x9d: {  	[timem:s22], [sflag:s6] =	dma.local [hbm:s5], s4  }
0x9e: {  	_ =	swait.ge [sflag:s6], s4  }
0x9f: {  	s4 =	ssub.s32 $0x0, s4;
	[sflag:s6] =	ssyncset.done $0x0  }
0xa0: {  	[sflag:s6] =	ssyncadd.s32 s4;
	_ =	sdelay $0x1  }
0xa1: {  	s23 =	simm.s32 $0x1B8B  }
0xa2: {  	_ =	swait.ge [sflag:s23], $0x1  }
0xa3: {  	[sflag:s23] =	ssyncset.done $0x0  }
0xa4: {  	[sflag:s23] =	ssyncadd.s32 $0xFFFFFFFF  }
0xa5: {  	s4 =	sld [smem:$0x0]  }
0xa6: {  	s5 =	sand.u32 $0xFFFFFFFE, s1  }
0xa7: {  	p0 =	sne.s32 s1, s5  }
0xa8: {  	s5 =	sshll.u32 @p0 s5, $0xE  }
0xa9: {  	s5 =	sadd.s32 @p0 $0x11B8D, s5;
	s6 =	sshll.u32 @p0 s4, $0x11  }
0xaa: {  	s5 =	sor.u32 @p0 s6, s5  }
0xab: {  	[sflag:s5] =	ssyncadd.remote.s32 @p0 $0x1;
	_ =	sdelay $0x1  }
0xac: {  	s5 =	simm.s32 @p0 $0x1B8D  }
0xad: {  	_ =	swait.eq @p0 [sflag:s5], $0x1  }
0xae: {  	[sflag:s5] =	ssyncadd.s32 @p0 $0xFFFFFFFF  }
0xaf: {  	s6 =	sshll.u32 @!p0 s1, $0xE  }
0xb0: {  	s6 =	sor.u32 @!p0 $0x4000, s6;
	s5 =	simm.s32 @!p0 $0x1B8D  }
0xb1: {  	s4 =	sshll.u32 @!p0 s4, $0x11;
	s6 =	sadd.s32 @!p0 $0x11B8D, s6;
	_ =	swait.eq @!p0 [sflag:s5], $0x1  }
0xb2: {  	s4 =	sor.u32 @!p0 s4, s6;
	[sflag:s5] =	ssyncadd.s32 @!p0 $0xFFFFFFFF  }
0xb3: {  	s25 =	simm.s32 $0x1B8E;
	s24 =	sld [smem:$0x3FFE];
	[sflag:s4] =	ssyncadd.remote.s32 @!p0 $0x1  }
0xb4: {  	s26 =	simm.s32 $execute0_lowered;
	[smem:$0x3FD2] =	sst s25  }
0xb5: {  	s5 =	sshll.u32 s26, $0x1;
	_ =	strace $0x80000049;
	[dreg:$0x1] =	wrdreg $0xFFFFFFFF  }
0xb6: {  	s28 =	simm.s32 $_size_execute0_lowered;
	s3 =	sadd.s32 s3, s5;
	[dreg:$0x0] =	wrdreg $0x0  }
0xb7: {  	s5 =	sshll.u32 s28, $0x1;
	[dreg:$0x2] =	wrdreg s3  }
0xb8: {  	[dreg:$0x3] =	wrdreg s5  }
0xb9: {  	[dreg:$0x4] =	wrdreg $0xC0  }
0xba: {  	_ =	task [dreg:s22], $0x5FFFF  }
0xbb: {  	[dreg:$0x1] =	wrdreg $0xFFFFFFFF  }
0xbc: {  	[dreg:$0x0] =	wrdreg $0x60  }
0xbd: {  	[dreg:$0x2] =	wrdreg s24  }
0xbe: {  	[dreg:$0x3] =	wrdreg $0xB  }
0xbf: {  	_ =	task.clear_ibuf [dreg:s22], $0x4FFFF;
	_ =	strace $0x90000049  }
0xc0: {  	s29 =	simm.s32 $0xB;
	_ =	strace $0x8000004B  }
0xc1: {  	_ =	swait.ge [sflag:s29], $0x1  }
0xc2: {  	[sflag:s29] =	ssyncadd.s32 $0xFFFFFFFF  }
0xc3: {  	_ =	strace $0x9000004B  }
0xc4: {  	_ =	sfence  }
0xc5: {  	s30 =	sld [smem:$0x0];
	_ =	sdelay $0x2  }
0xc6: {  	s31 =	sshll.u32 s1, $0xD;
	s1 =	sshrl.u32 s1, $0x2  }
0xc7: {  	s4 =	sand.u32 $0x4000, s31;
	s1 =	sadd.s32 s1, s30  }
0xc8: {  	s0 =	sor.u32 s4, s0;
	s1 =	sshll.u32 s1, $0x11  }
0xc9: {  	s0 =	sor.u32 s1, s0  }
0xca: {  	s0 =	sadd.s32 $0x8F2B, s0  }
0xcb: {  	[sflag:s0] =	ssyncadd.remote.s32 $0x1  }
0xcc: {  	_ =	sfence.sel $0xFFFF  }
0xcd: {  	[dreg:$0x0] =	wrdreg $0xFFFFFFFF;
	(pc) =	sbr.abs _section_cstart, $3  }
0xce: {  	[dreg:$0x1] =	wrdreg $0xFFFFFFFF  }
0xcf: {  	_ =	task.clear_ibuf [dreg:s22], $0x2FFFF;
	_ =	strace $0x9FFFFFFF  }
0xd0: {  	(tm) =	ssettm $0x7FFFFFFF  }
0xd1: {  	_ =	shalt  }
tec
execute0_lowered:
.L_overlay_start_1:
0x0: {  	(tag) =	ssettag $0x1  }
0x1: {  	s1 =	srdreg.scid  }
0x2: {  	s0 =	stileid.u32;
	s25 =	sand.u32 $0x1, s1  }
0x3: {  	s30 =	sshll.u32 s0, $0xC;
	s2 =	sshll.u32 s25, $0xB  }
0x4: {  	s10 =	sor.u32 s2, s30  }
0x5: {  	s9 =	rddreg [dreg:$0x0];
	s2 =	simm.s32 $0x0;
	s3 =	sshrl.u32 s10, $0x3  }
0x6: {  	s4 =	simm.s32 $0x4;
	[smem:$0x7FF] =	sst s2;
	s3 =	sadd.s32 s3, s9  }
0x7: {  	s1 =	rddreg [dreg:$0x1];
	_ =	strace $0x8000004A;
	s3 =	sadd.s32 $0x144C00, s3  }
0x8: {  	[tilespmem:s2], [sflag:$0x4] =	stream.linear.gather [hbm4b:s3+s2], $0x800, $0x38;
	[tilespmem:$0x10800] =	vst v63  }
0x9: {  	_ =	swait.ge [sflag:s4], $0x800  }
0xa: {  	s6 =	simm.s32 $0x100;
	s7 =	simm.s32 $0x800;
	[sflag:s4] =	ssyncset.done $0x0  }
0xb: {  	s8 =	simm.s32 $0x1;
	s5 =	sadd.s32 $0x4C00, s9;
	[sflag:s4] =	ssyncadd.s32 $0xFFFFF800  }
0xc: {  	[tilespmem:s7], [sflag:$0x1] =	stream.indirect.gather [hbm4b:s5+s6], $0x80, s2, s6, $0xb8;
	[tilespmem:$0x10800] =	vst v63  }
0xd: {  	s10 =	sshll.u32 s10, $0x4;
	_ =	swait.ge [sflag:s8], $0x8000  }
0xe: {  	s26 =	sadd.s32 s10, s9;
	[sflag:s8] =	ssyncset.done $0x0  }
0xf: {  	s9 =	sadd.s32 $0x146C00, s26;
	[sflag:s8] =	ssyncadd.s32 $0xFFFF8000  }
0x10: {  	[hbm4b:s9+s2] =	stream.linear.scatter [tilespmem:s7], [sflag:$0x2], $0x8000, $0x38;
	[tilespmem:$0x10800] =	vst v63  }
0x11: {  	s10 =	simm.s32 $0x8800  }
0x12: {  	[tilespmem:s10], [sflag:$0x1] =	stream.indirect.gather [hbm4b:s5+s6], $0x80, s6, s6, $0xb8;
	[tilespmem:$0x10800] =	vst v63  }
0x13: {  	_ =	swait.ge [sflag:s8], $0x8000  }
0x14: {  	[sflag:s8] =	ssyncset.done $0x0  }
0x15: {  	s12 =	simm.s32 $0x2;
	s11 =	sadd.s32 $0x147C00, s26;
	[sflag:s8] =	ssyncadd.s32 $0xFFFF8000  }
0x16: {  	[hbm4b:s11+s2] =	stream.linear.scatter [tilespmem:s10], [sflag:$0x3], $0x8000, $0x38;
	[tilespmem:$0x10800] =	vst v63  }
0x17: {  	_ =	swait.ge [sflag:s12], $0x8000  }
0x18: {  	[sflag:s12] =	ssyncset.done $0x0  }
0x19: {  	s13 =	simm.s32 $0x200;
	[sflag:s12] =	ssyncadd.s32 $0xFFFF8000  }
0x1a: {  	[tilespmem:s7], [sflag:$0x1] =	stream.indirect.gather [hbm4b:s5+s6], $0x80, s13, s6, $0xb8;
	[tilespmem:$0x10800] =	vst v63  }
0x1b: {  	_ =	swait.ge [sflag:s8], $0x8000  }
0x1c: {  	[sflag:s8] =	ssyncset.done $0x0  }
0x1d: {  	s14 =	simm.s32 $0x3;
	s15 =	sadd.s32 $0x148C00, s26;
	[sflag:s8] =	ssyncadd.s32 $0xFFFF8000  }
0x1e: {  	[hbm4b:s15+s2] =	stream.linear.scatter [tilespmem:s7], [sflag:$0x2], $0x8000, $0x38;
	[tilespmem:$0x10800] =	vst v63  }
0x1f: {  	_ =	swait.ge [sflag:s14], $0x8000  }
0x20: {  	[sflag:s14] =	ssyncset.done $0x0  }
0x21: {  	s16 =	simm.s32 $0x300;
	[sflag:s14] =	ssyncadd.s32 $0xFFFF8000  }
0x22: {  	[tilespmem:s10], [sflag:$0x1] =	stream.indirect.gather [hbm4b:s5+s6], $0x80, s16, s6, $0xb8;
	[tilespmem:$0x10800] =	vst v63  }
0x23: {  	_ =	swait.ge [sflag:s8], $0x8000  }
0x24: {  	[sflag:s8] =	ssyncset.done $0x0  }
0x25: {  	s17 =	sadd.s32 $0x149C00, s26;
	[sflag:s8] =	ssyncadd.s32 $0xFFFF8000  }
0x26: {  	[hbm4b:s17+s2] =	stream.linear.scatter [tilespmem:s10], [sflag:$0x3], $0x8000, $0x38;
	[tilespmem:$0x10800] =	vst v63  }
0x27: {  	_ =	swait.ge [sflag:s12], $0x8000  }
0x28: {  	[sflag:s12] =	ssyncset.done $0x0  }
0x29: {  	s18 =	simm.s32 $0x400;
	[sflag:s12] =	ssyncadd.s32 $0xFFFF8000  }
0x2a: {  	[tilespmem:s7], [sflag:$0x1] =	stream.indirect.gather [hbm4b:s5+s6], $0x80, s18, s6, $0xb8;
	[tilespmem:$0x10800] =	vst v63  }
0x2b: {  	_ =	swait.ge [sflag:s8], $0x8000  }
0x2c: {  	[sflag:s8] =	ssyncset.done $0x0  }
0x2d: {  	s19 =	sadd.s32 $0x14AC00, s26;
	[sflag:s8] =	ssyncadd.s32 $0xFFFF8000  }
0x2e: {  	[hbm4b:s19+s2] =	stream.linear.scatter [tilespmem:s7], [sflag:$0x2], $0x8000, $0x38;
	[tilespmem:$0x10800] =	vst v63  }
0x2f: {  	_ =	swait.ge [sflag:s14], $0x8000  }
0x30: {  	[sflag:s14] =	ssyncset.done $0x0  }
0x31: {  	s20 =	simm.s32 $0x500;
	[sflag:s14] =	ssyncadd.s32 $0xFFFF8000  }
0x32: {  	[tilespmem:s10], [sflag:$0x1] =	stream.indirect.gather [hbm4b:s5+s6], $0x80, s20, s6, $0xb8;
	[tilespmem:$0x10800] =	vst v63  }
0x33: {  	_ =	swait.ge [sflag:s8], $0x8000  }
0x34: {  	[sflag:s8] =	ssyncset.done $0x0  }
0x35: {  	s21 =	sadd.s32 $0x14BC00, s26;
	[sflag:s8] =	ssyncadd.s32 $0xFFFF8000  }
0x36: {  	[hbm4b:s21+s2] =	stream.linear.scatter [tilespmem:s10], [sflag:$0x3], $0x8000, $0x38;
	[tilespmem:$0x10800] =	vst v63  }
0x37: {  	_ =	swait.ge [sflag:s12], $0x8000  }
0x38: {  	[sflag:s12] =	ssyncset.done $0x0  }
0x39: {  	s22 =	simm.s32 $0x600;
	[sflag:s12] =	ssyncadd.s32 $0xFFFF8000  }
0x3a: {  	[tilespmem:s7], [sflag:$0x1] =	stream.indirect.gather [hbm4b:s5+s6], $0x80, s22, s6, $0xb8;
	[tilespmem:$0x10800] =	vst v63  }
0x3b: {  	_ =	swait.ge [sflag:s8], $0x8000  }
0x3c: {  	[sflag:s8] =	ssyncset.done $0x0  }
0x3d: {  	s23 =	sadd.s32 $0x14CC00, s26;
	[sflag:s8] =	ssyncadd.s32 $0xFFFF8000  }
0x3e: {  	[hbm4b:s23+s2] =	stream.linear.scatter [tilespmem:s7], [sflag:$0x2], $0x8000, $0x38;
	[tilespmem:$0x10800] =	vst v63  }
0x3f: {  	_ =	swait.ge [sflag:s14], $0x8000  }
0x40: {  	s28 =	ssub.s32 $0x2, s25;
	[sflag:s14] =	ssyncset.done $0x0  }
0x41: {  	s24 =	simm.s32 $0x700;
	s31 =	sshrl.u32 s28, $0x1;
	[sflag:s14] =	ssyncadd.s32 $0xFFFF8000  }
0x42: {  	[tilespmem:s10], [sflag:$0x1] =	stream.indirect.gather [hbm4b:s5+s6], $0x80, s24, s6, $0xb8;
	[tilespmem:$0x10800] =	vst v63  }
0x43: {  	s25 =	sadd.s32 $0x14DC00, s26;
	s26 =	ssub.s32 s28, s31;
	_ =	swait.ge [sflag:s8], $0x8000  }
0x44: {  	s26 =	smax.u32 s26, $0x1;
	[sflag:s8] =	ssyncset.done $0x0  }
0x45: {  	p0 =	sne.s32 s26, $0x1;
	[sflag:s8] =	ssyncadd.s32 $0xFFFF8000  }
0x46: {  	[hbm4b:s25+s2] =	stream.linear.scatter [tilespmem:s10], [sflag:$0x3], $0x8000, $0x38;
	[tilespmem:$0x10800] =	vst v63  }
.Ltmp0:
0x47: {  	_ =	swait.ge [sflag:s12], $0x8000;
	(pc) =	sbr.rel @!p0 .LBB2_2-.Ltmp0, $4  }
0x48: {  	[sflag:s12] =	ssyncset.done $0x0  }
0x49: {  	[sflag:s12] =	ssyncadd.s32 $0xFFFF8000  }
0x4a: {  	_ =	swait.ge [sflag:s14], $0x8000  }
0x4b: {  	s26 =	sadd.s32 $0xFFFFFFFF, s26;
	[sflag:s14] =	ssyncset.done $0x0  }
.LBB2_1:
0x4c: {  	p0 =	sne.s32 s26, $0x1;
	s26 =	sadd.s32 $0xFFFFFFFF, s26;
	[sflag:s14] =	ssyncadd.s32 $0xFFFF8000  }
0x4d: {  	[tilespmem:s2], [sflag:$0x4] =	stream.linear.gather [hbm4b:s3+s2], $0x800, $0x38;
	[tilespmem:$0x10800] =	vst v63  }
0x4e: {  	_ =	swait.ge [sflag:s4], $0x800  }
0x4f: {  	[sflag:s4] =	ssyncset.done $0x0  }
0x50: {  	[sflag:s4] =	ssyncadd.s32 $0xFFFFF800  }
0x51: {  	[tilespmem:s7], [sflag:$0x1] =	stream.indirect.gather [hbm4b:s5+s6], $0x80, s2, s6, $0xb8;
	[tilespmem:$0x10800] =	vst v63  }
0x52: {  	_ =	swait.ge [sflag:s8], $0x8000  }
0x53: {  	[sflag:s8] =	ssyncset.done $0x0  }
0x54: {  	[sflag:s8] =	ssyncadd.s32 $0xFFFF8000  }
0x55: {  	[hbm4b:s9+s2] =	stream.linear.scatter [tilespmem:s7], [sflag:$0x2], $0x8000, $0x38;
	[tilespmem:$0x10800] =	vst v63  }
0x56: {  	_ = 	snop  }
0x57: {  	[tilespmem:s10], [sflag:$0x1] =	stream.indirect.gather [hbm4b:s5+s6], $0x80, s6, s6, $0xb8;
	[tilespmem:$0x10800] =	vst v63  }
0x58: {  	_ =	swait.ge [sflag:s8], $0x8000  }
0x59: {  	[sflag:s8] =	ssyncset.done $0x0  }
0x5a: {  	[sflag:s8] =	ssyncadd.s32 $0xFFFF8000  }
0x5b: {  	[hbm4b:s11+s2] =	stream.linear.scatter [tilespmem:s10], [sflag:$0x3], $0x8000, $0x38;
	[tilespmem:$0x10800] =	vst v63  }
0x5c: {  	_ =	swait.ge [sflag:s12], $0x8000  }
0x5d: {  	[sflag:s12] =	ssyncset.done $0x0  }
0x5e: {  	[sflag:s12] =	ssyncadd.s32 $0xFFFF8000  }
0x5f: {  	[tilespmem:s7], [sflag:$0x1] =	stream.indirect.gather [hbm4b:s5+s6], $0x80, s13, s6, $0xb8;
	[tilespmem:$0x10800] =	vst v63  }
0x60: {  	_ =	swait.ge [sflag:s8], $0x8000  }
0x61: {  	[sflag:s8] =	ssyncset.done $0x0  }
0x62: {  	[sflag:s8] =	ssyncadd.s32 $0xFFFF8000  }
0x63: {  	[hbm4b:s15+s2] =	stream.linear.scatter [tilespmem:s7], [sflag:$0x2], $0x8000, $0x38;
	[tilespmem:$0x10800] =	vst v63  }
0x64: {  	_ =	swait.ge [sflag:s14], $0x8000  }
0x65: {  	[sflag:s14] =	ssyncset.done $0x0  }
0x66: {  	[sflag:s14] =	ssyncadd.s32 $0xFFFF8000  }
0x67: {  	[tilespmem:s10], [sflag:$0x1] =	stream.indirect.gather [hbm4b:s5+s6], $0x80, s16, s6, $0xb8;
	[tilespmem:$0x10800] =	vst v63  }
0x68: {  	_ =	swait.ge [sflag:s8], $0x8000  }
0x69: {  	[sflag:s8] =	ssyncset.done $0x0  }
0x6a: {  	[sflag:s8] =	ssyncadd.s32 $0xFFFF8000  }
0x6b: {  	[hbm4b:s17+s2] =	stream.linear.scatter [tilespmem:s10], [sflag:$0x3], $0x8000, $0x38;
	[tilespmem:$0x10800] =	vst v63  }
0x6c: {  	_ =	swait.ge [sflag:s12], $0x8000  }
0x6d: {  	[sflag:s12] =	ssyncset.done $0x0  }
0x6e: {  	[sflag:s12] =	ssyncadd.s32 $0xFFFF8000  }
0x6f: {  	[tilespmem:s7], [sflag:$0x1] =	stream.indirect.gather [hbm4b:s5+s6], $0x80, s18, s6, $0xb8;
	[tilespmem:$0x10800] =	vst v63  }
0x70: {  	_ =	swait.ge [sflag:s8], $0x8000  }
0x71: {  	[sflag:s8] =	ssyncset.done $0x0  }
0x72: {  	[sflag:s8] =	ssyncadd.s32 $0xFFFF8000  }
0x73: {  	[hbm4b:s19+s2] =	stream.linear.scatter [tilespmem:s7], [sflag:$0x2], $0x8000, $0x38;
	[tilespmem:$0x10800] =	vst v63  }
0x74: {  	_ =	swait.ge [sflag:s14], $0x8000  }
0x75: {  	[sflag:s14] =	ssyncset.done $0x0  }
0x76: {  	[sflag:s14] =	ssyncadd.s32 $0xFFFF8000  }
0x77: {  	[tilespmem:s10], [sflag:$0x1] =	stream.indirect.gather [hbm4b:s5+s6], $0x80, s20, s6, $0xb8;
	[tilespmem:$0x10800] =	vst v63  }
0x78: {  	_ =	swait.ge [sflag:s8], $0x8000  }
0x79: {  	[sflag:s8] =	ssyncset.done $0x0  }
0x7a: {  	[sflag:s8] =	ssyncadd.s32 $0xFFFF8000  }
0x7b: {  	[hbm4b:s21+s2] =	stream.linear.scatter [tilespmem:s10], [sflag:$0x3], $0x8000, $0x38;
	[tilespmem:$0x10800] =	vst v63  }
0x7c: {  	_ =	swait.ge [sflag:s12], $0x8000  }
0x7d: {  	[sflag:s12] =	ssyncset.done $0x0  }
0x7e: {  	[sflag:s12] =	ssyncadd.s32 $0xFFFF8000  }
0x7f: {  	[tilespmem:s7], [sflag:$0x1] =	stream.indirect.gather [hbm4b:s5+s6], $0x80, s22, s6, $0xb8;
	[tilespmem:$0x10800] =	vst v63  }
0x80: {  	_ =	swait.ge [sflag:s8], $0x8000  }
0x81: {  	[sflag:s8] =	ssyncset.done $0x0  }
0x82: {  	[sflag:s8] =	ssyncadd.s32 $0xFFFF8000  }
0x83: {  	[hbm4b:s23+s2] =	stream.linear.scatter [tilespmem:s7], [sflag:$0x2], $0x8000, $0x38;
	[tilespmem:$0x10800] =	vst v63  }
0x84: {  	_ =	swait.ge [sflag:s14], $0x8000  }
0x85: {  	[sflag:s14] =	ssyncset.done $0x0  }
0x86: {  	[sflag:s14] =	ssyncadd.s32 $0xFFFF8000  }
0x87: {  	[tilespmem:s10], [sflag:$0x1] =	stream.indirect.gather [hbm4b:s5+s6], $0x80, s24, s6, $0xb8;
	[tilespmem:$0x10800] =	vst v63  }
0x88: {  	_ =	swait.ge [sflag:s8], $0x8000  }
0x89: {  	[sflag:s8] =	ssyncset.done $0x0  }
0x8a: {  	[sflag:s8] =	ssyncadd.s32 $0xFFFF8000  }
0x8b: {  	[hbm4b:s25+s2] =	stream.linear.scatter [tilespmem:s10], [sflag:$0x3], $0x8000, $0x38;
	[tilespmem:$0x10800] =	vst v63  }
.Ltmp1:
0x8c: {  	_ =	swait.ge [sflag:s12], $0x8000;
	(pc) =	sbr.rel @p0 .LBB2_1-.Ltmp1, $4  }
0x8d: {  	[sflag:s12] =	ssyncset.done $0x0  }
0x8e: {  	[sflag:s12] =	ssyncadd.s32 $0xFFFF8000  }
0x8f: {  	_ =	swait.ge [sflag:s14], $0x8000  }
0x90: {  	[sflag:s14] =	ssyncset.done $0x0  }
.LBB2_2:
0x91: {  	[sflag:s14] =	ssyncadd.s32 $0xFFFF8000  }
0x92: {  	_ =	sfence.sel $0x180000  }
0x93: {  	[bflag:$0x0] =	sbarrier.arrive $0xFFFF  }
0x94: {  	p0 =	sne.s32 s0, $0x0;
	_ =	strace $0x9000004A  }
0x95: {  	s0 =	sadd.s32 @!p0 $0x100000, s1;
	[bflag:$0x2] =	sbarrier.arrive $0xFFFF  }
0x96: {  	[sflag:s0] =	ssyncadd.tile.s32 @!p0 $0x1;
	_ =	shalt  }
.Lfunc_end2:
_tile_overlayer_lowered:
.L_overlay_start_2:
0x97: {  	(tag) =	ssettag $0x2  }
0x98: {  	s0 =	rddreg [dreg:$0x0];
	s2 =	stileid.u32  }
0x99: {  	s1 =	rddreg [dreg:$0x1];
	p0 =	sne.s32 s2, $0x0  }
0x9a: {  	s3 =	rddreg [dreg:$0x2];
	[bflag:$0x3] =	sbarrier.arrive $0xFFFF;
	s2 =	simm.s32 @!p0 $0x1C04  }
0x9b: {  	[timem:s3], [sflag:s2] =	dma.local @!p0 [hbm:s0], s1  }
0x9c: {  	s0 =	simm.s32 @!p0 $0x4  }
0x9d: {  	_ =	swait.ge @!p0 [sflag:s0], s1  }
0x9e: {  	s1 =	ssub.s32 @!p0 $0x0, s1;
	[sflag:s0] =	ssyncset.done @!p0 $0x0  }
0x9f: {  	[sflag:s0] =	ssyncadd.s32 @!p0 s1  }
0xa0: {  	[bflag:$0x3] =	sbarrier.arrive $0xFFFF  }
0xa1: {  	_ =	shalt  }

// kernel: kernel.25.cloned.1.call-start
scs
__scs_entry_jumppad:
0x0: {  	(pc) =	sbr.rel $0x88, $3  }
0x1: {  	(tag) =	ssettag $0x0;
	lr =	simm.s32 $0x1  }
0x2: {  	[smem:$0x3F9B] =	sst lr;
	_ =	strace $0xD0000000  }
0x3: {  	_ = 	snop  }
0x4: {  	_ = 	snop  }
0x5: {  	_ = 	snop  }
0x6: {  	_ = 	snop  }
0x7: {  	_ = 	snop  }
__scs_overlays_trampoline_lowered:
0x8: {  	[smem:$0x3FAA] =	sst s0  }
0x9: {  	[smem:$0x3FAB] =	sst s1  }
0xa: {  	[smem:$0x3FAC] =	sst s2  }
0xb: {  	[smem:$0x3FAD] =	sst s3  }
0xc: {  	[smem:$0x3FAE] =	sst s4  }
0xd: {  	[smem:$0x3FAF] =	sst s5  }
0xe: {  	[smem:$0x3FB0] =	sst s6  }
0xf: {  	[smem:$0x3FB1] =	sst s7  }
0x10: {  	[smem:$0x3FB2] =	sst s8  }
0x11: {  	[smem:$0x3FB3] =	sst s9;
	s0 =	simm.s32 @!p0 $0x0  }
0x12: {  	s1 =	sld [smem:$0x3F99];
	s0 =	simm.s32 @p0 $0x1  }
0x13: {  	[smem:$0x3FB4] =	sst s0;
	s0 =	simm.s32 @!p1 $0x0  }
0x14: {  	s2 =	sld [smem:$0x3F98];
	s0 =	simm.s32 @p1 $0x1  }
0x15: {  	[smem:$0x3FB5] =	sst s0;
	s0 =	simm.s32 @!p2 $0x0  }
0x16: {  	s3 =	sld [smem:$0x3FDB];
	s0 =	simm.s32 @p2 $0x1  }
0x17: {  	s4 =	simm.s32 $0x1BF5;
	[smem:$0x3FB7] =	sst s0  }
0x18: {  	s0 =	sld [smem:$0x3F9A];
	_ =	swait.ge [sflag:s4], $0x0  }
0x19: {  	s7 =	sld [smem:$0x3F9B]  }
0x1a: {  	s8 =	sadd.s32 $0xFFFFE003, lr  }
0x1b: {  	s9 =	sadd.s32 $0xFFFFFEF7, lr;
	s5 =	simm.s32 $0xFFFFFFFF;
	p2 =	slt.u32 s8, $0xFFFFF086  }
0x1c: {  	p1 =	slt.u32 s9, $0xF7A;
	s5 =	simm.s32 @!p2 $0x0  }
0x1d: {  	s5 =	simm.s32 @p1 $0x1;
	p0 =	seq.s32 s7, s2  }
0x1e: {  	s7 =	smul.u32 @!p0 $0xF7A, s2;
	p2 =	seq.s32 @!p0 s5, $0x0  }
0x1f: {  	s9 =	smul.u32 $0xF7A, s1;
	s8 =	simm.s32 @!p0 $0x1BF5;
	p2 =	por !p2, p0  }
0x20: {  	[sflag:s8] =	ssyncset.s32 @!p0 $0xFFFFF086;
	s6 =	sadd.s32 @!p0 s3, s7;
	s7 =	simm.s32 @!p0 $0x108  }
0x21: {  	s3 =	sadd.s32 s3, s9;
	s6 =	sadd.s32 @!p0 $0x88, s6;
	s7 =	simm.s32 @p2 $0x1082  }
0x22: {  	[simem:s7], [sflag:s8] =	dma.local @!p0 [hbm:s6], $0xF7A  }
0x23: {  	s9 =	sor.u32 $0xD0000000, s2;
	s6 =	simm.s32 $0x108;
	_ =	swait.ge @!p0 [sflag:s8], $0x0  }
0x24: {  	s3 =	sadd.s32 $0x88, s3;
	s6 =	simm.s32 @!p1 $0x1082;
	[sflag:s4] =	ssyncset.s32 $0xFFFFF086  }
0x25: {  	[simem:s6], [sflag:s4] =	dma.local [hbm:s3], $0xF7A  }
0x26: {  	[smem:$0x3F9B] =	sst s1;
	(tag) =	ssettag s2;
	_ =	strace s9  }
0x27: {  	s1 =	sld [smem:$0x3FAB]  }
0x28: {  	s2 =	sld [smem:$0x3FAC]  }
0x29: {  	s4 =	sld [smem:$0x3FAE]  }
0x2a: {  	p0 =	seq.s32 s5, $0x0;
	s5 =	sld [smem:$0x3FAF]  }
0x2b: {  	s6 =	sld [smem:$0x3FB0]  }
0x2c: {  	s7 =	sld [smem:$0x3FB1]  }
0x2d: {  	s3 =	simm.s32 $0x108;
	s8 =	sld [smem:$0x3FB2]  }
0x2e: {  	s3 =	simm.s32 @!p0 $0x1082;
	s9 =	sld [smem:$0x3FB3]  }
0x2f: {  	lr =	sadd.s32 s0, s3;
	s0 =	sld [smem:$0x3FAA]  }
0x30: {  	s3 =	sld [smem:$0x3FAD]  }
0x31: {  	[smem:$0x3FB6] =	sst s10  }
0x32: {  	s10 =	sld [smem:$0x3FB4];
	_ =	sdelay $0x3  }
0x33: {  	p0 =	seq.s32 s10, $0x1;
	s10 =	sld [smem:$0x3FB6];
	_ =	sdelay $0x3  }
0x34: {  	[smem:$0x3FB6] =	sst s10  }
0x35: {  	s10 =	sld [smem:$0x3FB5];
	_ =	sdelay $0x3  }
0x36: {  	p1 =	seq.s32 s10, $0x1;
	s10 =	sld [smem:$0x3FB6];
	_ =	sdelay $0x3  }
0x37: {  	[smem:$0x3FB6] =	sst s10  }
0x38: {  	s10 =	sld [smem:$0x3FB7]  }
0x39: {  	_ = 	snop;
	(pc) =	sbr.ind lr, $3  }
0x3a: {  	_ = 	snop  }
0x3b: {  	_ = 	snop  }
0x3c: {  	p2 =	seq.s32 s10, $0x1;
	s10 =	sld [smem:$0x3FB6]  }
0x3d: {  	_ =	shalt  }
0x3e: {  	_ =	shalt  }
0x3f: {  	_ =	shalt  }
0x40: {  	_ =	shalt  }
0x41: {  	_ =	shalt  }
0x42: {  	_ =	shalt  }
0x43: {  	_ =	shalt  }
0x44: {  	_ =	shalt  }
0x45: {  	_ =	shalt  }
0x46: {  	_ =	shalt  }
0x47: {  	_ =	shalt  }
0x48: {  	_ =	shalt  }
0x49: {  	_ =	shalt  }
0x4a: {  	_ =	shalt  }
0x4b: {  	_ =	shalt  }
0x4c: {  	_ =	shalt  }
0x4d: {  	_ =	shalt  }
0x4e: {  	_ =	shalt  }
0x4f: {  	_ =	shalt  }
0x50: {  	_ =	shalt  }
0x51: {  	_ =	shalt  }
0x52: {  	_ =	shalt  }
0x53: {  	_ =	shalt  }
0x54: {  	_ =	shalt  }
0x55: {  	_ =	shalt  }
0x56: {  	_ =	shalt  }
0x57: {  	_ =	shalt  }
0x58: {  	_ =	shalt  }
0x59: {  	_ =	shalt  }
0x5a: {  	_ =	shalt  }
0x5b: {  	_ =	shalt  }
0x5c: {  	_ =	shalt  }
0x5d: {  	_ =	shalt  }
0x5e: {  	_ =	shalt  }
0x5f: {  	_ =	shalt  }
0x60: {  	_ =	shalt  }
0x61: {  	_ =	shalt  }
0x62: {  	_ =	shalt  }
0x63: {  	_ =	shalt  }
0x64: {  	_ =	shalt  }
0x65: {  	_ =	shalt  }
0x66: {  	_ =	shalt  }
0x67: {  	_ =	shalt  }
0x68: {  	_ =	shalt  }
0x69: {  	_ =	shalt  }
0x6a: {  	_ =	shalt  }
0x6b: {  	_ =	shalt  }
0x6c: {  	_ =	shalt  }
0x6d: {  	_ =	shalt  }
0x6e: {  	_ =	shalt  }
0x6f: {  	_ =	shalt  }
0x70: {  	_ =	shalt  }
0x71: {  	_ =	shalt  }
0x72: {  	_ =	shalt  }
0x73: {  	_ =	shalt  }
0x74: {  	_ =	shalt  }
0x75: {  	_ =	shalt  }
0x76: {  	_ =	shalt  }
0x77: {  	_ =	shalt  }
0x78: {  	_ =	shalt  }
0x79: {  	_ =	shalt  }
0x7a: {  	_ =	shalt  }
0x7b: {  	_ =	shalt  }
0x7c: {  	_ =	shalt  }
0x7d: {  	_ =	shalt  }
0x7e: {  	_ =	shalt  }
0x7f: {  	_ =	shalt  }
0x80: {  	_ =	shalt  }
0x81: {  	_ =	shalt  }
0x82: {  	_ =	shalt  }
0x83: {  	_ =	shalt  }
0x84: {  	_ =	shalt  }
0x85: {  	_ =	shalt  }
0x86: {  	_ =	shalt  }
0x87: {  	_ =	shalt  }
.Lfunc_end0:
.L_simem_size_0:
called_computation.3_lowered:
.L_overlay_start_0:
0x88: {  	s2 =	sld [smem:$0x3FD9]  }
0x89: {  	s3 =	sld [smem:$0x3FFE];
	_ =	sdelay $0x1  }
0x8a: {  	s1 =	srdreg.scid  }
0x8b: {  	s0 =	sand.u32 $0x1, s1  }
0x8c: {  	s16 =	sshll.u32 s0, $0xA;
	s2 =	sadd.s32 s3, s2  }
0x8d: {  	s2 =	sadd.s32 s2, s16  }
0x8e: {  	[smem:$0x3FC2] =	sst s2  }
0x8f: {  	_ = 	snop  }
0x90: {  	(tm) =	ssettm $0x1  }
0x91: {  	s17 =	sld [smem:$0x3FFB];
	_ =	sdelay $0x3  }
0x92: {  	_ =	strace s17  }
0x93: {  	s2 =	sld [smem:$0x3FFC];
	_ =	sdelay $0x3  }
0x94: {  	_ =	strace s2  }
0x95: {  	s2 =	sld [smem:$0x3FFD];
	_ =	sdelay $0x3  }
0x96: {  	_ =	strace s2  }
0x97: {  	_ =	strace $0x8FFFFFFF  }
0x98: {  	s18 =	sld [smem:$0x3FDB];
	_ =	sdelay $0x1  }
0x99: {  	s19 =	simm.s32 $_scs_section_size  }
0x9a: {  	s4 =	simm.s32 $_size__tile_overlayer_lowered;
	s5 =	simm.s32 $_tile_overlayer_lowered  }
0x9b: {  	s22 =	simm.s32 $0x1BFF;
	s21 =	sshll.u32 s5, $0x1;
	s2 =	sadd.s32 s19, s18  }
0x9c: {  	s6 =	simm.s32 $0x0;
	s20 =	sshll.u32 s4, $0x1;
	s4 =	sadd.s32 s21, s2  }
0x9d: {  	[timem:s6], [sflag:s22] =	dma.local [hbm:s4], s20  }
0x9e: {  	_ =	swait.ge [sflag:s22], s20  }
0x9f: {  	s3 =	ssub.s32 $0x0, s20;
	[sflag:s22] =	ssyncset.done $0x0  }
0xa0: {  	[sflag:s22] =	ssyncadd.s32 s3;
	_ =	sdelay $0x1  }
0xa1: {  	s23 =	simm.s32 $0x1B8B  }
0xa2: {  	_ =	swait.ge [sflag:s23], $0x1  }
0xa3: {  	[sflag:s23] =	ssyncset.done $0x0  }
0xa4: {  	s25 =	simm.s32 $0x1B8E;
	s24 =	sld [smem:$0x3FFE];
	[sflag:s23] =	ssyncadd.s32 $0xFFFFFFFF  }
0xa5: {  	s26 =	simm.s32 $execute0_lowered;
	[smem:$0x3FD2] =	sst s25  }
0xa6: {  	s4 =	sshll.u32 s26, $0x1;
	_ =	strace $0x80000046;
	[dreg:$0x1] =	wrdreg $0xFFFFFFFF  }
0xa7: {  	s28 =	simm.s32 $_size_execute0_lowered;
	s2 =	sadd.s32 s2, s4;
	[dreg:$0x0] =	wrdreg $0x0  }
0xa8: {  	s4 =	sshll.u32 s28, $0x1;
	[dreg:$0x2] =	wrdreg s2  }
0xa9: {  	[dreg:$0x3] =	wrdreg s4  }
0xaa: {  	[dreg:$0x4] =	wrdreg $0xC0  }
0xab: {  	_ =	task [dreg:s6], $0x5FFFF  }
0xac: {  	[dreg:$0x1] =	wrdreg $0xFFFFFFFF  }
0xad: {  	[dreg:$0x0] =	wrdreg $0x60  }
0xae: {  	[dreg:$0x2] =	wrdreg s24  }
0xaf: {  	[dreg:$0x3] =	wrdreg $0xC  }
0xb0: {  	_ =	task.clear_ibuf [dreg:s6], $0x4FFFF;
	_ =	strace $0x90000046  }
0xb1: {  	s29 =	simm.s32 $0xC;
	_ =	strace $0x80000048  }
0xb2: {  	_ =	swait.ge [sflag:s29], $0x1  }
0xb3: {  	[sflag:s29] =	ssyncadd.s32 $0xFFFFFFFF  }
0xb4: {  	_ =	strace $0x90000048  }
0xb5: {  	_ =	sfence  }
0xb6: {  	s30 =	sld [smem:$0x0];
	_ =	sdelay $0x2  }
0xb7: {  	s31 =	sshll.u32 s1, $0xD;
	s1 =	sshrl.u32 s1, $0x2  }
0xb8: {  	s3 =	sand.u32 $0x4000, s31;
	s1 =	sadd.s32 s1, s30  }
0xb9: {  	s0 =	sor.u32 s3, s0;
	s1 =	sshll.u32 s1, $0x11  }
0xba: {  	s0 =	sor.u32 s1, s0  }
0xbb: {  	s0 =	sadd.s32 $0x8F2B, s0  }
0xbc: {  	[sflag:s0] =	ssyncadd.remote.s32 $0x1  }
0xbd: {  	_ =	sfence.sel $0xFFFF  }
0xbe: {  	[dreg:$0x0] =	wrdreg $0xFFFFFFFF;
	(pc) =	sbr.abs _section_cstart, $3  }
0xbf: {  	[dreg:$0x1] =	wrdreg $0xFFFFFFFF  }
0xc0: {  	_ =	task.clear_ibuf [dreg:s6], $0x2FFFF;
	_ =	strace $0x9FFFFFFF  }
0xc1: {  	(tm) =	ssettm $0x7FFFFFFF  }
tec
execute0_lowered:
.L_overlay_start_1:
0x0: {  	(tag) =	ssettag $0x1  }
0x1: {  	s1 =	srdreg.scid  }
0x2: {  	s0 =	stileid.u32;
	s25 =	sand.u32 $0x1, s1  }
0x3: {  	s30 =	sshll.u32 s0, $0xC;
	s2 =	sshll.u32 s25, $0xB  }
0x4: {  	s10 =	sor.u32 s2, s30  }
0x5: {  	s9 =	rddreg [dreg:$0x0];
	s2 =	simm.s32 $0x0;
	s3 =	sshrl.u32 s10, $0x3  }
0x6: {  	s4 =	simm.s32 $0x4;
	[smem:$0x7FF] =	sst s2;
	s3 =	sadd.s32 s3, s9  }
0x7: {  	s1 =	rddreg [dreg:$0x1];
	_ =	strace $0x80000047;
	s3 =	sadd.s32 $0x2C00, s3  }
0x8: {  	[tilespmem:s2], [sflag:$0x4] =	stream.linear.gather [hbm4b:s3+s2], $0x800, $0x38;
	[tilespmem:$0x10800] =	vst v63  }
0x9: {  	_ =	swait.ge [sflag:s4], $0x800  }
0xa: {  	s6 =	simm.s32 $0x100;
	s7 =	simm.s32 $0x800;
	[sflag:s4] =	ssyncset.done $0x0  }
0xb: {  	s8 =	simm.s32 $0x1;
	s5 =	sadd.s32 $0x4C00, s9;
	[sflag:s4] =	ssyncadd.s32 $0xFFFFF800  }
0xc: {  	[tilespmem:s7], [sflag:$0x1] =	stream.indirect.gather [hbm4b:s5+s6], $0x80, s2, s6, $0xb8;
	[tilespmem:$0x10800] =	vst v63  }
0xd: {  	s10 =	sshll.u32 s10, $0x4;
	_ =	swait.ge [sflag:s8], $0x8000  }
0xe: {  	s26 =	sadd.s32 s10, s9;
	[sflag:s8] =	ssyncset.done $0x0  }
0xf: {  	s9 =	sadd.s32 $0x44C00, s26;
	[sflag:s8] =	ssyncadd.s32 $0xFFFF8000  }
0x10: {  	[hbm4b:s9+s2] =	stream.linear.scatter [tilespmem:s7], [sflag:$0x2], $0x8000, $0x38;
	[tilespmem:$0x10800] =	vst v63  }
0x11: {  	s10 =	simm.s32 $0x8800  }
0x12: {  	[tilespmem:s10], [sflag:$0x1] =	stream.indirect.gather [hbm4b:s5+s6], $0x80, s6, s6, $0xb8;
	[tilespmem:$0x10800] =	vst v63  }
0x13: {  	_ =	swait.ge [sflag:s8], $0x8000  }
0x14: {  	[sflag:s8] =	ssyncset.done $0x0  }
0x15: {  	s12 =	simm.s32 $0x2;
	s11 =	sadd.s32 $0x45C00, s26;
	[sflag:s8] =	ssyncadd.s32 $0xFFFF8000  }
0x16: {  	[hbm4b:s11+s2] =	stream.linear.scatter [tilespmem:s10], [sflag:$0x3], $0x8000, $0x38;
	[tilespmem:$0x10800] =	vst v63  }
0x17: {  	_ =	swait.ge [sflag:s12], $0x8000  }
0x18: {  	[sflag:s12] =	ssyncset.done $0x0  }
0x19: {  	s13 =	simm.s32 $0x200;
	[sflag:s12] =	ssyncadd.s32 $0xFFFF8000  }
0x1a: {  	[tilespmem:s7], [sflag:$0x1] =	stream.indirect.gather [hbm4b:s5+s6], $0x80, s13, s6, $0xb8;
	[tilespmem:$0x10800] =	vst v63  }
0x1b: {  	_ =	swait.ge [sflag:s8], $0x8000  }
0x1c: {  	[sflag:s8] =	ssyncset.done $0x0  }
0x1d: {  	s14 =	simm.s32 $0x3;
	s15 =	sadd.s32 $0x46C00, s26;
	[sflag:s8] =	ssyncadd.s32 $0xFFFF8000  }
0x1e: {  	[hbm4b:s15+s2] =	stream.linear.scatter [tilespmem:s7], [sflag:$0x2], $0x8000, $0x38;
	[tilespmem:$0x10800] =	vst v63  }
0x1f: {  	_ =	swait.ge [sflag:s14], $0x8000  }
0x20: {  	[sflag:s14] =	ssyncset.done $0x0  }
0x21: {  	s16 =	simm.s32 $0x300;
	[sflag:s14] =	ssyncadd.s32 $0xFFFF8000  }
0x22: {  	[tilespmem:s10], [sflag:$0x1] =	stream.indirect.gather [hbm4b:s5+s6], $0x80, s16, s6, $0xb8;
	[tilespmem:$0x10800] =	vst v63  }
0x23: {  	_ =	swait.ge [sflag:s8], $0x8000  }
0x24: {  	[sflag:s8] =	ssyncset.done $0x0  }
0x25: {  	s17 =	sadd.s32 $0x47C00, s26;
	[sflag:s8] =	ssyncadd.s32 $0xFFFF8000  }
0x26: {  	[hbm4b:s17+s2] =	stream.linear.scatter [tilespmem:s10], [sflag:$0x3], $0x8000, $0x38;
	[tilespmem:$0x10800] =	vst v63  }
0x27: {  	_ =	swait.ge [sflag:s12], $0x8000  }
0x28: {  	[sflag:s12] =	ssyncset.done $0x0  }
0x29: {  	s18 =	simm.s32 $0x400;
	[sflag:s12] =	ssyncadd.s32 $0xFFFF8000  }
0x2a: {  	[tilespmem:s7], [sflag:$0x1] =	stream.indirect.gather [hbm4b:s5+s6], $0x80, s18, s6, $0xb8;
	[tilespmem:$0x10800] =	vst v63  }
0x2b: {  	_ =	swait.ge [sflag:s8], $0x8000  }
0x2c: {  	[sflag:s8] =	ssyncset.done $0x0  }
0x2d: {  	s19 =	sadd.s32 $0x48C00, s26;
	[sflag:s8] =	ssyncadd.s32 $0xFFFF8000  }
0x2e: {  	[hbm4b:s19+s2] =	stream.linear.scatter [tilespmem:s7], [sflag:$0x2], $0x8000, $0x38;
	[tilespmem:$0x10800] =	vst v63  }
0x2f: {  	_ =	swait.ge [sflag:s14], $0x8000  }
0x30: {  	[sflag:s14] =	ssyncset.done $0x0  }
0x31: {  	s20 =	simm.s32 $0x500;
	[sflag:s14] =	ssyncadd.s32 $0xFFFF8000  }
0x32: {  	[tilespmem:s10], [sflag:$0x1] =	stream.indirect.gather [hbm4b:s5+s6], $0x80, s20, s6, $0xb8;
	[tilespmem:$0x10800] =	vst v63  }
0x33: {  	_ =	swait.ge [sflag:s8], $0x8000  }
0x34: {  	[sflag:s8] =	ssyncset.done $0x0  }
0x35: {  	s21 =	sadd.s32 $0x49C00, s26;
	[sflag:s8] =	ssyncadd.s32 $0xFFFF8000  }
0x36: {  	[hbm4b:s21+s2] =	stream.linear.scatter [tilespmem:s10], [sflag:$0x3], $0x8000, $0x38;
	[tilespmem:$0x10800] =	vst v63  }
0x37: {  	_ =	swait.ge [sflag:s12], $0x8000  }
0x38: {  	[sflag:s12] =	ssyncset.done $0x0  }
0x39: {  	s22 =	simm.s32 $0x600;
	[sflag:s12] =	ssyncadd.s32 $0xFFFF8000  }
0x3a: {  	[tilespmem:s7], [sflag:$0x1] =	stream.indirect.gather [hbm4b:s5+s6], $0x80, s22, s6, $0xb8;
	[tilespmem:$0x10800] =	vst v63  }
0x3b: {  	_ =	swait.ge [sflag:s8], $0x8000  }
0x3c: {  	[sflag:s8] =	ssyncset.done $0x0  }
0x3d: {  	s23 =	sadd.s32 $0x4AC00, s26;
	[sflag:s8] =	ssyncadd.s32 $0xFFFF8000  }
0x3e: {  	[hbm4b:s23+s2] =	stream.linear.scatter [tilespmem:s7], [sflag:$0x2], $0x8000, $0x38;
	[tilespmem:$0x10800] =	vst v63  }
0x3f: {  	_ =	swait.ge [sflag:s14], $0x8000  }
0x40: {  	s28 =	ssub.s32 $0x2, s25;
	[sflag:s14] =	ssyncset.done $0x0  }
0x41: {  	s24 =	simm.s32 $0x700;
	s31 =	sshrl.u32 s28, $0x1;
	[sflag:s14] =	ssyncadd.s32 $0xFFFF8000  }
0x42: {  	[tilespmem:s10], [sflag:$0x1] =	stream.indirect.gather [hbm4b:s5+s6], $0x80, s24, s6, $0xb8;
	[tilespmem:$0x10800] =	vst v63  }
0x43: {  	s25 =	sadd.s32 $0x4BC00, s26;
	s26 =	ssub.s32 s28, s31;
	_ =	swait.ge [sflag:s8], $0x8000  }
0x44: {  	s26 =	smax.u32 s26, $0x1;
	[sflag:s8] =	ssyncset.done $0x0  }
0x45: {  	p0 =	sne.s32 s26, $0x1;
	[sflag:s8] =	ssyncadd.s32 $0xFFFF8000  }
0x46: {  	[hbm4b:s25+s2] =	stream.linear.scatter [tilespmem:s10], [sflag:$0x3], $0x8000, $0x38;
	[tilespmem:$0x10800] =	vst v63  }
.Ltmp0:
0x47: {  	_ =	swait.ge [sflag:s12], $0x8000;
	(pc) =	sbr.rel @!p0 .LBB2_2-.Ltmp0, $4  }
0x48: {  	[sflag:s12] =	ssyncset.done $0x0  }
0x49: {  	[sflag:s12] =	ssyncadd.s32 $0xFFFF8000  }
0x4a: {  	_ =	swait.ge [sflag:s14], $0x8000  }
0x4b: {  	s26 =	sadd.s32 $0xFFFFFFFF, s26;
	[sflag:s14] =	ssyncset.done $0x0  }
.LBB2_1:
0x4c: {  	p0 =	sne.s32 s26, $0x1;
	s26 =	sadd.s32 $0xFFFFFFFF, s26;
	[sflag:s14] =	ssyncadd.s32 $0xFFFF8000  }
0x4d: {  	[tilespmem:s2], [sflag:$0x4] =	stream.linear.gather [hbm4b:s3+s2], $0x800, $0x38;
	[tilespmem:$0x10800] =	vst v63  }
0x4e: {  	_ =	swait.ge [sflag:s4], $0x800  }
0x4f: {  	[sflag:s4] =	ssyncset.done $0x0  }
0x50: {  	[sflag:s4] =	ssyncadd.s32 $0xFFFFF800  }
0x51: {  	[tilespmem:s7], [sflag:$0x1] =	stream.indirect.gather [hbm4b:s5+s6], $0x80, s2, s6, $0xb8;
	[tilespmem:$0x10800] =	vst v63  }
0x52: {  	_ =	swait.ge [sflag:s8], $0x8000  }
0x53: {  	[sflag:s8] =	ssyncset.done $0x0  }
0x54: {  	[sflag:s8] =	ssyncadd.s32 $0xFFFF8000  }
0x55: {  	[hbm4b:s9+s2] =	stream.linear.scatter [tilespmem:s7], [sflag:$0x2], $0x8000, $0x38;
	[tilespmem:$0x10800] =	vst v63  }
0x56: {  	_ = 	snop  }
0x57: {  	[tilespmem:s10], [sflag:$0x1] =	stream.indirect.gather [hbm4b:s5+s6], $0x80, s6, s6, $0xb8;
	[tilespmem:$0x10800] =	vst v63  }
0x58: {  	_ =	swait.ge [sflag:s8], $0x8000  }
0x59: {  	[sflag:s8] =	ssyncset.done $0x0  }
0x5a: {  	[sflag:s8] =	ssyncadd.s32 $0xFFFF8000  }
0x5b: {  	[hbm4b:s11+s2] =	stream.linear.scatter [tilespmem:s10], [sflag:$0x3], $0x8000, $0x38;
	[tilespmem:$0x10800] =	vst v63  }
0x5c: {  	_ =	swait.ge [sflag:s12], $0x8000  }
0x5d: {  	[sflag:s12] =	ssyncset.done $0x0  }
0x5e: {  	[sflag:s12] =	ssyncadd.s32 $0xFFFF8000  }
0x5f: {  	[tilespmem:s7], [sflag:$0x1] =	stream.indirect.gather [hbm4b:s5+s6], $0x80, s13, s6, $0xb8;
	[tilespmem:$0x10800] =	vst v63  }
0x60: {  	_ =	swait.ge [sflag:s8], $0x8000  }
0x61: {  	[sflag:s8] =	ssyncset.done $0x0  }
0x62: {  	[sflag:s8] =	ssyncadd.s32 $0xFFFF8000  }
0x63: {  	[hbm4b:s15+s2] =	stream.linear.scatter [tilespmem:s7], [sflag:$0x2], $0x8000, $0x38;
	[tilespmem:$0x10800] =	vst v63  }
0x64: {  	_ =	swait.ge [sflag:s14], $0x8000  }
0x65: {  	[sflag:s14] =	ssyncset.done $0x0  }
0x66: {  	[sflag:s14] =	ssyncadd.s32 $0xFFFF8000  }
0x67: {  	[tilespmem:s10], [sflag:$0x1] =	stream.indirect.gather [hbm4b:s5+s6], $0x80, s16, s6, $0xb8;
	[tilespmem:$0x10800] =	vst v63  }
0x68: {  	_ =	swait.ge [sflag:s8], $0x8000  }
0x69: {  	[sflag:s8] =	ssyncset.done $0x0  }
0x6a: {  	[sflag:s8] =	ssyncadd.s32 $0xFFFF8000  }
0x6b: {  	[hbm4b:s17+s2] =	stream.linear.scatter [tilespmem:s10], [sflag:$0x3], $0x8000, $0x38;
	[tilespmem:$0x10800] =	vst v63  }
0x6c: {  	_ =	swait.ge [sflag:s12], $0x8000  }
0x6d: {  	[sflag:s12] =	ssyncset.done $0x0  }
0x6e: {  	[sflag:s12] =	ssyncadd.s32 $0xFFFF8000  }
0x6f: {  	[tilespmem:s7], [sflag:$0x1] =	stream.indirect.gather [hbm4b:s5+s6], $0x80, s18, s6, $0xb8;
	[tilespmem:$0x10800] =	vst v63  }
0x70: {  	_ =	swait.ge [sflag:s8], $0x8000  }
0x71: {  	[sflag:s8] =	ssyncset.done $0x0  }
0x72: {  	[sflag:s8] =	ssyncadd.s32 $0xFFFF8000  }
0x73: {  	[hbm4b:s19+s2] =	stream.linear.scatter [tilespmem:s7], [sflag:$0x2], $0x8000, $0x38;
	[tilespmem:$0x10800] =	vst v63  }
0x74: {  	_ =	swait.ge [sflag:s14], $0x8000  }
0x75: {  	[sflag:s14] =	ssyncset.done $0x0  }
0x76: {  	[sflag:s14] =	ssyncadd.s32 $0xFFFF8000  }
0x77: {  	[tilespmem:s10], [sflag:$0x1] =	stream.indirect.gather [hbm4b:s5+s6], $0x80, s20, s6, $0xb8;
	[tilespmem:$0x10800] =	vst v63  }
0x78: {  	_ =	swait.ge [sflag:s8], $0x8000  }
0x79: {  	[sflag:s8] =	ssyncset.done $0x0  }
0x7a: {  	[sflag:s8] =	ssyncadd.s32 $0xFFFF8000  }
0x7b: {  	[hbm4b:s21+s2] =	stream.linear.scatter [tilespmem:s10], [sflag:$0x3], $0x8000, $0x38;
	[tilespmem:$0x10800] =	vst v63  }
0x7c: {  	_ =	swait.ge [sflag:s12], $0x8000  }
0x7d: {  	[sflag:s12] =	ssyncset.done $0x0  }
0x7e: {  	[sflag:s12] =	ssyncadd.s32 $0xFFFF8000  }
0x7f: {  	[tilespmem:s7], [sflag:$0x1] =	stream.indirect.gather [hbm4b:s5+s6], $0x80, s22, s6, $0xb8;
	[tilespmem:$0x10800] =	vst v63  }
0x80: {  	_ =	swait.ge [sflag:s8], $0x8000  }
0x81: {  	[sflag:s8] =	ssyncset.done $0x0  }
0x82: {  	[sflag:s8] =	ssyncadd.s32 $0xFFFF8000  }
0x83: {  	[hbm4b:s23+s2] =	stream.linear.scatter [tilespmem:s7], [sflag:$0x2], $0x8000, $0x38;
	[tilespmem:$0x10800] =	vst v63  }
0x84: {  	_ =	swait.ge [sflag:s14], $0x8000  }
0x85: {  	[sflag:s14] =	ssyncset.done $0x0  }
0x86: {  	[sflag:s14] =	ssyncadd.s32 $0xFFFF8000  }
0x87: {  	[tilespmem:s10], [sflag:$0x1] =	stream.indirect.gather [hbm4b:s5+s6], $0x80, s24, s6, $0xb8;
	[tilespmem:$0x10800] =	vst v63  }
0x88: {  	_ =	swait.ge [sflag:s8], $0x8000  }
0x89: {  	[sflag:s8] =	ssyncset.done $0x0  }
0x8a: {  	[sflag:s8] =	ssyncadd.s32 $0xFFFF8000  }
0x8b: {  	[hbm4b:s25+s2] =	stream.linear.scatter [tilespmem:s10], [sflag:$0x3], $0x8000, $0x38;
	[tilespmem:$0x10800] =	vst v63  }
.Ltmp1:
0x8c: {  	_ =	swait.ge [sflag:s12], $0x8000;
	(pc) =	sbr.rel @p0 .LBB2_1-.Ltmp1, $4  }
0x8d: {  	[sflag:s12] =	ssyncset.done $0x0  }
0x8e: {  	[sflag:s12] =	ssyncadd.s32 $0xFFFF8000  }
0x8f: {  	_ =	swait.ge [sflag:s14], $0x8000  }
0x90: {  	[sflag:s14] =	ssyncset.done $0x0  }
.LBB2_2:
0x91: {  	[sflag:s14] =	ssyncadd.s32 $0xFFFF8000  }
0x92: {  	_ =	sfence.sel $0x180000  }
0x93: {  	[bflag:$0x0] =	sbarrier.arrive $0xFFFF  }
0x94: {  	p0 =	sne.s32 s0, $0x0;
	_ =	strace $0x90000047  }
0x95: {  	s0 =	sadd.s32 @!p0 $0x100000, s1;
	[bflag:$0x2] =	sbarrier.arrive $0xFFFF  }
0x96: {  	[sflag:s0] =	ssyncadd.tile.s32 @!p0 $0x1;
	_ =	shalt  }
.Lfunc_end2:
_tile_overlayer_lowered:
.L_overlay_start_2:
0x97: {  	(tag) =	ssettag $0x2  }
0x98: {  	s0 =	rddreg [dreg:$0x0];
	s2 =	stileid.u32  }
0x99: {  	s1 =	rddreg [dreg:$0x1];
	p0 =	sne.s32 s2, $0x0  }
0x9a: {  	s3 =	rddreg [dreg:$0x2];
	[bflag:$0x3] =	sbarrier.arrive $0xFFFF;
	s2 =	simm.s32 @!p0 $0x1C04  }
0x9b: {  	[timem:s3], [sflag:s2] =	dma.local @!p0 [hbm:s0], s1  }
0x9c: {  	s0 =	simm.s32 @!p0 $0x4  }
0x9d: {  	_ =	swait.ge @!p0 [sflag:s0], s1  }
0x9e: {  	s1 =	ssub.s32 @!p0 $0x0, s1;
	[sflag:s0] =	ssyncset.done @!p0 $0x0  }
0x9f: {  	[sflag:s0] =	ssyncadd.s32 @!p0 s1  }
0xa0: {  	[bflag:$0x3] =	sbarrier.arrive $0xFFFF  }
0xa1: {  	_ =	shalt  }

</sc_bundles>
